<compile_context>
chip_gen: v7x
topology: tpu7x:2x2x1
jax: 0.10.2.dev20260603
libtpu: 0.0.44.dev20260713+nightly
codegen_flags: <defaults>
</compile_context>

<pallas_src>
import functools

import jax
import jax.numpy as jnp
from jax import lax
from jax.experimental import pallas as pl
from jax.experimental.pallas import tpu as pltpu
from jax.experimental.pallas import tpu_sc as plsc

N_NODES = 10000
N_EDGES = 320000
D = 128

NC = 2
NS = 16
NW = NC * NS
EPT = N_EDGES // NW
C = 80
NCH = EPT // C
G = 25
NG = NCH // G
RPT = 624
VL = 16

_mesh = plsc.VectorSubcoreMesh(core_axis_name="c", subcore_axis_name="s")


@functools.partial(
    pl.kernel,
    mesh=_mesh,
    out_type=jax.ShapeDtypeStruct((NC, N_NODES, D), jnp.float32),
    scratch_types=[
        pltpu.VMEM((G, C), jnp.int32),
        pltpu.VMEM((G, C), jnp.int32),
        pltpu.VMEM((2, C, D), jnp.float32),
        pltpu.VMEM((2, C // 2, D), jnp.float32),
        pltpu.VMEM_SHARED((N_NODES, D), jnp.float32),
        pltpu.SemaphoreType.DMA,
        pltpu.SemaphoreType.DMA,
        pltpu.SemaphoreType.DMA,
        pltpu.SemaphoreType.DMA,
        pltpu.SemaphoreType.DMA,
        pltpu.SemaphoreType.DMA,
    ],
)
def _gine_scatter(nodes_hbm, src_hbm, dst_hbm, edges_hbm, out_hbm,
                  src_v, dst_v, rows_v, edg_v, acc,
                  gsem0, gsem1, esem0, esem1, ssem0, ssem1):
    cid = lax.axis_index("c")
    sid = lax.axis_index("s")
    wid = sid * NC + cid
    gsem = (gsem0, gsem1)
    esem = (esem0, esem1)
    ssem = (ssem0, ssem1)
    CH = C // 2

    def _zero(i, _):
        for h in range(D // VL):
            rows_v[0, i, pl.ds(h * VL, VL)] = jnp.zeros((VL,), jnp.float32)
        return 0

    lax.fori_loop(0, C, _zero, 0)
    full = RPT // C
    rem = RPT - full * C
    tail = N_NODES - NS * RPT
    base = sid * RPT
    for k in range(full):
        pltpu.sync_copy(rows_v.at[0], acc.at[pl.ds(base + k * C, C)])
    if rem:
        pltpu.sync_copy(rows_v.at[0, pl.ds(0, rem)],
                        acc.at[pl.ds(base + full * C, rem)])

    @pl.when(sid == NS - 1)
    def _zero_tail():
        pltpu.sync_copy(rows_v.at[0, pl.ds(0, tail)],
                        acc.at[pl.ds(NS * RPT, tail)])

    plsc.subcore_barrier()

    ebase = wid * EPT

    def _gather_desc(g, j, b):
        return pltpu.make_async_copy(
            nodes_hbm.at[src_v.at[j]], rows_v.at[b], gsem[b])

    def _edge_desc(g, j, h):
        return pltpu.make_async_copy(
            edges_hbm.at[pl.ds(ebase + (g * G + j) * C + h * CH, CH)],
            edg_v.at[h], esem[h])

    def _scat_desc(j, b):
        return pltpu.make_async_copy(rows_v.at[b], acc.at[dst_v.at[j]],
                                     ssem[b])

    def _compute(b, h):
        def _body(i, _):
            for k in range(D // VL):
                s = pl.ds(k * VL, VL)
                rows_v[b, h * CH + i, s] = jnp.maximum(
                    rows_v[b, h * CH + i, s] + edg_v[h, i, s], 0.0)
            return 0

        lax.fori_loop(0, CH, _body, 0)

    def _group(g, _):
        pltpu.sync_copy(src_hbm.at[wid, g], src_v)
        pltpu.sync_copy(dst_hbm.at[wid, g], dst_v)
        _gather_desc(g, 0, 0).start()
        _edge_desc(g, 0, 0).start()
        _edge_desc(g, 0, 1).start()

        def _pair(i, _):
            j0 = 2 * i
            _gather_desc(g, j0, 0).wait()

            @pl.when(i > 0)
            def _():
                _scat_desc(j0 - 1, 1).wait()

            _gather_desc(g, j0 + 1, 1).start()
            _edge_desc(g, j0, 0).wait()
            _compute(0, 0)
            _edge_desc(g, j0 + 1, 0).start()
            _edge_desc(g, j0, 1).wait()
            _compute(0, 1)
            _edge_desc(g, j0 + 1, 1).start()
            _scat_desc(j0, 0).start(add=True)
            _gather_desc(g, j0 + 1, 1).wait()
            _scat_desc(j0, 0).wait()

            @pl.when(i < G // 2 - 1)
            def _():
                _gather_desc(g, j0 + 2, 0).start()

            _edge_desc(g, j0 + 1, 0).wait()
            _compute(1, 0)

            @pl.when(i < G // 2 - 1)
            def _():
                _edge_desc(g, j0 + 2, 0).start()

            _edge_desc(g, j0 + 1, 1).wait()
            _compute(1, 1)

            @pl.when(i < G // 2 - 1)
            def _():
                _edge_desc(g, j0 + 2, 1).start()

            _scat_desc(j0 + 1, 1).start(add=True)
            return 0

        lax.fori_loop(0, G // 2, _pair, 0)
        _gather_desc(g, G - 1, 0).start()
        _edge_desc(g, G - 1, 0).start()
        _edge_desc(g, G - 1, 1).start()
        _scat_desc(G - 2, 1).wait()
        _gather_desc(g, G - 1, 0).wait()
        _edge_desc(g, G - 1, 0).wait()
        _compute(0, 0)
        _edge_desc(g, G - 1, 1).wait()
        _compute(0, 1)
        _scat_desc(G - 1, 0).start(add=True)
        _scat_desc(G - 1, 0).wait()
        return 0

    lax.fori_loop(0, NG, _group, 0)

    plsc.subcore_barrier()
    pltpu.sync_copy(acc.at[pl.ds(base, RPT)], out_hbm.at[cid, pl.ds(base, RPT)])

    @pl.when(sid == NS - 1)
    def _write_tail():
        pltpu.sync_copy(acc.at[pl.ds(NS * RPT, tail)],
                        out_hbm.at[cid, pl.ds(NS * RPT, tail)])


def _combine_body(scale_ref, n_ref, a_ref, b_ref, o_ref):
    o_ref[...] = scale_ref[0] * n_ref[...] + a_ref[0] + b_ref[0]


_GRID = 10
_combine = pl.pallas_call(
    _combine_body,
    grid=(_GRID,),
    in_specs=[
        pl.BlockSpec(memory_space=pltpu.SMEM),
        pl.BlockSpec((N_NODES // _GRID, D), lambda i: (i, 0)),
        pl.BlockSpec((1, N_NODES // _GRID, D), lambda i: (0, i, 0)),
        pl.BlockSpec((1, N_NODES // _GRID, D), lambda i: (1, i, 0)),
    ],
    out_specs=pl.BlockSpec((N_NODES // _GRID, D), lambda i: (i, 0)),
    out_shape=jax.ShapeDtypeStruct((N_NODES, D), jnp.float32),
)


def kernel(nodes, edge_index, edges, eps):
    ei = edge_index.astype(jnp.int32)
    src = ei[1].reshape(NW, NG, G, C)
    dst = ei[0].reshape(NW, NG, G, C)
    partials = _gine_scatter(nodes, src, dst, edges)
    scale = (1.0 + eps).astype(jnp.float32).reshape(1)
    return _combine(scale, nodes, partials, partials)

# --- scband reference (transcript-rebuilt; emitter-appended) ---
"""Pipeline reference for scband-gine-24953759989867 (READ-ONLY COPY).

The authoritative reference and input builder live on the scoring server;
editing this copy changes nothing except your own understanding.
"""

import jax, jax.numpy as jnp
import numpy as np

N_NODES = 10000
N_EDGES = 320000
D_FEAT = 128

def setup_inputs(seed: int = 0) -> dict:
    key = jax.random.key(seed)
    k1, k2, k3 = jax.random.split(key, 3)
    nodes = jax.random.normal(k1, (N_NODES, D_FEAT), dtype=jnp.float32)
    edge_index = jax.random.randint(k2, (2, N_EDGES), 0, N_NODES, dtype=jnp.int64)
    edges = jax.random.normal(k3, (N_EDGES, D_FEAT), dtype=jnp.float32)
    # learned epsilon weight (initializer='zeros', trainable=False here but still a parameter)
    eps = jnp.zeros((), dtype=jnp.float32)
    return {"nodes": nodes, "edge_index": edge_index, "edges": edges, "eps": eps}

def reference(nodes, edge_index, edges, eps):
    # GatherNodesOutgoing: gather sending nodes j at edge_index[1]
    src = edge_index[1]
    dst = edge_index[0]
    ed = jnp.take(nodes, src, axis=0)
    # Add edge embeddings, apply activation phi (relu)
    ed = jax.nn.relu(ed + edges)
    # AggregateLocalEdges with scatter_sum: pool edge messages to receiver nodes (edge_index[0])
    nu = jax.ops.segment_sum(ed, dst, num_segments=nodes.shape[0])
    # (1 + eps) * h_i + sum_j phi(h_j + e_ij)
    no = (jnp.asarray(1.0, dtype=eps.dtype) + eps) * nodes
    out = no + nu
    return out

if __name__ == "__main__":
    import jax
    _d = setup_inputs()
    print(jax.jit(kernel)(*tuple(_d.values())))

</pallas_src>

<mosaic_0001>
#map = affine_map<(d0, d1) -> (0, 0)>
#map1 = affine_map<(d0, d1) -> (0, 0, 0, 0)>
#map2 = affine_map<(d0, d1) -> (0, 0, 0)>
module attributes {stable_mosaic.version = 14 : i64} {
  func.func @_gine_scatter(%arg0: i32, %arg1: i32, %arg2: memref<10000x128xf32, #tpu.memory_space<hbm>>, %arg3: memref<32x5x25x80xi32, #tpu.memory_space<hbm>>, %arg4: memref<32x5x25x80xi32, #tpu.memory_space<hbm>>, %arg5: memref<320000x128xf32, #tpu.memory_space<hbm>>, %arg6: memref<2x10000x128xf32, #tpu.memory_space<hbm>>, %arg7: memref<25x80xi32, #tpu.memory_space<vmem>>, %arg8: memref<25x80xi32, #tpu.memory_space<vmem>>, %arg9: memref<2x80x128xf32, #tpu.memory_space<vmem>>, %arg10: memref<2x40x128xf32, #tpu.memory_space<vmem>>, %arg11: memref<10000x128xf32, #tpu.memory_space<vmem_shared>>, %arg12: memref<!tpu.dma_semaphore, #tpu.memory_space<semaphore_mem>>, %arg13: memref<!tpu.dma_semaphore, #tpu.memory_space<semaphore_mem>>, %arg14: memref<!tpu.dma_semaphore, #tpu.memory_space<semaphore_mem>>, %arg15: memref<!tpu.dma_semaphore, #tpu.memory_space<semaphore_mem>>, %arg16: memref<!tpu.dma_semaphore, #tpu.memory_space<semaphore_mem>>, %arg17: memref<!tpu.dma_semaphore, #tpu.memory_space<semaphore_mem>>) attributes {dimension_semantics = [#tpu.dimension_semantics<core_parallel>, #tpu.dimension_semantics<subcore_parallel>], iteration_bounds = array<i64: 2, 16>, scalar_prefetch = 0 : i64, scratch_operands = 11 : i64, tpu.core_type = #tpu.core_type<sc_vector_subcore>, window_params = [{transform_indices = #map}, {transform_indices = #map1}, {transform_indices = #map1}, {transform_indices = #map}, {transform_indices = #map2}]} {
    %mul3A = arith.constant 2 : i32
    %mul3A_0 = arith.muli %arg1, %mul3A : i32
    %add3A = arith.addi %mul3A_0, %arg0 : i32
    %scan3A = arith.constant 0 : i32
    %scan3A_1 = arith.constant 0 : i32
    %scan3A_2 = arith.constant 80 : i32
    %scan3A_3 = arith.addi %scan3A_1, %scan3A_2 : i32
    %scan3A_4 = arith.constant 1 : i32
    %scan3A_5 = scf.for %scan3A_49 = %scan3A_1 to %scan3A_3 step %scan3A_4 iter_args(%scan3A_50 = %scan3A) -> (i32)  : i32 {
      %broadcast_in_dim3A = arith.constant 0.000000e+00 : f32
      %broadcast_in_dim3A_51 = vector.broadcast %broadcast_in_dim3A : f32 to vector<16xf32>
      %swap3A = arith.constant 0 : i32
      %swap3A_52 = arith.index_cast %swap3A : i32 to index
      %swap3A_53 = arith.index_cast %scan3A_49 : i32 to index
      %swap3A_54 = arith.constant 0 : index
      %swap3A_55 = tpu.vector_load %arg9[%swap3A_52, %swap3A_53, %swap3A_54] {strides = array<i32>} : memref<2x80x128xf32, #tpu.memory_space<vmem>>, vector<1x1x16xf32>,
      %swap3A_56 = vector.shape_cast %swap3A_55 : vector<1x1x16xf32> to vector<16xf32>
      %swap3A_57 = vector.shape_cast %broadcast_in_dim3A_51 : vector<16xf32> to vector<1x1x16xf32>
      tpu.vector_store %arg9[%swap3A_52, %swap3A_53, %swap3A_54], %swap3A_57 {strides = array<i32>} : memref<2x80x128xf32, #tpu.memory_space<vmem>>, vector<1x1x16xf32>,
      %broadcast_in_dim3A_58 = arith.constant 0.000000e+00 : f32
      %broadcast_in_dim3A_59 = vector.broadcast %broadcast_in_dim3A_58 : f32 to vector<16xf32>
      %swap3A_60 = arith.constant 0 : i32
      %swap3A_61 = arith.index_cast %swap3A_60 : i32 to index
      %swap3A_62 = arith.index_cast %scan3A_49 : i32 to index
      %swap3A_63 = arith.constant 16 : index
      %swap3A_64 = tpu.vector_load %arg9[%swap3A_61, %swap3A_62, %swap3A_63] {strides = array<i32>} : memref<2x80x128xf32, #tpu.memory_space<vmem>>, vector<1x1x16xf32>,
      %swap3A_65 = vector.shape_cast %swap3A_64 : vector<1x1x16xf32> to vector<16xf32>
      %swap3A_66 = vector.shape_cast %broadcast_in_dim3A_59 : vector<16xf32> to vector<1x1x16xf32>
      tpu.vector_store %arg9[%swap3A_61, %swap3A_62, %swap3A_63], %swap3A_66 {strides = array<i32>} : memref<2x80x128xf32, #tpu.memory_space<vmem>>, vector<1x1x16xf32>,
      %broadcast_in_dim3A_67 = arith.constant 0.000000e+00 : f32
      %broadcast_in_dim3A_68 = vector.broadcast %broadcast_in_dim3A_67 : f32 to vector<16xf32>
      %swap3A_69 = arith.constant 0 : i32
      %swap3A_70 = arith.index_cast %swap3A_69 : i32 to index
      %swap3A_71 = arith.index_cast %scan3A_49 : i32 to index
      %swap3A_72 = arith.constant 32 : index
      %swap3A_73 = tpu.vector_load %arg9[%swap3A_70, %swap3A_71, %swap3A_72] {strides = array<i32>} : memref<2x80x128xf32, #tpu.memory_space<vmem>>, vector<1x1x16xf32>,
      %swap3A_74 = vector.shape_cast %swap3A_73 : vector<1x1x16xf32> to vector<16xf32>
      %swap3A_75 = vector.shape_cast %broadcast_in_dim3A_68 : vector<16xf32> to vector<1x1x16xf32>
      tpu.vector_store %arg9[%swap3A_70, %swap3A_71, %swap3A_72], %swap3A_75 {strides = array<i32>} : memref<2x80x128xf32, #tpu.memory_space<vmem>>, vector<1x1x16xf32>,
      %broadcast_in_dim3A_76 = arith.constant 0.000000e+00 : f32
      %broadcast_in_dim3A_77 = vector.broadcast %broadcast_in_dim3A_76 : f32 to vector<16xf32>
      %swap3A_78 = arith.constant 0 : i32
      %swap3A_79 = arith.index_cast %swap3A_78 : i32 to index
      %swap3A_80 = arith.index_cast %scan3A_49 : i32 to index
      %swap3A_81 = arith.constant 48 : index
      %swap3A_82 = tpu.vector_load %arg9[%swap3A_79, %swap3A_80, %swap3A_81] {strides = array<i32>} : memref<2x80x128xf32, #tpu.memory_space<vmem>>, vector<1x1x16xf32>,
      %swap3A_83 = vector.shape_cast %swap3A_82 : vector<1x1x16xf32> to vector<16xf32>
      %swap3A_84 = vector.shape_cast %broadcast_in_dim3A_77 : vector<16xf32> to vector<1x1x16xf32>
      tpu.vector_store %arg9[%swap3A_79, %swap3A_80, %swap3A_81], %swap3A_84 {strides = array<i32>} : memref<2x80x128xf32, #tpu.memory_space<vmem>>, vector<1x1x16xf32>,
      %broadcast_in_dim3A_85 = arith.constant 0.000000e+00 : f32
      %broadcast_in_dim3A_86 = vector.broadcast %broadcast_in_dim3A_85 : f32 to vector<16xf32>
      %swap3A_87 = arith.constant 0 : i32
      %swap3A_88 = arith.index_cast %swap3A_87 : i32 to index
      %swap3A_89 = arith.index_cast %scan3A_49 : i32 to index
      %swap3A_90 = arith.constant 64 : index
      %swap3A_91 = tpu.vector_load %arg9[%swap3A_88, %swap3A_89, %swap3A_90] {strides = array<i32>} : memref<2x80x128xf32, #tpu.memory_space<vmem>>, vector<1x1x16xf32>,
      %swap3A_92 = vector.shape_cast %swap3A_91 : vector<1x1x16xf32> to vector<16xf32>
      %swap3A_93 = vector.shape_cast %broadcast_in_dim3A_86 : vector<16xf32> to vector<1x1x16xf32>
      tpu.vector_store %arg9[%swap3A_88, %swap3A_89, %swap3A_90], %swap3A_93 {strides = array<i32>} : memref<2x80x128xf32, #tpu.memory_space<vmem>>, vector<1x1x16xf32>,
      %broadcast_in_dim3A_94 = arith.constant 0.000000e+00 : f32
      %broadcast_in_dim3A_95 = vector.broadcast %broadcast_in_dim3A_94 : f32 to vector<16xf32>
      %swap3A_96 = arith.constant 0 : i32
      %swap3A_97 = arith.index_cast %swap3A_96 : i32 to index
      %swap3A_98 = arith.index_cast %scan3A_49 : i32 to index
      %swap3A_99 = arith.constant 80 : index
      %swap3A_100 = tpu.vector_load %arg9[%swap3A_97, %swap3A_98, %swap3A_99] {strides = array<i32>} : memref<2x80x128xf32, #tpu.memory_space<vmem>>, vector<1x1x16xf32>,
      %swap3A_101 = vector.shape_cast %swap3A_100 : vector<1x1x16xf32> to vector<16xf32>
      %swap3A_102 = vector.shape_cast %broadcast_in_dim3A_95 : vector<16xf32> to vector<1x1x16xf32>
      tpu.vector_store %arg9[%swap3A_97, %swap3A_98, %swap3A_99], %swap3A_102 {strides = array<i32>} : memref<2x80x128xf32, #tpu.memory_space<vmem>>, vector<1x1x16xf32>,
      %broadcast_in_dim3A_103 = arith.constant 0.000000e+00 : f32
      %broadcast_in_dim3A_104 = vector.broadcast %broadcast_in_dim3A_103 : f32 to vector<16xf32>
      %swap3A_105 = arith.constant 0 : i32
      %swap3A_106 = arith.index_cast %swap3A_105 : i32 to index
      %swap3A_107 = arith.index_cast %scan3A_49 : i32 to index
      %swap3A_108 = arith.constant 96 : index
      %swap3A_109 = tpu.vector_load %arg9[%swap3A_106, %swap3A_107, %swap3A_108] {strides = array<i32>} : memref<2x80x128xf32, #tpu.memory_space<vmem>>, vector<1x1x16xf32>,
      %swap3A_110 = vector.shape_cast %swap3A_109 : vector<1x1x16xf32> to vector<16xf32>
      %swap3A_111 = vector.shape_cast %broadcast_in_dim3A_104 : vector<16xf32> to vector<1x1x16xf32>
      tpu.vector_store %arg9[%swap3A_106, %swap3A_107, %swap3A_108], %swap3A_111 {strides = array<i32>} : memref<2x80x128xf32, #tpu.memory_space<vmem>>, vector<1x1x16xf32>,
      %broadcast_in_dim3A_112 = arith.constant 0.000000e+00 : f32
      %broadcast_in_dim3A_113 = vector.broadcast %broadcast_in_dim3A_112 : f32 to vector<16xf32>
      %swap3A_114 = arith.constant 0 : i32
      %swap3A_115 = arith.index_cast %swap3A_114 : i32 to index
      %swap3A_116 = arith.index_cast %scan3A_49 : i32 to index
      %swap3A_117 = arith.constant 112 : index
      %swap3A_118 = tpu.vector_load %arg9[%swap3A_115, %swap3A_116, %swap3A_117] {strides = array<i32>} : memref<2x80x128xf32, #tpu.memory_space<vmem>>, vector<1x1x16xf32>,
      %swap3A_119 = vector.shape_cast %swap3A_118 : vector<1x1x16xf32> to vector<16xf32>
      %swap3A_120 = vector.shape_cast %broadcast_in_dim3A_113 : vector<16xf32> to vector<1x1x16xf32>
      tpu.vector_store %arg9[%swap3A_115, %swap3A_116, %swap3A_117], %swap3A_120 {strides = array<i32>} : memref<2x80x128xf32, #tpu.memory_space<vmem>>, vector<1x1x16xf32>,
      %scan3A_121 = arith.constant 0 : i32
      scf.yield %scan3A_121 : i32
    }
    %scan3A_6 = arith.constant 80 : i32
    %mul3A_7 = arith.constant 624 : i32
    %mul3A_8 = arith.muli %arg1, %mul3A_7 : i32
    %add3A_9 = arith.constant 0 : i32
    %add3A_10 = arith.addi %mul3A_8, %add3A_9 : i32
    %run_scoped3A = arith.constant 0 : i32
    "tpu.region"() ({
      %run_scoped3A_49 = tpu.sem_alloc : memref<!tpu.dma_semaphore, #tpu.memory_space<semaphore_mem>>
      %dma_start3A = arith.constant 0 : i32
      %dma_start3A_50 = arith.constant 0 : i32
      %dma_start3A_51 = tpu.memref_slice %arg9[%run_scoped3A, %dma_start3A, %dma_start3A_50] : memref<2x80x128xf32, #tpu.memory_space<vmem>> -> memref<1x80x128xf32, #tpu.memory_space<vmem>>
      %dma_start3A_52 = tpu.memref_squeeze %dma_start3A_51 : memref<1x80x128xf32, #tpu.memory_space<vmem>> -> memref<80x128xf32, #tpu.memory_space<vmem>>
      %dma_start3A_53 = arith.constant 0 : i32
      %dma_start3A_54 = tpu.memref_slice %arg11[%add3A_10, %dma_start3A_53] : memref<10000x128xf32, #tpu.memory_space<vmem_shared>> -> memref<80x128xf32, #tpu.memory_space<vmem_shared>>
      %dma_start3A_55 = arith.constant 0 : i32
      %dma_start3A_56 = tpu.memref_slice %arg11[%add3A_10, %dma_start3A_55] : memref<10000x128xf32, #tpu.memory_space<vmem_shared>> -> memref<80x128xf32, #tpu.memory_space<vmem_shared>>
      %dma_start3A_57 = arith.constant 0 : i32
      %dma_start3A_58 = arith.constant 0 : i32
      %dma_start3A_59 = tpu.memref_slice %arg9[%run_scoped3A, %dma_start3A_57, %dma_start3A_58] : memref<2x80x128xf32, #tpu.memory_space<vmem>> -> memref<1x80x128xf32, #tpu.memory_space<vmem>>
      %dma_start3A_60 = tpu.memref_squeeze %dma_start3A_59 : memref<1x80x128xf32, #tpu.memory_space<vmem>> -> memref<80x128xf32, #tpu.memory_space<vmem>>
      tpu.enqueue_dma source(%dma_start3A_60 : memref<80x128xf32, #tpu.memory_space<vmem>>) target(%dma_start3A_56 : memref<80x128xf32, #tpu.memory_space<vmem_shared>>) target_semaphore(%run_scoped3A_49 : memref<!tpu.dma_semaphore, #tpu.memory_space<semaphore_mem>>)
      %dma_wait3A = arith.constant 0 : i32
      %dma_wait3A_61 = arith.constant 0 : i32
      %dma_wait3A_62 = tpu.memref_slice %arg9[%run_scoped3A, %dma_wait3A, %dma_wait3A_61] : memref<2x80x128xf32, #tpu.memory_space<vmem>> -> memref<1x80x128xf32, #tpu.memory_space<vmem>>
      %dma_wait3A_63 = tpu.memref_squeeze %dma_wait3A_62 : memref<1x80x128xf32, #tpu.memory_space<vmem>> -> memref<80x128xf32, #tpu.memory_space<vmem>>
      %dma_wait3A_64 = arith.constant 0 : i32
      %dma_wait3A_65 = tpu.memref_slice %arg11[%add3A_10, %dma_wait3A_64] : memref<10000x128xf32, #tpu.memory_space<vmem_shared>> -> memref<80x128xf32, #tpu.memory_space<vmem_shared>>
      %dma_wait3A_66 = arith.constant 0 : i32
      %dma_wait3A_67 = tpu.memref_slice %arg11[%add3A_10, %dma_wait3A_66] : memref<10000x128xf32, #tpu.memory_space<vmem_shared>> -> memref<80x128xf32, #tpu.memory_space<vmem_shared>>
      %dma_wait3A_68 = arith.constant 0 : i32
      %dma_wait3A_69 = arith.constant 0 : i32
      %dma_wait3A_70 = tpu.memref_slice %arg9[%run_scoped3A, %dma_wait3A_68, %dma_wait3A_69] : memref<2x80x128xf32, #tpu.memory_space<vmem>> -> memref<1x80x128xf32, #tpu.memory_space<vmem>>
      %dma_wait3A_71 = tpu.memref_squeeze %dma_wait3A_70 : memref<1x80x128xf32, #tpu.memory_space<vmem>> -> memref<80x128xf32, #tpu.memory_space<vmem>>
      tpu.wait_dma2 semaphore(%run_scoped3A_49 : memref<!tpu.dma_semaphore, #tpu.memory_space<semaphore_mem>>) src(%dma_wait3A_71 : memref<80x128xf32, #tpu.memory_space<vmem>>) dst(%dma_wait3A_67 : memref<80x128xf32, #tpu.memory_space<vmem_shared>>)
      tpu.yield
    }) : () -> ()
    %add3A_11 = arith.constant 80 : i32
    %add3A_12 = arith.addi %mul3A_8, %add3A_11 : i32
    %run_scoped3A_13 = arith.constant 0 : i32
    "tpu.region"() ({
      %run_scoped3A_49 = tpu.sem_alloc : memref<!tpu.dma_semaphore, #tpu.memory_space<semaphore_mem>>
      %dma_start3A = arith.constant 0 : i32
      %dma_start3A_50 = arith.constant 0 : i32
      %dma_start3A_51 = tpu.memref_slice %arg9[%run_scoped3A_13, %dma_start3A, %dma_start3A_50] : memref<2x80x128xf32, #tpu.memory_space<vmem>> -> memref<1x80x128xf32, #tpu.memory_space<vmem>>
      %dma_start3A_52 = tpu.memref_squeeze %dma_start3A_51 : memref<1x80x128xf32, #tpu.memory_space<vmem>> -> memref<80x128xf32, #tpu.memory_space<vmem>>
      %dma_start3A_53 = arith.constant 0 : i32
      %dma_start3A_54 = tpu.memref_slice %arg11[%add3A_12, %dma_start3A_53] : memref<10000x128xf32, #tpu.memory_space<vmem_shared>> -> memref<80x128xf32, #tpu.memory_space<vmem_shared>>
      %dma_start3A_55 = arith.constant 0 : i32
      %dma_start3A_56 = tpu.memref_slice %arg11[%add3A_12, %dma_start3A_55] : memref<10000x128xf32, #tpu.memory_space<vmem_shared>> -> memref<80x128xf32, #tpu.memory_space<vmem_shared>>
      %dma_start3A_57 = arith.constant 0 : i32
      %dma_start3A_58 = arith.constant 0 : i32
      %dma_start3A_59 = tpu.memref_slice %arg9[%run_scoped3A_13, %dma_start3A_57, %dma_start3A_58] : memref<2x80x128xf32, #tpu.memory_space<vmem>> -> memref<1x80x128xf32, #tpu.memory_space<vmem>>
      %dma_start3A_60 = tpu.memref_squeeze %dma_start3A_59 : memref<1x80x128xf32, #tpu.memory_space<vmem>> -> memref<80x128xf32, #tpu.memory_space<vmem>>
      tpu.enqueue_dma source(%dma_start3A_60 : memref<80x128xf32, #tpu.memory_space<vmem>>) target(%dma_start3A_56 : memref<80x128xf32, #tpu.memory_space<vmem_shared>>) target_semaphore(%run_scoped3A_49 : memref<!tpu.dma_semaphore, #tpu.memory_space<semaphore_mem>>)
      %dma_wait3A = arith.constant 0 : i32
      %dma_wait3A_61 = arith.constant 0 : i32
      %dma_wait3A_62 = tpu.memref_slice %arg9[%run_scoped3A_13, %dma_wait3A, %dma_wait3A_61] : memref<2x80x128xf32, #tpu.memory_space<vmem>> -> memref<1x80x128xf32, #tpu.memory_space<vmem>>
      %dma_wait3A_63 = tpu.memref_squeeze %dma_wait3A_62 : memref<1x80x128xf32, #tpu.memory_space<vmem>> -> memref<80x128xf32, #tpu.memory_space<vmem>>
      %dma_wait3A_64 = arith.constant 0 : i32
      %dma_wait3A_65 = tpu.memref_slice %arg11[%add3A_12, %dma_wait3A_64] : memref<10000x128xf32, #tpu.memory_space<vmem_shared>> -> memref<80x128xf32, #tpu.memory_space<vmem_shared>>
      %dma_wait3A_66 = arith.constant 0 : i32
      %dma_wait3A_67 = tpu.memref_slice %arg11[%add3A_12, %dma_wait3A_66] : memref<10000x128xf32, #tpu.memory_space<vmem_shared>> -> memref<80x128xf32, #tpu.memory_space<vmem_shared>>
      %dma_wait3A_68 = arith.constant 0 : i32
      %dma_wait3A_69 = arith.constant 0 : i32
      %dma_wait3A_70 = tpu.memref_slice %arg9[%run_scoped3A_13, %dma_wait3A_68, %dma_wait3A_69] : memref<2x80x128xf32, #tpu.memory_space<vmem>> -> memref<1x80x128xf32, #tpu.memory_space<vmem>>
      %dma_wait3A_71 = tpu.memref_squeeze %dma_wait3A_70 : memref<1x80x128xf32, #tpu.memory_space<vmem>> -> memref<80x128xf32, #tpu.memory_space<vmem>>
      tpu.wait_dma2 semaphore(%run_scoped3A_49 : memref<!tpu.dma_semaphore, #tpu.memory_space<semaphore_mem>>) src(%dma_wait3A_71 : memref<80x128xf32, #tpu.memory_space<vmem>>) dst(%dma_wait3A_67 : memref<80x128xf32, #tpu.memory_space<vmem_shared>>)
      tpu.yield
    }) : () -> ()
    %add3A_14 = arith.constant 160 : i32
    %add3A_15 = arith.addi %mul3A_8, %add3A_14 : i32
    %run_scoped3A_16 = arith.constant 0 : i32
    "tpu.region"() ({
      %run_scoped3A_49 = tpu.sem_alloc : memref<!tpu.dma_semaphore, #tpu.memory_space<semaphore_mem>>
      %dma_start3A = arith.constant 0 : i32
      %dma_start3A_50 = arith.constant 0 : i32
      %dma_start3A_51 = tpu.memref_slice %arg9[%run_scoped3A_16, %dma_start3A, %dma_start3A_50] : memref<2x80x128xf32, #tpu.memory_space<vmem>> -> memref<1x80x128xf32, #tpu.memory_space<vmem>>
      %dma_start3A_52 = tpu.memref_squeeze %dma_start3A_51 : memref<1x80x128xf32, #tpu.memory_space<vmem>> -> memref<80x128xf32, #tpu.memory_space<vmem>>
      %dma_start3A_53 = arith.constant 0 : i32
      %dma_start3A_54 = tpu.memref_slice %arg11[%add3A_15, %dma_start3A_53] : memref<10000x128xf32, #tpu.memory_space<vmem_shared>> -> memref<80x128xf32, #tpu.memory_space<vmem_shared>>
      %dma_start3A_55 = arith.constant 0 : i32
      %dma_start3A_56 = tpu.memref_slice %arg11[%add3A_15, %dma_start3A_55] : memref<10000x128xf32, #tpu.memory_space<vmem_shared>> -> memref<80x128xf32, #tpu.memory_space<vmem_shared>>
      %dma_start3A_57 = arith.constant 0 : i32
      %dma_start3A_58 = arith.constant 0 : i32
      %dma_start3A_59 = tpu.memref_slice %arg9[%run_scoped3A_16, %dma_start3A_57, %dma_start3A_58] : memref<2x80x128xf32, #tpu.memory_space<vmem>> -> memref<1x80x128xf32, #tpu.memory_space<vmem>>
      %dma_start3A_60 = tpu.memref_squeeze %dma_start3A_59 : memref<1x80x128xf32, #tpu.memory_space<vmem>> -> memref<80x128xf32, #tpu.memory_space<vmem>>
      tpu.enqueue_dma source(%dma_start3A_60 : memref<80x128xf32, #tpu.memory_space<vmem>>) target(%dma_start3A_56 : memref<80x128xf32, #tpu.memory_space<vmem_shared>>) target_semaphore(%run_scoped3A_49 : memref<!tpu.dma_semaphore, #tpu.memory_space<semaphore_mem>>)
      %dma_wait3A = arith.constant 0 : i32
      %dma_wait3A_61 = arith.constant 0 : i32
      %dma_wait3A_62 = tpu.memref_slice %arg9[%run_scoped3A_16, %dma_wait3A, %dma_wait3A_61] : memref<2x80x128xf32, #tpu.memory_space<vmem>> -> memref<1x80x128xf32, #tpu.memory_space<vmem>>
      %dma_wait3A_63 = tpu.memref_squeeze %dma_wait3A_62 : memref<1x80x128xf32, #tpu.memory_space<vmem>> -> memref<80x128xf32, #tpu.memory_space<vmem>>
      %dma_wait3A_64 = arith.constant 0 : i32
      %dma_wait3A_65 = tpu.memref_slice %arg11[%add3A_15, %dma_wait3A_64] : memref<10000x128xf32, #tpu.memory_space<vmem_shared>> -> memref<80x128xf32, #tpu.memory_space<vmem_shared>>
      %dma_wait3A_66 = arith.constant 0 : i32
      %dma_wait3A_67 = tpu.memref_slice %arg11[%add3A_15, %dma_wait3A_66] : memref<10000x128xf32, #tpu.memory_space<vmem_shared>> -> memref<80x128xf32, #tpu.memory_space<vmem_shared>>
      %dma_wait3A_68 = arith.constant 0 : i32
      %dma_wait3A_69 = arith.constant 0 : i32
      %dma_wait3A_70 = tpu.memref_slice %arg9[%run_scoped3A_16, %dma_wait3A_68, %dma_wait3A_69] : memref<2x80x128xf32, #tpu.memory_space<vmem>> -> memref<1x80x128xf32, #tpu.memory_space<vmem>>
      %dma_wait3A_71 = tpu.memref_squeeze %dma_wait3A_70 : memref<1x80x128xf32, #tpu.memory_space<vmem>> -> memref<80x128xf32, #tpu.memory_space<vmem>>
      tpu.wait_dma2 semaphore(%run_scoped3A_49 : memref<!tpu.dma_semaphore, #tpu.memory_space<semaphore_mem>>) src(%dma_wait3A_71 : memref<80x128xf32, #tpu.memory_space<vmem>>) dst(%dma_wait3A_67 : memref<80x128xf32, #tpu.memory_space<vmem_shared>>)
      tpu.yield
    }) : () -> ()
    %add3A_17 = arith.constant 240 : i32
    %add3A_18 = arith.addi %mul3A_8, %add3A_17 : i32
    %run_scoped3A_19 = arith.constant 0 : i32
    "tpu.region"() ({
      %run_scoped3A_49 = tpu.sem_alloc : memref<!tpu.dma_semaphore, #tpu.memory_space<semaphore_mem>>
      %dma_start3A = arith.constant 0 : i32
      %dma_start3A_50 = arith.constant 0 : i32
      %dma_start3A_51 = tpu.memref_slice %arg9[%run_scoped3A_19, %dma_start3A, %dma_start3A_50] : memref<2x80x128xf32, #tpu.memory_space<vmem>> -> memref<1x80x128xf32, #tpu.memory_space<vmem>>
      %dma_start3A_52 = tpu.memref_squeeze %dma_start3A_51 : memref<1x80x128xf32, #tpu.memory_space<vmem>> -> memref<80x128xf32, #tpu.memory_space<vmem>>
      %dma_start3A_53 = arith.constant 0 : i32
      %dma_start3A_54 = tpu.memref_slice %arg11[%add3A_18, %dma_start3A_53] : memref<10000x128xf32, #tpu.memory_space<vmem_shared>> -> memref<80x128xf32, #tpu.memory_space<vmem_shared>>
      %dma_start3A_55 = arith.constant 0 : i32
      %dma_start3A_56 = tpu.memref_slice %arg11[%add3A_18, %dma_start3A_55] : memref<10000x128xf32, #tpu.memory_space<vmem_shared>> -> memref<80x128xf32, #tpu.memory_space<vmem_shared>>
      %dma_start3A_57 = arith.constant 0 : i32
      %dma_start3A_58 = arith.constant 0 : i32
      %dma_start3A_59 = tpu.memref_slice %arg9[%run_scoped3A_19, %dma_start3A_57, %dma_start3A_58] : memref<2x80x128xf32, #tpu.memory_space<vmem>> -> memref<1x80x128xf32, #tpu.memory_space<vmem>>
      %dma_start3A_60 = tpu.memref_squeeze %dma_start3A_59 : memref<1x80x128xf32, #tpu.memory_space<vmem>> -> memref<80x128xf32, #tpu.memory_space<vmem>>
      tpu.enqueue_dma source(%dma_start3A_60 : memref<80x128xf32, #tpu.memory_space<vmem>>) target(%dma_start3A_56 : memref<80x128xf32, #tpu.memory_space<vmem_shared>>) target_semaphore(%run_scoped3A_49 : memref<!tpu.dma_semaphore, #tpu.memory_space<semaphore_mem>>)
      %dma_wait3A = arith.constant 0 : i32
      %dma_wait3A_61 = arith.constant 0 : i32
      %dma_wait3A_62 = tpu.memref_slice %arg9[%run_scoped3A_19, %dma_wait3A, %dma_wait3A_61] : memref<2x80x128xf32, #tpu.memory_space<vmem>> -> memref<1x80x128xf32, #tpu.memory_space<vmem>>
      %dma_wait3A_63 = tpu.memref_squeeze %dma_wait3A_62 : memref<1x80x128xf32, #tpu.memory_space<vmem>> -> memref<80x128xf32, #tpu.memory_space<vmem>>
      %dma_wait3A_64 = arith.constant 0 : i32
      %dma_wait3A_65 = tpu.memref_slice %arg11[%add3A_18, %dma_wait3A_64] : memref<10000x128xf32, #tpu.memory_space<vmem_shared>> -> memref<80x128xf32, #tpu.memory_space<vmem_shared>>
      %dma_wait3A_66 = arith.constant 0 : i32
      %dma_wait3A_67 = tpu.memref_slice %arg11[%add3A_18, %dma_wait3A_66] : memref<10000x128xf32, #tpu.memory_space<vmem_shared>> -> memref<80x128xf32, #tpu.memory_space<vmem_shared>>
      %dma_wait3A_68 = arith.constant 0 : i32
      %dma_wait3A_69 = arith.constant 0 : i32
      %dma_wait3A_70 = tpu.memref_slice %arg9[%run_scoped3A_19, %dma_wait3A_68, %dma_wait3A_69] : memref<2x80x128xf32, #tpu.memory_space<vmem>> -> memref<1x80x128xf32, #tpu.memory_space<vmem>>
      %dma_wait3A_71 = tpu.memref_squeeze %dma_wait3A_70 : memref<1x80x128xf32, #tpu.memory_space<vmem>> -> memref<80x128xf32, #tpu.memory_space<vmem>>
      tpu.wait_dma2 semaphore(%run_scoped3A_49 : memref<!tpu.dma_semaphore, #tpu.memory_space<semaphore_mem>>) src(%dma_wait3A_71 : memref<80x128xf32, #tpu.memory_space<vmem>>) dst(%dma_wait3A_67 : memref<80x128xf32, #tpu.memory_space<vmem_shared>>)
      tpu.yield
    }) : () -> ()
    %add3A_20 = arith.constant 320 : i32
    %add3A_21 = arith.addi %mul3A_8, %add3A_20 : i32
    %run_scoped3A_22 = arith.constant 0 : i32
    "tpu.region"() ({
      %run_scoped3A_49 = tpu.sem_alloc : memref<!tpu.dma_semaphore, #tpu.memory_space<semaphore_mem>>
      %dma_start3A = arith.constant 0 : i32
      %dma_start3A_50 = arith.constant 0 : i32
      %dma_start3A_51 = tpu.memref_slice %arg9[%run_scoped3A_22, %dma_start3A, %dma_start3A_50] : memref<2x80x128xf32, #tpu.memory_space<vmem>> -> memref<1x80x128xf32, #tpu.memory_space<vmem>>
      %dma_start3A_52 = tpu.memref_squeeze %dma_start3A_51 : memref<1x80x128xf32, #tpu.memory_space<vmem>> -> memref<80x128xf32, #tpu.memory_space<vmem>>
      %dma_start3A_53 = arith.constant 0 : i32
      %dma_start3A_54 = tpu.memref_slice %arg11[%add3A_21, %dma_start3A_53] : memref<10000x128xf32, #tpu.memory_space<vmem_shared>> -> memref<80x128xf32, #tpu.memory_space<vmem_shared>>
      %dma_start3A_55 = arith.constant 0 : i32
      %dma_start3A_56 = tpu.memref_slice %arg11[%add3A_21, %dma_start3A_55] : memref<10000x128xf32, #tpu.memory_space<vmem_shared>> -> memref<80x128xf32, #tpu.memory_space<vmem_shared>>
      %dma_start3A_57 = arith.constant 0 : i32
      %dma_start3A_58 = arith.constant 0 : i32
      %dma_start3A_59 = tpu.memref_slice %arg9[%run_scoped3A_22, %dma_start3A_57, %dma_start3A_58] : memref<2x80x128xf32, #tpu.memory_space<vmem>> -> memref<1x80x128xf32, #tpu.memory_space<vmem>>
      %dma_start3A_60 = tpu.memref_squeeze %dma_start3A_59 : memref<1x80x128xf32, #tpu.memory_space<vmem>> -> memref<80x128xf32, #tpu.memory_space<vmem>>
      tpu.enqueue_dma source(%dma_start3A_60 : memref<80x128xf32, #tpu.memory_space<vmem>>) target(%dma_start3A_56 : memref<80x128xf32, #tpu.memory_space<vmem_shared>>) target_semaphore(%run_scoped3A_49 : memref<!tpu.dma_semaphore, #tpu.memory_space<semaphore_mem>>)
      %dma_wait3A = arith.constant 0 : i32
      %dma_wait3A_61 = arith.constant 0 : i32
      %dma_wait3A_62 = tpu.memref_slice %arg9[%run_scoped3A_22, %dma_wait3A, %dma_wait3A_61] : memref<2x80x128xf32, #tpu.memory_space<vmem>> -> memref<1x80x128xf32, #tpu.memory_space<vmem>>
      %dma_wait3A_63 = tpu.memref_squeeze %dma_wait3A_62 : memref<1x80x128xf32, #tpu.memory_space<vmem>> -> memref<80x128xf32, #tpu.memory_space<vmem>>
      %dma_wait3A_64 = arith.constant 0 : i32
      %dma_wait3A_65 = tpu.memref_slice %arg11[%add3A_21, %dma_wait3A_64] : memref<10000x128xf32, #tpu.memory_space<vmem_shared>> -> memref<80x128xf32, #tpu.memory_space<vmem_shared>>
      %dma_wait3A_66 = arith.constant 0 : i32
      %dma_wait3A_67 = tpu.memref_slice %arg11[%add3A_21, %dma_wait3A_66] : memref<10000x128xf32, #tpu.memory_space<vmem_shared>> -> memref<80x128xf32, #tpu.memory_space<vmem_shared>>
      %dma_wait3A_68 = arith.constant 0 : i32
      %dma_wait3A_69 = arith.constant 0 : i32
      %dma_wait3A_70 = tpu.memref_slice %arg9[%run_scoped3A_22, %dma_wait3A_68, %dma_wait3A_69] : memref<2x80x128xf32, #tpu.memory_space<vmem>> -> memref<1x80x128xf32, #tpu.memory_space<vmem>>
      %dma_wait3A_71 = tpu.memref_squeeze %dma_wait3A_70 : memref<1x80x128xf32, #tpu.memory_space<vmem>> -> memref<80x128xf32, #tpu.memory_space<vmem>>
      tpu.wait_dma2 semaphore(%run_scoped3A_49 : memref<!tpu.dma_semaphore, #tpu.memory_space<semaphore_mem>>) src(%dma_wait3A_71 : memref<80x128xf32, #tpu.memory_space<vmem>>) dst(%dma_wait3A_67 : memref<80x128xf32, #tpu.memory_space<vmem_shared>>)
      tpu.yield
    }) : () -> ()
    %add3A_23 = arith.constant 400 : i32
    %add3A_24 = arith.addi %mul3A_8, %add3A_23 : i32
    %run_scoped3A_25 = arith.constant 0 : i32
    "tpu.region"() ({
      %run_scoped3A_49 = tpu.sem_alloc : memref<!tpu.dma_semaphore, #tpu.memory_space<semaphore_mem>>
      %dma_start3A = arith.constant 0 : i32
      %dma_start3A_50 = arith.constant 0 : i32
      %dma_start3A_51 = tpu.memref_slice %arg9[%run_scoped3A_25, %dma_start3A, %dma_start3A_50] : memref<2x80x128xf32, #tpu.memory_space<vmem>> -> memref<1x80x128xf32, #tpu.memory_space<vmem>>
      %dma_start3A_52 = tpu.memref_squeeze %dma_start3A_51 : memref<1x80x128xf32, #tpu.memory_space<vmem>> -> memref<80x128xf32, #tpu.memory_space<vmem>>
      %dma_start3A_53 = arith.constant 0 : i32
      %dma_start3A_54 = tpu.memref_slice %arg11[%add3A_24, %dma_start3A_53] : memref<10000x128xf32, #tpu.memory_space<vmem_shared>> -> memref<80x128xf32, #tpu.memory_space<vmem_shared>>
      %dma_start3A_55 = arith.constant 0 : i32
      %dma_start3A_56 = tpu.memref_slice %arg11[%add3A_24, %dma_start3A_55] : memref<10000x128xf32, #tpu.memory_space<vmem_shared>> -> memref<80x128xf32, #tpu.memory_space<vmem_shared>>
      %dma_start3A_57 = arith.constant 0 : i32
      %dma_start3A_58 = arith.constant 0 : i32
      %dma_start3A_59 = tpu.memref_slice %arg9[%run_scoped3A_25, %dma_start3A_57, %dma_start3A_58] : memref<2x80x128xf32, #tpu.memory_space<vmem>> -> memref<1x80x128xf32, #tpu.memory_space<vmem>>
      %dma_start3A_60 = tpu.memref_squeeze %dma_start3A_59 : memref<1x80x128xf32, #tpu.memory_space<vmem>> -> memref<80x128xf32, #tpu.memory_space<vmem>>
      tpu.enqueue_dma source(%dma_start3A_60 : memref<80x128xf32, #tpu.memory_space<vmem>>) target(%dma_start3A_56 : memref<80x128xf32, #tpu.memory_space<vmem_shared>>) target_semaphore(%run_scoped3A_49 : memref<!tpu.dma_semaphore, #tpu.memory_space<semaphore_mem>>)
      %dma_wait3A = arith.constant 0 : i32
      %dma_wait3A_61 = arith.constant 0 : i32
      %dma_wait3A_62 = tpu.memref_slice %arg9[%run_scoped3A_25, %dma_wait3A, %dma_wait3A_61] : memref<2x80x128xf32, #tpu.memory_space<vmem>> -> memref<1x80x128xf32, #tpu.memory_space<vmem>>
      %dma_wait3A_63 = tpu.memref_squeeze %dma_wait3A_62 : memref<1x80x128xf32, #tpu.memory_space<vmem>> -> memref<80x128xf32, #tpu.memory_space<vmem>>
      %dma_wait3A_64 = arith.constant 0 : i32
      %dma_wait3A_65 = tpu.memref_slice %arg11[%add3A_24, %dma_wait3A_64] : memref<10000x128xf32, #tpu.memory_space<vmem_shared>> -> memref<80x128xf32, #tpu.memory_space<vmem_shared>>
      %dma_wait3A_66 = arith.constant 0 : i32
      %dma_wait3A_67 = tpu.memref_slice %arg11[%add3A_24, %dma_wait3A_66] : memref<10000x128xf32, #tpu.memory_space<vmem_shared>> -> memref<80x128xf32, #tpu.memory_space<vmem_shared>>
      %dma_wait3A_68 = arith.constant 0 : i32
      %dma_wait3A_69 = arith.constant 0 : i32
      %dma_wait3A_70 = tpu.memref_slice %arg9[%run_scoped3A_25, %dma_wait3A_68, %dma_wait3A_69] : memref<2x80x128xf32, #tpu.memory_space<vmem>> -> memref<1x80x128xf32, #tpu.memory_space<vmem>>
      %dma_wait3A_71 = tpu.memref_squeeze %dma_wait3A_70 : memref<1x80x128xf32, #tpu.memory_space<vmem>> -> memref<80x128xf32, #tpu.memory_space<vmem>>
      tpu.wait_dma2 semaphore(%run_scoped3A_49 : memref<!tpu.dma_semaphore, #tpu.memory_space<semaphore_mem>>) src(%dma_wait3A_71 : memref<80x128xf32, #tpu.memory_space<vmem>>) dst(%dma_wait3A_67 : memref<80x128xf32, #tpu.memory_space<vmem_shared>>)
      tpu.yield
    }) : () -> ()
    %add3A_26 = arith.constant 480 : i32
    %add3A_27 = arith.addi %mul3A_8, %add3A_26 : i32
    %run_scoped3A_28 = arith.constant 0 : i32
    "tpu.region"() ({
      %run_scoped3A_49 = tpu.sem_alloc : memref<!tpu.dma_semaphore, #tpu.memory_space<semaphore_mem>>
      %dma_start3A = arith.constant 0 : i32
      %dma_start3A_50 = arith.constant 0 : i32
      %dma_start3A_51 = tpu.memref_slice %arg9[%run_scoped3A_28, %dma_start3A, %dma_start3A_50] : memref<2x80x128xf32, #tpu.memory_space<vmem>> -> memref<1x80x128xf32, #tpu.memory_space<vmem>>
      %dma_start3A_52 = tpu.memref_squeeze %dma_start3A_51 : memref<1x80x128xf32, #tpu.memory_space<vmem>> -> memref<80x128xf32, #tpu.memory_space<vmem>>
      %dma_start3A_53 = arith.constant 0 : i32
      %dma_start3A_54 = tpu.memref_slice %arg11[%add3A_27, %dma_start3A_53] : memref<10000x128xf32, #tpu.memory_space<vmem_shared>> -> memref<80x128xf32, #tpu.memory_space<vmem_shared>>
      %dma_start3A_55 = arith.constant 0 : i32
      %dma_start3A_56 = tpu.memref_slice %arg11[%add3A_27, %dma_start3A_55] : memref<10000x128xf32, #tpu.memory_space<vmem_shared>> -> memref<80x128xf32, #tpu.memory_space<vmem_shared>>
      %dma_start3A_57 = arith.constant 0 : i32
      %dma_start3A_58 = arith.constant 0 : i32
      %dma_start3A_59 = tpu.memref_slice %arg9[%run_scoped3A_28, %dma_start3A_57, %dma_start3A_58] : memref<2x80x128xf32, #tpu.memory_space<vmem>> -> memref<1x80x128xf32, #tpu.memory_space<vmem>>
      %dma_start3A_60 = tpu.memref_squeeze %dma_start3A_59 : memref<1x80x128xf32, #tpu.memory_space<vmem>> -> memref<80x128xf32, #tpu.memory_space<vmem>>
      tpu.enqueue_dma source(%dma_start3A_60 : memref<80x128xf32, #tpu.memory_space<vmem>>) target(%dma_start3A_56 : memref<80x128xf32, #tpu.memory_space<vmem_shared>>) target_semaphore(%run_scoped3A_49 : memref<!tpu.dma_semaphore, #tpu.memory_space<semaphore_mem>>)
      %dma_wait3A = arith.constant 0 : i32
      %dma_wait3A_61 = arith.constant 0 : i32
      %dma_wait3A_62 = tpu.memref_slice %arg9[%run_scoped3A_28, %dma_wait3A, %dma_wait3A_61] : memref<2x80x128xf32, #tpu.memory_space<vmem>> -> memref<1x80x128xf32, #tpu.memory_space<vmem>>
      %dma_wait3A_63 = tpu.memref_squeeze %dma_wait3A_62 : memref<1x80x128xf32, #tpu.memory_space<vmem>> -> memref<80x128xf32, #tpu.memory_space<vmem>>
      %dma_wait3A_64 = arith.constant 0 : i32
      %dma_wait3A_65 = tpu.memref_slice %arg11[%add3A_27, %dma_wait3A_64] : memref<10000x128xf32, #tpu.memory_space<vmem_shared>> -> memref<80x128xf32, #tpu.memory_space<vmem_shared>>
      %dma_wait3A_66 = arith.constant 0 : i32
      %dma_wait3A_67 = tpu.memref_slice %arg11[%add3A_27, %dma_wait3A_66] : memref<10000x128xf32, #tpu.memory_space<vmem_shared>> -> memref<80x128xf32, #tpu.memory_space<vmem_shared>>
      %dma_wait3A_68 = arith.constant 0 : i32
      %dma_wait3A_69 = arith.constant 0 : i32
      %dma_wait3A_70 = tpu.memref_slice %arg9[%run_scoped3A_28, %dma_wait3A_68, %dma_wait3A_69] : memref<2x80x128xf32, #tpu.memory_space<vmem>> -> memref<1x80x128xf32, #tpu.memory_space<vmem>>
      %dma_wait3A_71 = tpu.memref_squeeze %dma_wait3A_70 : memref<1x80x128xf32, #tpu.memory_space<vmem>> -> memref<80x128xf32, #tpu.memory_space<vmem>>
      tpu.wait_dma2 semaphore(%run_scoped3A_49 : memref<!tpu.dma_semaphore, #tpu.memory_space<semaphore_mem>>) src(%dma_wait3A_71 : memref<80x128xf32, #tpu.memory_space<vmem>>) dst(%dma_wait3A_67 : memref<80x128xf32, #tpu.memory_space<vmem_shared>>)
      tpu.yield
    }) : () -> ()
    %add3A_29 = arith.constant 560 : i32
    %add3A_30 = arith.addi %mul3A_8, %add3A_29 : i32
    %run_scoped3A_31 = arith.constant 0 : i32
    "tpu.region"() ({
      %run_scoped3A_49 = tpu.sem_alloc : memref<!tpu.dma_semaphore, #tpu.memory_space<semaphore_mem>>
      %dma_start3A = arith.constant 0 : i32
      %dma_start3A_50 = arith.constant 0 : i32
      %dma_start3A_51 = tpu.memref_slice %arg9[%run_scoped3A_31, %dma_start3A, %dma_start3A_50] : memref<2x80x128xf32, #tpu.memory_space<vmem>> -> memref<1x64x128xf32, #tpu.memory_space<vmem>>
      %dma_start3A_52 = tpu.memref_squeeze %dma_start3A_51 : memref<1x64x128xf32, #tpu.memory_space<vmem>> -> memref<64x128xf32, #tpu.memory_space<vmem>>
      %dma_start3A_53 = arith.constant 0 : i32
      %dma_start3A_54 = tpu.memref_slice %arg11[%add3A_30, %dma_start3A_53] : memref<10000x128xf32, #tpu.memory_space<vmem_shared>> -> memref<64x128xf32, #tpu.memory_space<vmem_shared>>
      %dma_start3A_55 = arith.constant 0 : i32
      %dma_start3A_56 = tpu.memref_slice %arg11[%add3A_30, %dma_start3A_55] : memref<10000x128xf32, #tpu.memory_space<vmem_shared>> -> memref<64x128xf32, #tpu.memory_space<vmem_shared>>
      %dma_start3A_57 = arith.constant 0 : i32
      %dma_start3A_58 = arith.constant 0 : i32
      %dma_start3A_59 = tpu.memref_slice %arg9[%run_scoped3A_31, %dma_start3A_57, %dma_start3A_58] : memref<2x80x128xf32, #tpu.memory_space<vmem>> -> memref<1x64x128xf32, #tpu.memory_space<vmem>>
      %dma_start3A_60 = tpu.memref_squeeze %dma_start3A_59 : memref<1x64x128xf32, #tpu.memory_space<vmem>> -> memref<64x128xf32, #tpu.memory_space<vmem>>
      tpu.enqueue_dma source(%dma_start3A_60 : memref<64x128xf32, #tpu.memory_space<vmem>>) target(%dma_start3A_56 : memref<64x128xf32, #tpu.memory_space<vmem_shared>>) target_semaphore(%run_scoped3A_49 : memref<!tpu.dma_semaphore, #tpu.memory_space<semaphore_mem>>)
      %dma_wait3A = arith.constant 0 : i32
      %dma_wait3A_61 = arith.constant 0 : i32
      %dma_wait3A_62 = tpu.memref_slice %arg9[%run_scoped3A_31, %dma_wait3A, %dma_wait3A_61] : memref<2x80x128xf32, #tpu.memory_space<vmem>> -> memref<1x64x128xf32, #tpu.memory_space<vmem>>
      %dma_wait3A_63 = tpu.memref_squeeze %dma_wait3A_62 : memref<1x64x128xf32, #tpu.memory_space<vmem>> -> memref<64x128xf32, #tpu.memory_space<vmem>>
      %dma_wait3A_64 = arith.constant 0 : i32
      %dma_wait3A_65 = tpu.memref_slice %arg11[%add3A_30, %dma_wait3A_64] : memref<10000x128xf32, #tpu.memory_space<vmem_shared>> -> memref<64x128xf32, #tpu.memory_space<vmem_shared>>
      %dma_wait3A_66 = arith.constant 0 : i32
      %dma_wait3A_67 = tpu.memref_slice %arg11[%add3A_30, %dma_wait3A_66] : memref<10000x128xf32, #tpu.memory_space<vmem_shared>> -> memref<64x128xf32, #tpu.memory_space<vmem_shared>>
      %dma_wait3A_68 = arith.constant 0 : i32
      %dma_wait3A_69 = arith.constant 0 : i32
      %dma_wait3A_70 = tpu.memref_slice %arg9[%run_scoped3A_31, %dma_wait3A_68, %dma_wait3A_69] : memref<2x80x128xf32, #tpu.memory_space<vmem>> -> memref<1x64x128xf32, #tpu.memory_space<vmem>>
      %dma_wait3A_71 = tpu.memref_squeeze %dma_wait3A_70 : memref<1x64x128xf32, #tpu.memory_space<vmem>> -> memref<64x128xf32, #tpu.memory_space<vmem>>
      tpu.wait_dma2 semaphore(%run_scoped3A_49 : memref<!tpu.dma_semaphore, #tpu.memory_space<semaphore_mem>>) src(%dma_wait3A_71 : memref<64x128xf32, #tpu.memory_space<vmem>>) dst(%dma_wait3A_67 : memref<64x128xf32, #tpu.memory_space<vmem_shared>>)
      tpu.yield
    }) : () -> ()
    %eq3A = arith.constant 15 : i32
    %eq3A_32 = arith.cmpi eq, %arg1, %eq3A : i32
    %convert_element_type3A = arith.extui %eq3A_32 : i1 to i32
    %cond3A = arith.constant 0 : i32
    %cond3A_33 = arith.cmpi ne, %convert_element_type3A, %cond3A : i32
    scf.if %cond3A_33 {
      %run_scoped3A_49 = arith.constant 0 : i32
      "tpu.region"() ({
        %run_scoped3A_50 = tpu.sem_alloc : memref<!tpu.dma_semaphore, #tpu.memory_space<semaphore_mem>>
        %dma_start3A = arith.constant 0 : i32
        %dma_start3A_51 = arith.constant 0 : i32
        %dma_start3A_52 = tpu.memref_slice %arg9[%run_scoped3A_49, %dma_start3A, %dma_start3A_51] : memref<2x80x128xf32, #tpu.memory_space<vmem>> -> memref<1x16x128xf32, #tpu.memory_space<vmem>>
        %dma_start3A_53 = tpu.memref_squeeze %dma_start3A_52 : memref<1x16x128xf32, #tpu.memory_space<vmem>> -> memref<16x128xf32, #tpu.memory_space<vmem>>
        %dma_start3A_54 = arith.constant 9984 : i32
        %dma_start3A_55 = arith.constant 0 : i32
        %dma_start3A_56 = tpu.memref_slice %arg11[%dma_start3A_54, %dma_start3A_55] : memref<10000x128xf32, #tpu.memory_space<vmem_shared>> -> memref<16x128xf32, #tpu.memory_space<vmem_shared>>
        %dma_start3A_57 = arith.constant 9984 : i32
        %dma_start3A_58 = arith.constant 0 : i32
        %dma_start3A_59 = tpu.memref_slice %arg11[%dma_start3A_57, %dma_start3A_58] : memref<10000x128xf32, #tpu.memory_space<vmem_shared>> -> memref<16x128xf32, #tpu.memory_space<vmem_shared>>
        %dma_start3A_60 = arith.constant 0 : i32
        %dma_start3A_61 = arith.constant 0 : i32
        %dma_start3A_62 = tpu.memref_slice %arg9[%run_scoped3A_49, %dma_start3A_60, %dma_start3A_61] : memref<2x80x128xf32, #tpu.memory_space<vmem>> -> memref<1x16x128xf32, #tpu.memory_space<vmem>>
        %dma_start3A_63 = tpu.memref_squeeze %dma_start3A_62 : memref<1x16x128xf32, #tpu.memory_space<vmem>> -> memref<16x128xf32, #tpu.memory_space<vmem>>
        tpu.enqueue_dma source(%dma_start3A_63 : memref<16x128xf32, #tpu.memory_space<vmem>>) target(%dma_start3A_59 : memref<16x128xf32, #tpu.memory_space<vmem_shared>>) target_semaphore(%run_scoped3A_50 : memref<!tpu.dma_semaphore, #tpu.memory_space<semaphore_mem>>)
        %dma_wait3A = arith.constant 0 : i32
        %dma_wait3A_64 = arith.constant 0 : i32
        %dma_wait3A_65 = tpu.memref_slice %arg9[%run_scoped3A_49, %dma_wait3A, %dma_wait3A_64] : memref<2x80x128xf32, #tpu.memory_space<vmem>> -> memref<1x16x128xf32, #tpu.memory_space<vmem>>
        %dma_wait3A_66 = tpu.memref_squeeze %dma_wait3A_65 : memref<1x16x128xf32, #tpu.memory_space<vmem>> -> memref<16x128xf32, #tpu.memory_space<vmem>>
        %dma_wait3A_67 = arith.constant 9984 : i32
        %dma_wait3A_68 = arith.constant 0 : i32
        %dma_wait3A_69 = tpu.memref_slice %arg11[%dma_wait3A_67, %dma_wait3A_68] : memref<10000x128xf32, #tpu.memory_space<vmem_shared>> -> memref<16x128xf32, #tpu.memory_space<vmem_shared>>
        %dma_wait3A_70 = arith.constant 9984 : i32
        %dma_wait3A_71 = arith.constant 0 : i32
        %dma_wait3A_72 = tpu.memref_slice %arg11[%dma_wait3A_70, %dma_wait3A_71] : memref<10000x128xf32, #tpu.memory_space<vmem_shared>> -> memref<16x128xf32, #tpu.memory_space<vmem_shared>>
        %dma_wait3A_73 = arith.constant 0 : i32
        %dma_wait3A_74 = arith.constant 0 : i32
        %dma_wait3A_75 = tpu.memref_slice %arg9[%run_scoped3A_49, %dma_wait3A_73, %dma_wait3A_74] : memref<2x80x128xf32, #tpu.memory_space<vmem>> -> memref<1x16x128xf32, #tpu.memory_space<vmem>>
        %dma_wait3A_76 = tpu.memref_squeeze %dma_wait3A_75 : memref<1x16x128xf32, #tpu.memory_space<vmem>> -> memref<16x128xf32, #tpu.memory_space<vmem>>
        tpu.wait_dma2 semaphore(%run_scoped3A_50 : memref<!tpu.dma_semaphore, #tpu.memory_space<semaphore_mem>>) src(%dma_wait3A_76 : memref<16x128xf32, #tpu.memory_space<vmem>>) dst(%dma_wait3A_72 : memref<16x128xf32, #tpu.memory_space<vmem_shared>>)
        tpu.yield
      }) : () -> ()
    } else {
    }
    %barrier3A = arith.constant 0 : index
    tpu.barrier barrier_id(%barrier3A)
    %mul3A_34 = arith.constant 10000 : i32
    %mul3A_35 = arith.muli %add3A, %mul3A_34 : i32
    %scan3A_36 = arith.constant 0 : i32
    %scan3A_37 = arith.constant 0 : i32
    %scan3A_38 = arith.constant 5 : i32
    %scan3A_39 = arith.addi %scan3A_37, %scan3A_38 : i32
    %scan3A_40 = arith.constant 1 : i32
    %scan3A_41 = scf.for %scan3A_49 = %scan3A_37 to %scan3A_39 step %scan3A_40 iter_args(%scan3A_50 = %scan3A_36) -> (i32)  : i32 {
      "tpu.region"() ({
        %run_scoped3A_275 = tpu.sem_alloc : memref<!tpu.dma_semaphore, #tpu.memory_space<semaphore_mem>>
        %dma_start3A_276 = arith.constant 0 : i32
        %dma_start3A_277 = arith.constant 0 : i32
        %dma_start3A_278 = tpu.memref_slice %arg3[%add3A, %scan3A_49, %dma_start3A_276, %dma_start3A_277] : memref<32x5x25x80xi32, #tpu.memory_space<hbm>> -> memref<1x1x25x80xi32, #tpu.memory_space<hbm>>
        %dma_start3A_279 = tpu.memref_squeeze %dma_start3A_278 : memref<1x1x25x80xi32, #tpu.memory_space<hbm>> -> memref<25x80xi32, #tpu.memory_space<hbm>>
        %dma_start3A_280 = arith.constant 0 : i32
        %dma_start3A_281 = arith.constant 0 : i32
        %dma_start3A_282 = tpu.memref_slice %arg3[%add3A, %scan3A_49, %dma_start3A_280, %dma_start3A_281] : memref<32x5x25x80xi32, #tpu.memory_space<hbm>> -> memref<1x1x25x80xi32, #tpu.memory_space<hbm>>
        %dma_start3A_283 = tpu.memref_squeeze %dma_start3A_282 : memref<1x1x25x80xi32, #tpu.memory_space<hbm>> -> memref<25x80xi32, #tpu.memory_space<hbm>>
        tpu.enqueue_dma source(%dma_start3A_283 : memref<25x80xi32, #tpu.memory_space<hbm>>) target(%arg7 : memref<25x80xi32, #tpu.memory_space<vmem>>) target_semaphore(%run_scoped3A_275 : memref<!tpu.dma_semaphore, #tpu.memory_space<semaphore_mem>>)
        %dma_wait3A_284 = arith.constant 0 : i32
        %dma_wait3A_285 = arith.constant 0 : i32
        %dma_wait3A_286 = tpu.memref_slice %arg3[%add3A, %scan3A_49, %dma_wait3A_284, %dma_wait3A_285] : memref<32x5x25x80xi32, #tpu.memory_space<hbm>> -> memref<1x1x25x80xi32, #tpu.memory_space<hbm>>
        %dma_wait3A_287 = tpu.memref_squeeze %dma_wait3A_286 : memref<1x1x25x80xi32, #tpu.memory_space<hbm>> -> memref<25x80xi32, #tpu.memory_space<hbm>>
        %dma_wait3A_288 = arith.constant 0 : i32
        %dma_wait3A_289 = arith.constant 0 : i32
        %dma_wait3A_290 = tpu.memref_slice %arg3[%add3A, %scan3A_49, %dma_wait3A_288, %dma_wait3A_289] : memref<32x5x25x80xi32, #tpu.memory_space<hbm>> -> memref<1x1x25x80xi32, #tpu.memory_space<hbm>>
        %dma_wait3A_291 = tpu.memref_squeeze %dma_wait3A_290 : memref<1x1x25x80xi32, #tpu.memory_space<hbm>> -> memref<25x80xi32, #tpu.memory_space<hbm>>
        tpu.wait_dma2 semaphore(%run_scoped3A_275 : memref<!tpu.dma_semaphore, #tpu.memory_space<semaphore_mem>>) src(%dma_wait3A_291 : memref<25x80xi32, #tpu.memory_space<hbm>>) dst(%arg7 : memref<25x80xi32, #tpu.memory_space<vmem>>)
        tpu.yield
      }) : () -> ()
      "tpu.region"() ({
        %run_scoped3A_275 = tpu.sem_alloc : memref<!tpu.dma_semaphore, #tpu.memory_space<semaphore_mem>>
        %dma_start3A_276 = arith.constant 0 : i32
        %dma_start3A_277 = arith.constant 0 : i32
        %dma_start3A_278 = tpu.memref_slice %arg4[%add3A, %scan3A_49, %dma_start3A_276, %dma_start3A_277] : memref<32x5x25x80xi32, #tpu.memory_space<hbm>> -> memref<1x1x25x80xi32, #tpu.memory_space<hbm>>
        %dma_start3A_279 = tpu.memref_squeeze %dma_start3A_278 : memref<1x1x25x80xi32, #tpu.memory_space<hbm>> -> memref<25x80xi32, #tpu.memory_space<hbm>>
        %dma_start3A_280 = arith.constant 0 : i32
        %dma_start3A_281 = arith.constant 0 : i32
        %dma_start3A_282 = tpu.memref_slice %arg4[%add3A, %scan3A_49, %dma_start3A_280, %dma_start3A_281] : memref<32x5x25x80xi32, #tpu.memory_space<hbm>> -> memref<1x1x25x80xi32, #tpu.memory_space<hbm>>
        %dma_start3A_283 = tpu.memref_squeeze %dma_start3A_282 : memref<1x1x25x80xi32, #tpu.memory_space<hbm>> -> memref<25x80xi32, #tpu.memory_space<hbm>>
        tpu.enqueue_dma source(%dma_start3A_283 : memref<25x80xi32, #tpu.memory_space<hbm>>) target(%arg8 : memref<25x80xi32, #tpu.memory_space<vmem>>) target_semaphore(%run_scoped3A_275 : memref<!tpu.dma_semaphore, #tpu.memory_space<semaphore_mem>>)
        %dma_wait3A_284 = arith.constant 0 : i32
        %dma_wait3A_285 = arith.constant 0 : i32
        %dma_wait3A_286 = tpu.memref_slice %arg4[%add3A, %scan3A_49, %dma_wait3A_284, %dma_wait3A_285] : memref<32x5x25x80xi32, #tpu.memory_space<hbm>> -> memref<1x1x25x80xi32, #tpu.memory_space<hbm>>
        %dma_wait3A_287 = tpu.memref_squeeze %dma_wait3A_286 : memref<1x1x25x80xi32, #tpu.memory_space<hbm>> -> memref<25x80xi32, #tpu.memory_space<hbm>>
        %dma_wait3A_288 = arith.constant 0 : i32
        %dma_wait3A_289 = arith.constant 0 : i32
        %dma_wait3A_290 = tpu.memref_slice %arg4[%add3A, %scan3A_49, %dma_wait3A_288, %dma_wait3A_289] : memref<32x5x25x80xi32, #tpu.memory_space<hbm>> -> memref<1x1x25x80xi32, #tpu.memory_space<hbm>>
        %dma_wait3A_291 = tpu.memref_squeeze %dma_wait3A_290 : memref<1x1x25x80xi32, #tpu.memory_space<hbm>> -> memref<25x80xi32, #tpu.memory_space<hbm>>
        tpu.wait_dma2 semaphore(%run_scoped3A_275 : memref<!tpu.dma_semaphore, #tpu.memory_space<semaphore_mem>>) src(%dma_wait3A_291 : memref<25x80xi32, #tpu.memory_space<hbm>>) dst(%arg8 : memref<25x80xi32, #tpu.memory_space<vmem>>)
        tpu.yield
      }) : () -> ()
      %dma_start3A = arith.constant 0 : i32
      %dma_start3A_51 = arith.constant 0 : i32
      %dma_start3A_52 = arith.constant 0 : i32
      %dma_start3A_53 = arith.constant 0 : i32
      %dma_start3A_54 = tpu.memref_slice %arg9[%dma_start3A_51, %dma_start3A_52, %dma_start3A_53] : memref<2x80x128xf32, #tpu.memory_space<vmem>> -> memref<1x80x128xf32, #tpu.memory_space<vmem>>
      %dma_start3A_55 = tpu.memref_squeeze %dma_start3A_54 : memref<1x80x128xf32, #tpu.memory_space<vmem>> -> memref<80x128xf32, #tpu.memory_space<vmem>>
      %dma_start3A_56 = arith.constant 0 : i32
      %dma_start3A_57 = tpu.memref_slice %arg7[%dma_start3A, %dma_start3A_56] : memref<25x80xi32, #tpu.memory_space<vmem>> -> memref<1x80xi32, #tpu.memory_space<vmem>>
      %dma_start3A_58 = tpu.memref_squeeze %dma_start3A_57 : memref<1x80xi32, #tpu.memory_space<vmem>> -> memref<80xi32, #tpu.memory_space<vmem>>
      %dma_start3A_59 = arith.constant 0 : i32
      %dma_start3A_60 = arith.constant 0 : i32
      %dma_start3A_61 = tpu.memref_slice %arg2[%dma_start3A_59, %dma_start3A_60] : memref<10000x128xf32, #tpu.memory_space<hbm>> -> memref<10000x128xf32, #tpu.memory_space<hbm>>
      tpu.enqueue_indirect_dma source(%dma_start3A_61 : memref<10000x128xf32, #tpu.memory_space<hbm>>) target(%dma_start3A_55 : memref<80x128xf32, #tpu.memory_space<vmem>>) offsets(%dma_start3A_58 : memref<80xi32, #tpu.memory_space<vmem>>) semaphore(%arg12 : memref<!tpu.dma_semaphore, #tpu.memory_space<semaphore_mem>>)
      %mul3A_62 = arith.constant 25 : i32
      %mul3A_63 = arith.muli %scan3A_49, %mul3A_62 : i32
      %add3A_64 = arith.constant 0 : i32
      %add3A_65 = arith.addi %mul3A_63, %add3A_64 : i32
      %mul3A_66 = arith.constant 80 : i32
      %mul3A_67 = arith.muli %add3A_65, %mul3A_66 : i32
      %add3A_68 = arith.addi %mul3A_35, %mul3A_67 : i32
      %add3A_69 = arith.constant 0 : i32
      %add3A_70 = arith.addi %add3A_68, %add3A_69 : i32
      %dma_start3A_71 = arith.constant 0 : i32
      %dma_start3A_72 = arith.constant 0 : i32
      %dma_start3A_73 = arith.constant 0 : i32
      %dma_start3A_74 = tpu.memref_slice %arg10[%dma_start3A_71, %dma_start3A_72, %dma_start3A_73] : memref<2x40x128xf32, #tpu.memory_space<vmem>> -> memref<1x40x128xf32, #tpu.memory_space<vmem>>
      %dma_start3A_75 = tpu.memref_squeeze %dma_start3A_74 : memref<1x40x128xf32, #tpu.memory_space<vmem>> -> memref<40x128xf32, #tpu.memory_space<vmem>>
      %dma_start3A_76 = arith.constant 0 : i32
      %dma_start3A_77 = tpu.memref_slice %arg5[%add3A_70, %dma_start3A_76] : memref<320000x128xf32, #tpu.memory_space<hbm>> -> memref<40x128xf32, #tpu.memory_space<hbm>>
      %dma_start3A_78 = arith.constant 0 : i32
      %dma_start3A_79 = arith.constant 0 : i32
      %dma_start3A_80 = tpu.memref_slice %arg10[%dma_start3A_71, %dma_start3A_78, %dma_start3A_79] : memref<2x40x128xf32, #tpu.memory_space<vmem>> -> memref<1x40x128xf32, #tpu.memory_space<vmem>>
      %dma_start3A_81 = tpu.memref_squeeze %dma_start3A_80 : memref<1x40x128xf32, #tpu.memory_space<vmem>> -> memref<40x128xf32, #tpu.memory_space<vmem>>
      %dma_start3A_82 = arith.constant 0 : i32
      %dma_start3A_83 = tpu.memref_slice %arg5[%add3A_70, %dma_start3A_82] : memref<320000x128xf32, #tpu.memory_space<hbm>> -> memref<40x128xf32, #tpu.memory_space<hbm>>
      tpu.enqueue_dma source(%dma_start3A_83 : memref<40x128xf32, #tpu.memory_space<hbm>>) target(%dma_start3A_81 : memref<40x128xf32, #tpu.memory_space<vmem>>) target_semaphore(%arg14 : memref<!tpu.dma_semaphore, #tpu.memory_space<semaphore_mem>>)
      %mul3A_84 = arith.constant 25 : i32
      %mul3A_85 = arith.muli %scan3A_49, %mul3A_84 : i32
      %add3A_86 = arith.constant 0 : i32
      %add3A_87 = arith.addi %mul3A_85, %add3A_86 : i32
      %mul3A_88 = arith.constant 80 : i32
      %mul3A_89 = arith.muli %add3A_87, %mul3A_88 : i32
      %add3A_90 = arith.addi %mul3A_35, %mul3A_89 : i32
      %add3A_91 = arith.constant 40 : i32
      %add3A_92 = arith.addi %add3A_90, %add3A_91 : i32
      %dma_start3A_93 = arith.constant 1 : i32
      %dma_start3A_94 = arith.constant 0 : i32
      %dma_start3A_95 = arith.constant 0 : i32
      %dma_start3A_96 = tpu.memref_slice %arg10[%dma_start3A_93, %dma_start3A_94, %dma_start3A_95] : memref<2x40x128xf32, #tpu.memory_space<vmem>> -> memref<1x40x128xf32, #tpu.memory_space<vmem>>
      %dma_start3A_97 = tpu.memref_squeeze %dma_start3A_96 : memref<1x40x128xf32, #tpu.memory_space<vmem>> -> memref<40x128xf32, #tpu.memory_space<vmem>>
      %dma_start3A_98 = arith.constant 0 : i32
      %dma_start3A_99 = tpu.memref_slice %arg5[%add3A_92, %dma_start3A_98] : memref<320000x128xf32, #tpu.memory_space<hbm>> -> memref<40x128xf32, #tpu.memory_space<hbm>>
      %dma_start3A_100 = arith.constant 0 : i32
      %dma_start3A_101 = arith.constant 0 : i32
      %dma_start3A_102 = tpu.memref_slice %arg10[%dma_start3A_93, %dma_start3A_100, %dma_start3A_101] : memref<2x40x128xf32, #tpu.memory_space<vmem>> -> memref<1x40x128xf32, #tpu.memory_space<vmem>>
      %dma_start3A_103 = tpu.memref_squeeze %dma_start3A_102 : memref<1x40x128xf32, #tpu.memory_space<vmem>> -> memref<40x128xf32, #tpu.memory_space<vmem>>
      %dma_start3A_104 = arith.constant 0 : i32
      %dma_start3A_105 = tpu.memref_slice %arg5[%add3A_92, %dma_start3A_104] : memref<320000x128xf32, #tpu.memory_space<hbm>> -> memref<40x128xf32, #tpu.memory_space<hbm>>
      tpu.enqueue_dma source(%dma_start3A_105 : memref<40x128xf32, #tpu.memory_space<hbm>>) target(%dma_start3A_103 : memref<40x128xf32, #tpu.memory_space<vmem>>) target_semaphore(%arg15 : memref<!tpu.dma_semaphore, #tpu.memory_space<semaphore_mem>>)
      %scan3A_106 = arith.constant 0 : i32
      %scan3A_107 = arith.constant 0 : i32
      %scan3A_108 = arith.constant 12 : i32
      %scan3A_109 = arith.addi %scan3A_107, %scan3A_108 : i32
      %scan3A_110 = arith.constant 1 : i32
      %scan3A_111 = scf.for %scan3A_275 = %scan3A_107 to %scan3A_109 step %scan3A_110 iter_args(%scan3A_276 = %scan3A_106) -> (i32)  : i32 {
        %mul3A_277 = arith.constant 2 : i32
        %mul3A_278 = arith.muli %mul3A_277, %scan3A_275 : i32
        %dma_wait3A_279 = arith.constant 0 : i32
        %dma_wait3A_280 = arith.constant 0 : i32
        %dma_wait3A_281 = arith.constant 0 : i32
        %dma_wait3A_282 = tpu.memref_slice %arg9[%dma_wait3A_279, %dma_wait3A_280, %dma_wait3A_281] : memref<2x80x128xf32, #tpu.memory_space<vmem>> -> memref<1x80x128xf32, #tpu.memory_space<vmem>>
        %dma_wait3A_283 = tpu.memref_squeeze %dma_wait3A_282 : memref<1x80x128xf32, #tpu.memory_space<vmem>> -> memref<80x128xf32, #tpu.memory_space<vmem>>
        %dma_wait3A_284 = arith.constant 0 : i32
        %dma_wait3A_285 = tpu.memref_slice %arg7[%mul3A_278, %dma_wait3A_284] : memref<25x80xi32, #tpu.memory_space<vmem>> -> memref<1x80xi32, #tpu.memory_space<vmem>>
        %dma_wait3A_286 = tpu.memref_squeeze %dma_wait3A_285 : memref<1x80xi32, #tpu.memory_space<vmem>> -> memref<80xi32, #tpu.memory_space<vmem>>
        %dma_wait3A_287 = arith.constant 0 : i32
        %dma_wait3A_288 = arith.constant 0 : i32
        %dma_wait3A_289 = tpu.memref_slice %arg2[%dma_wait3A_287, %dma_wait3A_288] : memref<10000x128xf32, #tpu.memory_space<hbm>> -> memref<10000x128xf32, #tpu.memory_space<hbm>>
        tpu.wait_indirect_dma semaphore(%arg12 : memref<!tpu.dma_semaphore, #tpu.memory_space<semaphore_mem>>) src(%dma_wait3A_289 : memref<10000x128xf32, #tpu.memory_space<hbm>>) dst(%dma_wait3A_283 : memref<80x128xf32, #tpu.memory_space<vmem>>)
        %gt3A = arith.constant 0 : i32
        %gt3A_290 = arith.cmpi sgt, %scan3A_275, %gt3A : i32
        %convert_element_type3A_291 = arith.extui %gt3A_290 : i1 to i32
        %cond3A_292 = arith.constant 0 : i32
        %cond3A_293 = arith.cmpi ne, %convert_element_type3A_291, %cond3A_292 : i32
        scf.if %cond3A_293 {
          %sub3A = arith.constant 1 : i32
          %sub3A_532 = arith.subi %mul3A_278, %sub3A : i32
          %dma_wait3A_533 = arith.constant 1 : i32
          %dma_wait3A_534 = arith.constant 0 : i32
          %dma_wait3A_535 = arith.constant 0 : i32
          %dma_wait3A_536 = tpu.memref_slice %arg9[%dma_wait3A_533, %dma_wait3A_534, %dma_wait3A_535] : memref<2x80x128xf32, #tpu.memory_space<vmem>> -> memref<1x80x128xf32, #tpu.memory_space<vmem>>
          %dma_wait3A_537 = tpu.memref_squeeze %dma_wait3A_536 : memref<1x80x128xf32, #tpu.memory_space<vmem>> -> memref<80x128xf32, #tpu.memory_space<vmem>>
          %dma_wait3A_538 = arith.constant 0 : i32
          %dma_wait3A_539 = tpu.memref_slice %arg8[%sub3A_532, %dma_wait3A_538] : memref<25x80xi32, #tpu.memory_space<vmem>> -> memref<1x80xi32, #tpu.memory_space<vmem>>
          %dma_wait3A_540 = tpu.memref_squeeze %dma_wait3A_539 : memref<1x80xi32, #tpu.memory_space<vmem>> -> memref<80xi32, #tpu.memory_space<vmem>>
          %dma_wait3A_541 = arith.constant 0 : i32
          %dma_wait3A_542 = arith.constant 0 : i32
          %dma_wait3A_543 = tpu.memref_slice %arg11[%dma_wait3A_541, %dma_wait3A_542] : memref<10000x128xf32, #tpu.memory_space<vmem_shared>> -> memref<10000x128xf32, #tpu.memory_space<vmem_shared>>
          tpu.wait_indirect_dma semaphore(%arg17 : memref<!tpu.dma_semaphore, #tpu.memory_space<semaphore_mem>>) src(%dma_wait3A_537 : memref<80x128xf32, #tpu.memory_space<vmem>>) dst(%dma_wait3A_543 : memref<10000x128xf32, #tpu.memory_space<vmem_shared>>)
        } else {
        }
        %add3A_294 = arith.constant 1 : i32
        %add3A_295 = arith.addi %mul3A_278, %add3A_294 : i32
        %dma_start3A_296 = arith.constant 1 : i32
        %dma_start3A_297 = arith.constant 0 : i32
        %dma_start3A_298 = arith.constant 0 : i32
        %dma_start3A_299 = tpu.memref_slice %arg9[%dma_start3A_296, %dma_start3A_297, %dma_start3A_298] : memref<2x80x128xf32, #tpu.memory_space<vmem>> -> memref<1x80x128xf32, #tpu.memory_space<vmem>>
        %dma_start3A_300 = tpu.memref_squeeze %dma_start3A_299 : memref<1x80x128xf32, #tpu.memory_space<vmem>> -> memref<80x128xf32, #tpu.memory_space<vmem>>
        %dma_start3A_301 = arith.constant 0 : i32
        %dma_start3A_302 = tpu.memref_slice %arg7[%add3A_295, %dma_start3A_301] : memref<25x80xi32, #tpu.memory_space<vmem>> -> memref<1x80xi32, #tpu.memory_space<vmem>>
        %dma_start3A_303 = tpu.memref_squeeze %dma_start3A_302 : memref<1x80xi32, #tpu.memory_space<vmem>> -> memref<80xi32, #tpu.memory_space<vmem>>
        %dma_start3A_304 = arith.constant 0 : i32
        %dma_start3A_305 = arith.constant 0 : i32
        %dma_start3A_306 = tpu.memref_slice %arg2[%dma_start3A_304, %dma_start3A_305] : memref<10000x128xf32, #tpu.memory_space<hbm>> -> memref<10000x128xf32, #tpu.memory_space<hbm>>
        tpu.enqueue_indirect_dma source(%dma_start3A_306 : memref<10000x128xf32, #tpu.memory_space<hbm>>) target(%dma_start3A_300 : memref<80x128xf32, #tpu.memory_space<vmem>>) offsets(%dma_start3A_303 : memref<80xi32, #tpu.memory_space<vmem>>) semaphore(%arg13 : memref<!tpu.dma_semaphore, #tpu.memory_space<semaphore_mem>>)
        %mul3A_307 = arith.constant 25 : i32
        %mul3A_308 = arith.muli %scan3A_49, %mul3A_307 : i32
        %add3A_309 = arith.addi %mul3A_308, %mul3A_278 : i32
        %mul3A_310 = arith.constant 80 : i32
        %mul3A_311 = arith.muli %add3A_309, %mul3A_310 : i32
        %add3A_312 = arith.addi %mul3A_35, %mul3A_311 : i32
        %add3A_313 = arith.constant 0 : i32
        %add3A_314 = arith.addi %add3A_312, %add3A_313 : i32
        %dma_wait3A_315 = arith.constant 0 : i32
        %dma_wait3A_316 = arith.constant 0 : i32
        %dma_wait3A_317 = arith.constant 0 : i32
        %dma_wait3A_318 = tpu.memref_slice %arg10[%dma_wait3A_315, %dma_wait3A_316, %dma_wait3A_317] : memref<2x40x128xf32, #tpu.memory_space<vmem>> -> memref<1x40x128xf32, #tpu.memory_space<vmem>>
        %dma_wait3A_319 = tpu.memref_squeeze %dma_wait3A_318 : memref<1x40x128xf32, #tpu.memory_space<vmem>> -> memref<40x128xf32, #tpu.memory_space<vmem>>
        %dma_wait3A_320 = arith.constant 0 : i32
        %dma_wait3A_321 = tpu.memref_slice %arg5[%add3A_314, %dma_wait3A_320] : memref<320000x128xf32, #tpu.memory_space<hbm>> -> memref<40x128xf32, #tpu.memory_space<hbm>>
        %dma_wait3A_322 = arith.constant 0 : i32
        %dma_wait3A_323 = arith.constant 0 : i32
        %dma_wait3A_324 = tpu.memref_slice %arg10[%dma_wait3A_315, %dma_wait3A_322, %dma_wait3A_323] : memref<2x40x128xf32, #tpu.memory_space<vmem>> -> memref<1x40x128xf32, #tpu.memory_space<vmem>>
        %dma_wait3A_325 = tpu.memref_squeeze %dma_wait3A_324 : memref<1x40x128xf32, #tpu.memory_space<vmem>> -> memref<40x128xf32, #tpu.memory_space<vmem>>
        %dma_wait3A_326 = arith.constant 0 : i32
        %dma_wait3A_327 = tpu.memref_slice %arg5[%add3A_314, %dma_wait3A_326] : memref<320000x128xf32, #tpu.memory_space<hbm>> -> memref<40x128xf32, #tpu.memory_space<hbm>>
        tpu.wait_dma2 semaphore(%arg14 : memref<!tpu.dma_semaphore, #tpu.memory_space<semaphore_mem>>) src(%dma_wait3A_327 : memref<40x128xf32, #tpu.memory_space<hbm>>) dst(%dma_wait3A_325 : memref<40x128xf32, #tpu.memory_space<vmem>>)
        %scan3A_328 = arith.constant 0 : i32
        %scan3A_329 = arith.constant 0 : i32
        %scan3A_330 = arith.constant 40 : i32
        %scan3A_331 = arith.addi %scan3A_329, %scan3A_330 : i32
        %scan3A_332 = arith.constant 1 : i32
        %scan3A_333 = scf.for %scan3A_532 = %scan3A_329 to %scan3A_331 step %scan3A_332 iter_args(%scan3A_533 = %scan3A_328) -> (i32)  : i32 {
          %add3A_534 = arith.constant 0 : i32
          %add3A_535 = arith.addi %add3A_534, %scan3A_532 : i32
          %get3A = arith.constant 0 : i32
          %get3A_536 = arith.index_cast %get3A : i32 to index
          %get3A_537 = arith.index_cast %add3A_535 : i32 to index
          %get3A_538 = arith.constant 0 : index
          %get3A_539 = tpu.vector_load %arg9[%get3A_536, %get3A_537, %get3A_538] {strides = array<i32>} : memref<2x80x128xf32, #tpu.memory_space<vmem>>, vector<1x1x16xf32>,
          %get3A_540 = vector.shape_cast %get3A_539 : vector<1x1x16xf32> to vector<16xf32>
          %get3A_541 = arith.constant 0 : i32
          %get3A_542 = arith.index_cast %get3A_541 : i32 to index
          %get3A_543 = arith.index_cast %scan3A_532 : i32 to index
          %get3A_544 = arith.constant 0 : index
          %get3A_545 = tpu.vector_load %arg10[%get3A_542, %get3A_543, %get3A_544] {strides = array<i32>} : memref<2x40x128xf32, #tpu.memory_space<vmem>>, vector<1x1x16xf32>,
          %get3A_546 = vector.shape_cast %get3A_545 : vector<1x1x16xf32> to vector<16xf32>
          %add3A_547 = arith.addf %get3A_540, %get3A_546 : vector<16xf32>
          %max3A = arith.constant 0.000000e+00 : f32
          %max3A_548 = vector.broadcast %max3A : f32 to vector<16xf32>
          %max3A_549 = arith.maximumf %add3A_547, %max3A_548 : vector<16xf32>
          %add3A_550 = arith.constant 0 : i32
          %add3A_551 = arith.addi %add3A_550, %scan3A_532 : i32
          %swap3A = arith.constant 0 : i32
          %swap3A_552 = arith.index_cast %swap3A : i32 to index
          %swap3A_553 = arith.index_cast %add3A_551 : i32 to index
          %swap3A_554 = arith.constant 0 : index
          %swap3A_555 = tpu.vector_load %arg9[%swap3A_552, %swap3A_553, %swap3A_554] {strides = array<i32>} : memref<2x80x128xf32, #tpu.memory_space<vmem>>, vector<1x1x16xf32>,
          %swap3A_556 = vector.shape_cast %swap3A_555 : vector<1x1x16xf32> to vector<16xf32>
          %swap3A_557 = vector.shape_cast %max3A_549 : vector<16xf32> to vector<1x1x16xf32>
          tpu.vector_store %arg9[%swap3A_552, %swap3A_553, %swap3A_554], %swap3A_557 {strides = array<i32>} : memref<2x80x128xf32, #tpu.memory_space<vmem>>, vector<1x1x16xf32>,
          %add3A_558 = arith.constant 0 : i32
          %add3A_559 = arith.addi %add3A_558, %scan3A_532 : i32
          %get3A_560 = arith.constant 0 : i32
          %get3A_561 = arith.index_cast %get3A_560 : i32 to index
          %get3A_562 = arith.index_cast %add3A_559 : i32 to index
          %get3A_563 = arith.constant 16 : index
          %get3A_564 = tpu.vector_load %arg9[%get3A_561, %get3A_562, %get3A_563] {strides = array<i32>} : memref<2x80x128xf32, #tpu.memory_space<vmem>>, vector<1x1x16xf32>,
          %get3A_565 = vector.shape_cast %get3A_564 : vector<1x1x16xf32> to vector<16xf32>
          %get3A_566 = arith.constant 0 : i32
          %get3A_567 = arith.index_cast %get3A_566 : i32 to index
          %get3A_568 = arith.index_cast %scan3A_532 : i32 to index
          %get3A_569 = arith.constant 16 : index
          %get3A_570 = tpu.vector_load %arg10[%get3A_567, %get3A_568, %get3A_569] {strides = array<i32>} : memref<2x40x128xf32, #tpu.memory_space<vmem>>, vector<1x1x16xf32>,
          %get3A_571 = vector.shape_cast %get3A_570 : vector<1x1x16xf32> to vector<16xf32>
          %add3A_572 = arith.addf %get3A_565, %get3A_571 : vector<16xf32>
          %max3A_573 = arith.constant 0.000000e+00 : f32
          %max3A_574 = vector.broadcast %max3A_573 : f32 to vector<16xf32>
          %max3A_575 = arith.maximumf %add3A_572, %max3A_574 : vector<16xf32>
          %add3A_576 = arith.constant 0 : i32
          %add3A_577 = arith.addi %add3A_576, %scan3A_532 : i32
          %swap3A_578 = arith.constant 0 : i32
          %swap3A_579 = arith.index_cast %swap3A_578 : i32 to index
          %swap3A_580 = arith.index_cast %add3A_577 : i32 to index
          %swap3A_581 = arith.constant 16 : index
          %swap3A_582 = tpu.vector_load %arg9[%swap3A_579, %swap3A_580, %swap3A_581] {strides = array<i32>} : memref<2x80x128xf32, #tpu.memory_space<vmem>>, vector<1x1x16xf32>,
          %swap3A_583 = vector.shape_cast %swap3A_582 : vector<1x1x16xf32> to vector<16xf32>
          %swap3A_584 = vector.shape_cast %max3A_575 : vector<16xf32> to vector<1x1x16xf32>
          tpu.vector_store %arg9[%swap3A_579, %swap3A_580, %swap3A_581], %swap3A_584 {strides = array<i32>} : memref<2x80x128xf32, #tpu.memory_space<vmem>>, vector<1x1x16xf32>,
          %add3A_585 = arith.constant 0 : i32
          %add3A_586 = arith.addi %add3A_585, %scan3A_532 : i32
          %get3A_587 = arith.constant 0 : i32
          %get3A_588 = arith.index_cast %get3A_587 : i32 to index
          %get3A_589 = arith.index_cast %add3A_586 : i32 to index
          %get3A_590 = arith.constant 32 : index
          %get3A_591 = tpu.vector_load %arg9[%get3A_588, %get3A_589, %get3A_590] {strides = array<i32>} : memref<2x80x128xf32, #tpu.memory_space<vmem>>, vector<1x1x16xf32>,
          %get3A_592 = vector.shape_cast %get3A_591 : vector<1x1x16xf32> to vector<16xf32>
          %get3A_593 = arith.constant 0 : i32
          %get3A_594 = arith.index_cast %get3A_593 : i32 to index
          %get3A_595 = arith.index_cast %scan3A_532 : i32 to index
          %get3A_596 = arith.constant 32 : index
          %get3A_597 = tpu.vector_load %arg10[%get3A_594, %get3A_595, %get3A_596] {strides = array<i32>} : memref<2x40x128xf32, #tpu.memory_space<vmem>>, vector<1x1x16xf32>,
          %get3A_598 = vector.shape_cast %get3A_597 : vector<1x1x16xf32> to vector<16xf32>
          %add3A_599 = arith.addf %get3A_592, %get3A_598 : vector<16xf32>
          %max3A_600 = arith.constant 0.000000e+00 : f32
          %max3A_601 = vector.broadcast %max3A_600 : f32 to vector<16xf32>
          %max3A_602 = arith.maximumf %add3A_599, %max3A_601 : vector<16xf32>
          %add3A_603 = arith.constant 0 : i32
          %add3A_604 = arith.addi %add3A_603, %scan3A_532 : i32
          %swap3A_605 = arith.constant 0 : i32
          %swap3A_606 = arith.index_cast %swap3A_605 : i32 to index
          %swap3A_607 = arith.index_cast %add3A_604 : i32 to index
          %swap3A_608 = arith.constant 32 : index
          %swap3A_609 = tpu.vector_load %arg9[%swap3A_606, %swap3A_607, %swap3A_608] {strides = array<i32>} : memref<2x80x128xf32, #tpu.memory_space<vmem>>, vector<1x1x16xf32>,
          %swap3A_610 = vector.shape_cast %swap3A_609 : vector<1x1x16xf32> to vector<16xf32>
          %swap3A_611 = vector.shape_cast %max3A_602 : vector<16xf32> to vector<1x1x16xf32>
          tpu.vector_store %arg9[%swap3A_606, %swap3A_607, %swap3A_608], %swap3A_611 {strides = array<i32>} : memref<2x80x128xf32, #tpu.memory_space<vmem>>, vector<1x1x16xf32>,
          %add3A_612 = arith.constant 0 : i32
          %add3A_613 = arith.addi %add3A_612, %scan3A_532 : i32
          %get3A_614 = arith.constant 0 : i32
          %get3A_615 = arith.index_cast %get3A_614 : i32 to index
          %get3A_616 = arith.index_cast %add3A_613 : i32 to index
          %get3A_617 = arith.constant 48 : index
          %get3A_618 = tpu.vector_load %arg9[%get3A_615, %get3A_616, %get3A_617] {strides = array<i32>} : memref<2x80x128xf32, #tpu.memory_space<vmem>>, vector<1x1x16xf32>,
          %get3A_619 = vector.shape_cast %get3A_618 : vector<1x1x16xf32> to vector<16xf32>
          %get3A_620 = arith.constant 0 : i32
          %get3A_621 = arith.index_cast %get3A_620 : i32 to index
          %get3A_622 = arith.index_cast %scan3A_532 : i32 to index
          %get3A_623 = arith.constant 48 : index
          %get3A_624 = tpu.vector_load %arg10[%get3A_621, %get3A_622, %get3A_623] {strides = array<i32>} : memref<2x40x128xf32, #tpu.memory_space<vmem>>, vector<1x1x16xf32>,
          %get3A_625 = vector.shape_cast %get3A_624 : vector<1x1x16xf32> to vector<16xf32>
          %add3A_626 = arith.addf %get3A_619, %get3A_625 : vector<16xf32>
          %max3A_627 = arith.constant 0.000000e+00 : f32
          %max3A_628 = vector.broadcast %max3A_627 : f32 to vector<16xf32>
          %max3A_629 = arith.maximumf %add3A_626, %max3A_628 : vector<16xf32>
          %add3A_630 = arith.constant 0 : i32
          %add3A_631 = arith.addi %add3A_630, %scan3A_532 : i32
          %swap3A_632 = arith.constant 0 : i32
          %swap3A_633 = arith.index_cast %swap3A_632 : i32 to index
          %swap3A_634 = arith.index_cast %add3A_631 : i32 to index
          %swap3A_635 = arith.constant 48 : index
          %swap3A_636 = tpu.vector_load %arg9[%swap3A_633, %swap3A_634, %swap3A_635] {strides = array<i32>} : memref<2x80x128xf32, #tpu.memory_space<vmem>>, vector<1x1x16xf32>,
          %swap3A_637 = vector.shape_cast %swap3A_636 : vector<1x1x16xf32> to vector<16xf32>
          %swap3A_638 = vector.shape_cast %max3A_629 : vector<16xf32> to vector<1x1x16xf32>
          tpu.vector_store %arg9[%swap3A_633, %swap3A_634, %swap3A_635], %swap3A_638 {strides = array<i32>} : memref<2x80x128xf32, #tpu.memory_space<vmem>>, vector<1x1x16xf32>,
          %add3A_639 = arith.constant 0 : i32
          %add3A_640 = arith.addi %add3A_639, %scan3A_532 : i32
          %get3A_641 = arith.constant 0 : i32
          %get3A_642 = arith.index_cast %get3A_641 : i32 to index
          %get3A_643 = arith.index_cast %add3A_640 : i32 to index
          %get3A_644 = arith.constant 64 : index
          %get3A_645 = tpu.vector_load %arg9[%get3A_642, %get3A_643, %get3A_644] {strides = array<i32>} : memref<2x80x128xf32, #tpu.memory_space<vmem>>, vector<1x1x16xf32>,
          %get3A_646 = vector.shape_cast %get3A_645 : vector<1x1x16xf32> to vector<16xf32>
          %get3A_647 = arith.constant 0 : i32
          %get3A_648 = arith.index_cast %get3A_647 : i32 to index
          %get3A_649 = arith.index_cast %scan3A_532 : i32 to index
          %get3A_650 = arith.constant 64 : index
          %get3A_651 = tpu.vector_load %arg10[%get3A_648, %get3A_649, %get3A_650] {strides = array<i32>} : memref<2x40x128xf32, #tpu.memory_space<vmem>>, vector<1x1x16xf32>,
          %get3A_652 = vector.shape_cast %get3A_651 : vector<1x1x16xf32> to vector<16xf32>
          %add3A_653 = arith.addf %get3A_646, %get3A_652 : vector<16xf32>
          %max3A_654 = arith.constant 0.000000e+00 : f32
          %max3A_655 = vector.broadcast %max3A_654 : f32 to vector<16xf32>
          %max3A_656 = arith.maximumf %add3A_653, %max3A_655 : vector<16xf32>
          %add3A_657 = arith.constant 0 : i32
          %add3A_658 = arith.addi %add3A_657, %scan3A_532 : i32
          %swap3A_659 = arith.constant 0 : i32
          %swap3A_660 = arith.index_cast %swap3A_659 : i32 to index
          %swap3A_661 = arith.index_cast %add3A_658 : i32 to index
          %swap3A_662 = arith.constant 64 : index
          %swap3A_663 = tpu.vector_load %arg9[%swap3A_660, %swap3A_661, %swap3A_662] {strides = array<i32>} : memref<2x80x128xf32, #tpu.memory_space<vmem>>, vector<1x1x16xf32>,
          %swap3A_664 = vector.shape_cast %swap3A_663 : vector<1x1x16xf32> to vector<16xf32>
          %swap3A_665 = vector.shape_cast %max3A_656 : vector<16xf32> to vector<1x1x16xf32>
          tpu.vector_store %arg9[%swap3A_660, %swap3A_661, %swap3A_662], %swap3A_665 {strides = array<i32>} : memref<2x80x128xf32, #tpu.memory_space<vmem>>, vector<1x1x16xf32>,
          %add3A_666 = arith.constant 0 : i32
          %add3A_667 = arith.addi %add3A_666, %scan3A_532 : i32
          %get3A_668 = arith.constant 0 : i32
          %get3A_669 = arith.index_cast %get3A_668 : i32 to index
          %get3A_670 = arith.index_cast %add3A_667 : i32 to index
          %get3A_671 = arith.constant 80 : index
          %get3A_672 = tpu.vector_load %arg9[%get3A_669, %get3A_670, %get3A_671] {strides = array<i32>} : memref<2x80x128xf32, #tpu.memory_space<vmem>>, vector<1x1x16xf32>,
          %get3A_673 = vector.shape_cast %get3A_672 : vector<1x1x16xf32> to vector<16xf32>
          %get3A_674 = arith.constant 0 : i32
          %get3A_675 = arith.index_cast %get3A_674 : i32 to index
          %get3A_676 = arith.index_cast %scan3A_532 : i32 to index
          %get3A_677 = arith.constant 80 : index
          %get3A_678 = tpu.vector_load %arg10[%get3A_675, %get3A_676, %get3A_677] {strides = array<i32>} : memref<2x40x128xf32, #tpu.memory_space<vmem>>, vector<1x1x16xf32>,
          %get3A_679 = vector.shape_cast %get3A_678 : vector<1x1x16xf32> to vector<16xf32>
          %add3A_680 = arith.addf %get3A_673, %get3A_679 : vector<16xf32>
          %max3A_681 = arith.constant 0.000000e+00 : f32
          %max3A_682 = vector.broadcast %max3A_681 : f32 to vector<16xf32>
          %max3A_683 = arith.maximumf %add3A_680, %max3A_682 : vector<16xf32>
          %add3A_684 = arith.constant 0 : i32
          %add3A_685 = arith.addi %add3A_684, %scan3A_532 : i32
          %swap3A_686 = arith.constant 0 : i32
          %swap3A_687 = arith.index_cast %swap3A_686 : i32 to index
          %swap3A_688 = arith.index_cast %add3A_685 : i32 to index
          %swap3A_689 = arith.constant 80 : index
          %swap3A_690 = tpu.vector_load %arg9[%swap3A_687, %swap3A_688, %swap3A_689] {strides = array<i32>} : memref<2x80x128xf32, #tpu.memory_space<vmem>>, vector<1x1x16xf32>,
          %swap3A_691 = vector.shape_cast %swap3A_690 : vector<1x1x16xf32> to vector<16xf32>
          %swap3A_692 = vector.shape_cast %max3A_683 : vector<16xf32> to vector<1x1x16xf32>
          tpu.vector_store %arg9[%swap3A_687, %swap3A_688, %swap3A_689], %swap3A_692 {strides = array<i32>} : memref<2x80x128xf32, #tpu.memory_space<vmem>>, vector<1x1x16xf32>,
          %add3A_693 = arith.constant 0 : i32
          %add3A_694 = arith.addi %add3A_693, %scan3A_532 : i32
          %get3A_695 = arith.constant 0 : i32
          %get3A_696 = arith.index_cast %get3A_695 : i32 to index
          %get3A_697 = arith.index_cast %add3A_694 : i32 to index
          %get3A_698 = arith.constant 96 : index
          %get3A_699 = tpu.vector_load %arg9[%get3A_696, %get3A_697, %get3A_698] {strides = array<i32>} : memref<2x80x128xf32, #tpu.memory_space<vmem>>, vector<1x1x16xf32>,
          %get3A_700 = vector.shape_cast %get3A_699 : vector<1x1x16xf32> to vector<16xf32>
          %get3A_701 = arith.constant 0 : i32
          %get3A_702 = arith.index_cast %get3A_701 : i32 to index
          %get3A_703 = arith.index_cast %scan3A_532 : i32 to index
          %get3A_704 = arith.constant 96 : index
          %get3A_705 = tpu.vector_load %arg10[%get3A_702, %get3A_703, %get3A_704] {strides = array<i32>} : memref<2x40x128xf32, #tpu.memory_space<vmem>>, vector<1x1x16xf32>,
          %get3A_706 = vector.shape_cast %get3A_705 : vector<1x1x16xf32> to vector<16xf32>
          %add3A_707 = arith.addf %get3A_700, %get3A_706 : vector<16xf32>
          %max3A_708 = arith.constant 0.000000e+00 : f32
          %max3A_709 = vector.broadcast %max3A_708 : f32 to vector<16xf32>
          %max3A_710 = arith.maximumf %add3A_707, %max3A_709 : vector<16xf32>
          %add3A_711 = arith.constant 0 : i32
          %add3A_712 = arith.addi %add3A_711, %scan3A_532 : i32
          %swap3A_713 = arith.constant 0 : i32
          %swap3A_714 = arith.index_cast %swap3A_713 : i32 to index
          %swap3A_715 = arith.index_cast %add3A_712 : i32 to index
          %swap3A_716 = arith.constant 96 : index
          %swap3A_717 = tpu.vector_load %arg9[%swap3A_714, %swap3A_715, %swap3A_716] {strides = array<i32>} : memref<2x80x128xf32, #tpu.memory_space<vmem>>, vector<1x1x16xf32>,
          %swap3A_718 = vector.shape_cast %swap3A_717 : vector<1x1x16xf32> to vector<16xf32>
          %swap3A_719 = vector.shape_cast %max3A_710 : vector<16xf32> to vector<1x1x16xf32>
          tpu.vector_store %arg9[%swap3A_714, %swap3A_715, %swap3A_716], %swap3A_719 {strides = array<i32>} : memref<2x80x128xf32, #tpu.memory_space<vmem>>, vector<1x1x16xf32>,
          %add3A_720 = arith.constant 0 : i32
          %add3A_721 = arith.addi %add3A_720, %scan3A_532 : i32
          %get3A_722 = arith.constant 0 : i32
          %get3A_723 = arith.index_cast %get3A_722 : i32 to index
          %get3A_724 = arith.index_cast %add3A_721 : i32 to index
          %get3A_725 = arith.constant 112 : index
          %get3A_726 = tpu.vector_load %arg9[%get3A_723, %get3A_724, %get3A_725] {strides = array<i32>} : memref<2x80x128xf32, #tpu.memory_space<vmem>>, vector<1x1x16xf32>,
          %get3A_727 = vector.shape_cast %get3A_726 : vector<1x1x16xf32> to vector<16xf32>
          %get3A_728 = arith.constant 0 : i32
          %get3A_729 = arith.index_cast %get3A_728 : i32 to index
          %get3A_730 = arith.index_cast %scan3A_532 : i32 to index
          %get3A_731 = arith.constant 112 : index
          %get3A_732 = tpu.vector_load %arg10[%get3A_729, %get3A_730, %get3A_731] {strides = array<i32>} : memref<2x40x128xf32, #tpu.memory_space<vmem>>, vector<1x1x16xf32>,
          %get3A_733 = vector.shape_cast %get3A_732 : vector<1x1x16xf32> to vector<16xf32>
          %add3A_734 = arith.addf %get3A_727, %get3A_733 : vector<16xf32>
          %max3A_735 = arith.constant 0.000000e+00 : f32
          %max3A_736 = vector.broadcast %max3A_735 : f32 to vector<16xf32>
          %max3A_737 = arith.maximumf %add3A_734, %max3A_736 : vector<16xf32>
          %add3A_738 = arith.constant 0 : i32
          %add3A_739 = arith.addi %add3A_738, %scan3A_532 : i32
          %swap3A_740 = arith.constant 0 : i32
          %swap3A_741 = arith.index_cast %swap3A_740 : i32 to index
          %swap3A_742 = arith.index_cast %add3A_739 : i32 to index
          %swap3A_743 = arith.constant 112 : index
          %swap3A_744 = tpu.vector_load %arg9[%swap3A_741, %swap3A_742, %swap3A_743] {strides = array<i32>} : memref<2x80x128xf32, #tpu.memory_space<vmem>>, vector<1x1x16xf32>,
          %swap3A_745 = vector.shape_cast %swap3A_744 : vector<1x1x16xf32> to vector<16xf32>
          %swap3A_746 = vector.shape_cast %max3A_737 : vector<16xf32> to vector<1x1x16xf32>
          tpu.vector_store %arg9[%swap3A_741, %swap3A_742, %swap3A_743], %swap3A_746 {strides = array<i32>} : memref<2x80x128xf32, #tpu.memory_space<vmem>>, vector<1x1x16xf32>,
          %scan3A_747 = arith.constant 0 : i32
          scf.yield %scan3A_747 : i32
        }
        %scan3A_334 = arith.constant 40 : i32
        %add3A_335 = arith.constant 1 : i32
        %add3A_336 = arith.addi %mul3A_278, %add3A_335 : i32
        %mul3A_337 = arith.constant 25 : i32
        %mul3A_338 = arith.muli %scan3A_49, %mul3A_337 : i32
        %add3A_339 = arith.addi %mul3A_338, %add3A_336 : i32
        %mul3A_340 = arith.constant 80 : i32
        %mul3A_341 = arith.muli %add3A_339, %mul3A_340 : i32
        %add3A_342 = arith.addi %mul3A_35, %mul3A_341 : i32
        %add3A_343 = arith.constant 0 : i32
        %add3A_344 = arith.addi %add3A_342, %add3A_343 : i32
        %dma_start3A_345 = arith.constant 0 : i32
        %dma_start3A_346 = arith.constant 0 : i32
        %dma_start3A_347 = arith.constant 0 : i32
        %dma_start3A_348 = tpu.memref_slice %arg10[%dma_start3A_345, %dma_start3A_346, %dma_start3A_347] : memref<2x40x128xf32, #tpu.memory_space<vmem>> -> memref<1x40x128xf32, #tpu.memory_space<vmem>>
        %dma_start3A_349 = tpu.memref_squeeze %dma_start3A_348 : memref<1x40x128xf32, #tpu.memory_space<vmem>> -> memref<40x128xf32, #tpu.memory_space<vmem>>
        %dma_start3A_350 = arith.constant 0 : i32
        %dma_start3A_351 = tpu.memref_slice %arg5[%add3A_344, %dma_start3A_350] : memref<320000x128xf32, #tpu.memory_space<hbm>> -> memref<40x128xf32, #tpu.memory_space<hbm>>
        %dma_start3A_352 = arith.constant 0 : i32
        %dma_start3A_353 = arith.constant 0 : i32
        %dma_start3A_354 = tpu.memref_slice %arg10[%dma_start3A_345, %dma_start3A_352, %dma_start3A_353] : memref<2x40x128xf32, #tpu.memory_space<vmem>> -> memref<1x40x128xf32, #tpu.memory_space<vmem>>
        %dma_start3A_355 = tpu.memref_squeeze %dma_start3A_354 : memref<1x40x128xf32, #tpu.memory_space<vmem>> -> memref<40x128xf32, #tpu.memory_space<vmem>>
        %dma_start3A_356 = arith.constant 0 : i32
        %dma_start3A_357 = tpu.memref_slice %arg5[%add3A_344, %dma_start3A_356] : memref<320000x128xf32, #tpu.memory_space<hbm>> -> memref<40x128xf32, #tpu.memory_space<hbm>>
        tpu.enqueue_dma source(%dma_start3A_357 : memref<40x128xf32, #tpu.memory_space<hbm>>) target(%dma_start3A_355 : memref<40x128xf32, #tpu.memory_space<vmem>>) target_semaphore(%arg14 : memref<!tpu.dma_semaphore, #tpu.memory_space<semaphore_mem>>)
        %mul3A_358 = arith.constant 25 : i32
        %mul3A_359 = arith.muli %scan3A_49, %mul3A_358 : i32
        %add3A_360 = arith.addi %mul3A_359, %mul3A_278 : i32
        %mul3A_361 = arith.constant 80 : i32
        %mul3A_362 = arith.muli %add3A_360, %mul3A_361 : i32
        %add3A_363 = arith.addi %mul3A_35, %mul3A_362 : i32
        %add3A_364 = arith.constant 40 : i32
        %add3A_365 = arith.addi %add3A_363, %add3A_364 : i32
        %dma_wait3A_366 = arith.constant 1 : i32
        %dma_wait3A_367 = arith.constant 0 : i32
        %dma_wait3A_368 = arith.constant 0 : i32
        %dma_wait3A_369 = tpu.memref_slice %arg10[%dma_wait3A_366, %dma_wait3A_367, %dma_wait3A_368] : memref<2x40x128xf32, #tpu.memory_space<vmem>> -> memref<1x40x128xf32, #tpu.memory_space<vmem>>
        %dma_wait3A_370 = tpu.memref_squeeze %dma_wait3A_369 : memref<1x40x128xf32, #tpu.memory_space<vmem>> -> memref<40x128xf32, #tpu.memory_space<vmem>>
        %dma_wait3A_371 = arith.constant 0 : i32
        %dma_wait3A_372 = tpu.memref_slice %arg5[%add3A_365, %dma_wait3A_371] : memref<320000x128xf32, #tpu.memory_space<hbm>> -> memref<40x128xf32, #tpu.memory_space<hbm>>
        %dma_wait3A_373 = arith.constant 0 : i32
        %dma_wait3A_374 = arith.constant 0 : i32
        %dma_wait3A_375 = tpu.memref_slice %arg10[%dma_wait3A_366, %dma_wait3A_373, %dma_wait3A_374] : memref<2x40x128xf32, #tpu.memory_space<vmem>> -> memref<1x40x128xf32, #tpu.memory_space<vmem>>
        %dma_wait3A_376 = tpu.memref_squeeze %dma_wait3A_375 : memref<1x40x128xf32, #tpu.memory_space<vmem>> -> memref<40x128xf32, #tpu.memory_space<vmem>>
        %dma_wait3A_377 = arith.constant 0 : i32
        %dma_wait3A_378 = tpu.memref_slice %arg5[%add3A_365, %dma_wait3A_377] : memref<320000x128xf32, #tpu.memory_space<hbm>> -> memref<40x128xf32, #tpu.memory_space<hbm>>
        tpu.wait_dma2 semaphore(%arg15 : memref<!tpu.dma_semaphore, #tpu.memory_space<semaphore_mem>>) src(%dma_wait3A_378 : memref<40x128xf32, #tpu.memory_space<hbm>>) dst(%dma_wait3A_376 : memref<40x128xf32, #tpu.memory_space<vmem>>)
        %scan3A_379 = arith.constant 0 : i32
        %scan3A_380 = arith.constant 0 : i32
        %scan3A_381 = arith.constant 40 : i32
        %scan3A_382 = arith.addi %scan3A_380, %scan3A_381 : i32
        %scan3A_383 = arith.constant 1 : i32
        %scan3A_384 = scf.for %scan3A_532 = %scan3A_380 to %scan3A_382 step %scan3A_383 iter_args(%scan3A_533 = %scan3A_379) -> (i32)  : i32 {
          %add3A_534 = arith.constant 40 : i32
          %add3A_535 = arith.addi %add3A_534, %scan3A_532 : i32
          %get3A = arith.constant 0 : i32
          %get3A_536 = arith.index_cast %get3A : i32 to index
          %get3A_537 = arith.index_cast %add3A_535 : i32 to index
          %get3A_538 = arith.constant 0 : index
          %get3A_539 = tpu.vector_load %arg9[%get3A_536, %get3A_537, %get3A_538] {strides = array<i32>} : memref<2x80x128xf32, #tpu.memory_space<vmem>>, vector<1x1x16xf32>,
          %get3A_540 = vector.shape_cast %get3A_539 : vector<1x1x16xf32> to vector<16xf32>
          %get3A_541 = arith.constant 1 : i32
          %get3A_542 = arith.index_cast %get3A_541 : i32 to index
          %get3A_543 = arith.index_cast %scan3A_532 : i32 to index
          %get3A_544 = arith.constant 0 : index
          %get3A_545 = tpu.vector_load %arg10[%get3A_542, %get3A_543, %get3A_544] {strides = array<i32>} : memref<2x40x128xf32, #tpu.memory_space<vmem>>, vector<1x1x16xf32>,
          %get3A_546 = vector.shape_cast %get3A_545 : vector<1x1x16xf32> to vector<16xf32>
          %add3A_547 = arith.addf %get3A_540, %get3A_546 : vector<16xf32>
          %max3A = arith.constant 0.000000e+00 : f32
          %max3A_548 = vector.broadcast %max3A : f32 to vector<16xf32>
          %max3A_549 = arith.maximumf %add3A_547, %max3A_548 : vector<16xf32>
          %add3A_550 = arith.constant 40 : i32
          %add3A_551 = arith.addi %add3A_550, %scan3A_532 : i32
          %swap3A = arith.constant 0 : i32
          %swap3A_552 = arith.index_cast %swap3A : i32 to index
          %swap3A_553 = arith.index_cast %add3A_551 : i32 to index
          %swap3A_554 = arith.constant 0 : index
          %swap3A_555 = tpu.vector_load %arg9[%swap3A_552, %swap3A_553, %swap3A_554] {strides = array<i32>} : memref<2x80x128xf32, #tpu.memory_space<vmem>>, vector<1x1x16xf32>,
          %swap3A_556 = vector.shape_cast %swap3A_555 : vector<1x1x16xf32> to vector<16xf32>
          %swap3A_557 = vector.shape_cast %max3A_549 : vector<16xf32> to vector<1x1x16xf32>
          tpu.vector_store %arg9[%swap3A_552, %swap3A_553, %swap3A_554], %swap3A_557 {strides = array<i32>} : memref<2x80x128xf32, #tpu.memory_space<vmem>>, vector<1x1x16xf32>,
          %add3A_558 = arith.constant 40 : i32
          %add3A_559 = arith.addi %add3A_558, %scan3A_532 : i32
          %get3A_560 = arith.constant 0 : i32
          %get3A_561 = arith.index_cast %get3A_560 : i32 to index
          %get3A_562 = arith.index_cast %add3A_559 : i32 to index
          %get3A_563 = arith.constant 16 : index
          %get3A_564 = tpu.vector_load %arg9[%get3A_561, %get3A_562, %get3A_563] {strides = array<i32>} : memref<2x80x128xf32, #tpu.memory_space<vmem>>, vector<1x1x16xf32>,
          %get3A_565 = vector.shape_cast %get3A_564 : vector<1x1x16xf32> to vector<16xf32>
          %get3A_566 = arith.constant 1 : i32
          %get3A_567 = arith.index_cast %get3A_566 : i32 to index
          %get3A_568 = arith.index_cast %scan3A_532 : i32 to index
          %get3A_569 = arith.constant 16 : index
          %get3A_570 = tpu.vector_load %arg10[%get3A_567, %get3A_568, %get3A_569] {strides = array<i32>} : memref<2x40x128xf32, #tpu.memory_space<vmem>>, vector<1x1x16xf32>,
          %get3A_571 = vector.shape_cast %get3A_570 : vector<1x1x16xf32> to vector<16xf32>
          %add3A_572 = arith.addf %get3A_565, %get3A_571 : vector<16xf32>
          %max3A_573 = arith.constant 0.000000e+00 : f32
          %max3A_574 = vector.broadcast %max3A_573 : f32 to vector<16xf32>
          %max3A_575 = arith.maximumf %add3A_572, %max3A_574 : vector<16xf32>
          %add3A_576 = arith.constant 40 : i32
          %add3A_577 = arith.addi %add3A_576, %scan3A_532 : i32
          %swap3A_578 = arith.constant 0 : i32
          %swap3A_579 = arith.index_cast %swap3A_578 : i32 to index
          %swap3A_580 = arith.index_cast %add3A_577 : i32 to index
          %swap3A_581 = arith.constant 16 : index
          %swap3A_582 = tpu.vector_load %arg9[%swap3A_579, %swap3A_580, %swap3A_581] {strides = array<i32>} : memref<2x80x128xf32, #tpu.memory_space<vmem>>, vector<1x1x16xf32>,
          %swap3A_583 = vector.shape_cast %swap3A_582 : vector<1x1x16xf32> to vector<16xf32>
          %swap3A_584 = vector.shape_cast %max3A_575 : vector<16xf32> to vector<1x1x16xf32>
          tpu.vector_store %arg9[%swap3A_579, %swap3A_580, %swap3A_581], %swap3A_584 {strides = array<i32>} : memref<2x80x128xf32, #tpu.memory_space<vmem>>, vector<1x1x16xf32>,
          %add3A_585 = arith.constant 40 : i32
          %add3A_586 = arith.addi %add3A_585, %scan3A_532 : i32
          %get3A_587 = arith.constant 0 : i32
          %get3A_588 = arith.index_cast %get3A_587 : i32 to index
          %get3A_589 = arith.index_cast %add3A_586 : i32 to index
          %get3A_590 = arith.constant 32 : index
          %get3A_591 = tpu.vector_load %arg9[%get3A_588, %get3A_589, %get3A_590] {strides = array<i32>} : memref<2x80x128xf32, #tpu.memory_space<vmem>>, vector<1x1x16xf32>,
          %get3A_592 = vector.shape_cast %get3A_591 : vector<1x1x16xf32> to vector<16xf32>
          %get3A_593 = arith.constant 1 : i32
          %get3A_594 = arith.index_cast %get3A_593 : i32 to index
          %get3A_595 = arith.index_cast %scan3A_532 : i32 to index
          %get3A_596 = arith.constant 32 : index
          %get3A_597 = tpu.vector_load %arg10[%get3A_594, %get3A_595, %get3A_596] {strides = array<i32>} : memref<2x40x128xf32, #tpu.memory_space<vmem>>, vector<1x1x16xf32>,
          %get3A_598 = vector.shape_cast %get3A_597 : vector<1x1x16xf32> to vector<16xf32>
          %add3A_599 = arith.addf %get3A_592, %get3A_598 : vector<16xf32>
          %max3A_600 = arith.constant 0.000000e+00 : f32
          %max3A_601 = vector.broadcast %max3A_600 : f32 to vector<16xf32>
          %max3A_602 = arith.maximumf %add3A_599, %max3A_601 : vector<16xf32>
          %add3A_603 = arith.constant 40 : i32
          %add3A_604 = arith.addi %add3A_603, %scan3A_532 : i32
          %swap3A_605 = arith.constant 0 : i32
          %swap3A_606 = arith.index_cast %swap3A_605 : i32 to index
          %swap3A_607 = arith.index_cast %add3A_604 : i32 to index
          %swap3A_608 = arith.constant 32 : index
          %swap3A_609 = tpu.vector_load %arg9[%swap3A_606, %swap3A_607, %swap3A_608] {strides = array<i32>} : memref<2x80x128xf32, #tpu.memory_space<vmem>>, vector<1x1x16xf32>,
          %swap3A_610 = vector.shape_cast %swap3A_609 : vector<1x1x16xf32> to vector<16xf32>
          %swap3A_611 = vector.shape_cast %max3A_602 : vector<16xf32> to vector<1x1x16xf32>
          tpu.vector_store %arg9[%swap3A_606, %swap3A_607, %swap3A_608], %swap3A_611 {strides = array<i32>} : memref<2x80x128xf32, #tpu.memory_space<vmem>>, vector<1x1x16xf32>,
          %add3A_612 = arith.constant 40 : i32
          %add3A_613 = arith.addi %add3A_612, %scan3A_532 : i32
          %get3A_614 = arith.constant 0 : i32
          %get3A_615 = arith.index_cast %get3A_614 : i32 to index
          %get3A_616 = arith.index_cast %add3A_613 : i32 to index
          %get3A_617 = arith.constant 48 : index
          %get3A_618 = tpu.vector_load %arg9[%get3A_615, %get3A_616, %get3A_617] {strides = array<i32>} : memref<2x80x128xf32, #tpu.memory_space<vmem>>, vector<1x1x16xf32>,
          %get3A_619 = vector.shape_cast %get3A_618 : vector<1x1x16xf32> to vector<16xf32>
          %get3A_620 = arith.constant 1 : i32
          %get3A_621 = arith.index_cast %get3A_620 : i32 to index
          %get3A_622 = arith.index_cast %scan3A_532 : i32 to index
          %get3A_623 = arith.constant 48 : index
          %get3A_624 = tpu.vector_load %arg10[%get3A_621, %get3A_622, %get3A_623] {strides = array<i32>} : memref<2x40x128xf32, #tpu.memory_space<vmem>>, vector<1x1x16xf32>,
          %get3A_625 = vector.shape_cast %get3A_624 : vector<1x1x16xf32> to vector<16xf32>
          %add3A_626 = arith.addf %get3A_619, %get3A_625 : vector<16xf32>
          %max3A_627 = arith.constant 0.000000e+00 : f32
          %max3A_628 = vector.broadcast %max3A_627 : f32 to vector<16xf32>
          %max3A_629 = arith.maximumf %add3A_626, %max3A_628 : vector<16xf32>
          %add3A_630 = arith.constant 40 : i32
          %add3A_631 = arith.addi %add3A_630, %scan3A_532 : i32
          %swap3A_632 = arith.constant 0 : i32
          %swap3A_633 = arith.index_cast %swap3A_632 : i32 to index
          %swap3A_634 = arith.index_cast %add3A_631 : i32 to index
          %swap3A_635 = arith.constant 48 : index
          %swap3A_636 = tpu.vector_load %arg9[%swap3A_633, %swap3A_634, %swap3A_635] {strides = array<i32>} : memref<2x80x128xf32, #tpu.memory_space<vmem>>, vector<1x1x16xf32>,
          %swap3A_637 = vector.shape_cast %swap3A_636 : vector<1x1x16xf32> to vector<16xf32>
          %swap3A_638 = vector.shape_cast %max3A_629 : vector<16xf32> to vector<1x1x16xf32>
          tpu.vector_store %arg9[%swap3A_633, %swap3A_634, %swap3A_635], %swap3A_638 {strides = array<i32>} : memref<2x80x128xf32, #tpu.memory_space<vmem>>, vector<1x1x16xf32>,
          %add3A_639 = arith.constant 40 : i32
          %add3A_640 = arith.addi %add3A_639, %scan3A_532 : i32
          %get3A_641 = arith.constant 0 : i32
          %get3A_642 = arith.index_cast %get3A_641 : i32 to index
          %get3A_643 = arith.index_cast %add3A_640 : i32 to index
          %get3A_644 = arith.constant 64 : index
          %get3A_645 = tpu.vector_load %arg9[%get3A_642, %get3A_643, %get3A_644] {strides = array<i32>} : memref<2x80x128xf32, #tpu.memory_space<vmem>>, vector<1x1x16xf32>,
          %get3A_646 = vector.shape_cast %get3A_645 : vector<1x1x16xf32> to vector<16xf32>
          %get3A_647 = arith.constant 1 : i32
          %get3A_648 = arith.index_cast %get3A_647 : i32 to index
          %get3A_649 = arith.index_cast %scan3A_532 : i32 to index
          %get3A_650 = arith.constant 64 : index
          %get3A_651 = tpu.vector_load %arg10[%get3A_648, %get3A_649, %get3A_650] {strides = array<i32>} : memref<2x40x128xf32, #tpu.memory_space<vmem>>, vector<1x1x16xf32>,
          %get3A_652 = vector.shape_cast %get3A_651 : vector<1x1x16xf32> to vector<16xf32>
          %add3A_653 = arith.addf %get3A_646, %get3A_652 : vector<16xf32>
          %max3A_654 = arith.constant 0.000000e+00 : f32
          %max3A_655 = vector.broadcast %max3A_654 : f32 to vector<16xf32>
          %max3A_656 = arith.maximumf %add3A_653, %max3A_655 : vector<16xf32>
          %add3A_657 = arith.constant 40 : i32
          %add3A_658 = arith.addi %add3A_657, %scan3A_532 : i32
          %swap3A_659 = arith.constant 0 : i32
          %swap3A_660 = arith.index_cast %swap3A_659 : i32 to index
          %swap3A_661 = arith.index_cast %add3A_658 : i32 to index
          %swap3A_662 = arith.constant 64 : index
          %swap3A_663 = tpu.vector_load %arg9[%swap3A_660, %swap3A_661, %swap3A_662] {strides = array<i32>} : memref<2x80x128xf32, #tpu.memory_space<vmem>>, vector<1x1x16xf32>,
          %swap3A_664 = vector.shape_cast %swap3A_663 : vector<1x1x16xf32> to vector<16xf32>
          %swap3A_665 = vector.shape_cast %max3A_656 : vector<16xf32> to vector<1x1x16xf32>
          tpu.vector_store %arg9[%swap3A_660, %swap3A_661, %swap3A_662], %swap3A_665 {strides = array<i32>} : memref<2x80x128xf32, #tpu.memory_space<vmem>>, vector<1x1x16xf32>,
          %add3A_666 = arith.constant 40 : i32
          %add3A_667 = arith.addi %add3A_666, %scan3A_532 : i32
          %get3A_668 = arith.constant 0 : i32
          %get3A_669 = arith.index_cast %get3A_668 : i32 to index
          %get3A_670 = arith.index_cast %add3A_667 : i32 to index
          %get3A_671 = arith.constant 80 : index
          %get3A_672 = tpu.vector_load %arg9[%get3A_669, %get3A_670, %get3A_671] {strides = array<i32>} : memref<2x80x128xf32, #tpu.memory_space<vmem>>, vector<1x1x16xf32>,
          %get3A_673 = vector.shape_cast %get3A_672 : vector<1x1x16xf32> to vector<16xf32>
          %get3A_674 = arith.constant 1 : i32
          %get3A_675 = arith.index_cast %get3A_674 : i32 to index
          %get3A_676 = arith.index_cast %scan3A_532 : i32 to index
          %get3A_677 = arith.constant 80 : index
          %get3A_678 = tpu.vector_load %arg10[%get3A_675, %get3A_676, %get3A_677] {strides = array<i32>} : memref<2x40x128xf32, #tpu.memory_space<vmem>>, vector<1x1x16xf32>,
          %get3A_679 = vector.shape_cast %get3A_678 : vector<1x1x16xf32> to vector<16xf32>
          %add3A_680 = arith.addf %get3A_673, %get3A_679 : vector<16xf32>
          %max3A_681 = arith.constant 0.000000e+00 : f32
          %max3A_682 = vector.broadcast %max3A_681 : f32 to vector<16xf32>
          %max3A_683 = arith.maximumf %add3A_680, %max3A_682 : vector<16xf32>
          %add3A_684 = arith.constant 40 : i32
          %add3A_685 = arith.addi %add3A_684, %scan3A_532 : i32
          %swap3A_686 = arith.constant 0 : i32
          %swap3A_687 = arith.index_cast %swap3A_686 : i32 to index
          %swap3A_688 = arith.index_cast %add3A_685 : i32 to index
          %swap3A_689 = arith.constant 80 : index
          %swap3A_690 = tpu.vector_load %arg9[%swap3A_687, %swap3A_688, %swap3A_689] {strides = array<i32>} : memref<2x80x128xf32, #tpu.memory_space<vmem>>, vector<1x1x16xf32>,
          %swap3A_691 = vector.shape_cast %swap3A_690 : vector<1x1x16xf32> to vector<16xf32>
          %swap3A_692 = vector.shape_cast %max3A_683 : vector<16xf32> to vector<1x1x16xf32>
          tpu.vector_store %arg9[%swap3A_687, %swap3A_688, %swap3A_689], %swap3A_692 {strides = array<i32>} : memref<2x80x128xf32, #tpu.memory_space<vmem>>, vector<1x1x16xf32>,
          %add3A_693 = arith.constant 40 : i32
          %add3A_694 = arith.addi %add3A_693, %scan3A_532 : i32
          %get3A_695 = arith.constant 0 : i32
          %get3A_696 = arith.index_cast %get3A_695 : i32 to index
          %get3A_697 = arith.index_cast %add3A_694 : i32 to index
          %get3A_698 = arith.constant 96 : index
          %get3A_699 = tpu.vector_load %arg9[%get3A_696, %get3A_697, %get3A_698] {strides = array<i32>} : memref<2x80x128xf32, #tpu.memory_space<vmem>>, vector<1x1x16xf32>,
          %get3A_700 = vector.shape_cast %get3A_699 : vector<1x1x16xf32> to vector<16xf32>
          %get3A_701 = arith.constant 1 : i32
          %get3A_702 = arith.index_cast %get3A_701 : i32 to index
          %get3A_703 = arith.index_cast %scan3A_532 : i32 to index
          %get3A_704 = arith.constant 96 : index
          %get3A_705 = tpu.vector_load %arg10[%get3A_702, %get3A_703, %get3A_704] {strides = array<i32>} : memref<2x40x128xf32, #tpu.memory_space<vmem>>, vector<1x1x16xf32>,
          %get3A_706 = vector.shape_cast %get3A_705 : vector<1x1x16xf32> to vector<16xf32>
          %add3A_707 = arith.addf %get3A_700, %get3A_706 : vector<16xf32>
          %max3A_708 = arith.constant 0.000000e+00 : f32
          %max3A_709 = vector.broadcast %max3A_708 : f32 to vector<16xf32>
          %max3A_710 = arith.maximumf %add3A_707, %max3A_709 : vector<16xf32>
          %add3A_711 = arith.constant 40 : i32
          %add3A_712 = arith.addi %add3A_711, %scan3A_532 : i32
          %swap3A_713 = arith.constant 0 : i32
          %swap3A_714 = arith.index_cast %swap3A_713 : i32 to index
          %swap3A_715 = arith.index_cast %add3A_712 : i32 to index
          %swap3A_716 = arith.constant 96 : index
          %swap3A_717 = tpu.vector_load %arg9[%swap3A_714, %swap3A_715, %swap3A_716] {strides = array<i32>} : memref<2x80x128xf32, #tpu.memory_space<vmem>>, vector<1x1x16xf32>,
          %swap3A_718 = vector.shape_cast %swap3A_717 : vector<1x1x16xf32> to vector<16xf32>
          %swap3A_719 = vector.shape_cast %max3A_710 : vector<16xf32> to vector<1x1x16xf32>
          tpu.vector_store %arg9[%swap3A_714, %swap3A_715, %swap3A_716], %swap3A_719 {strides = array<i32>} : memref<2x80x128xf32, #tpu.memory_space<vmem>>, vector<1x1x16xf32>,
          %add3A_720 = arith.constant 40 : i32
          %add3A_721 = arith.addi %add3A_720, %scan3A_532 : i32
          %get3A_722 = arith.constant 0 : i32
          %get3A_723 = arith.index_cast %get3A_722 : i32 to index
          %get3A_724 = arith.index_cast %add3A_721 : i32 to index
          %get3A_725 = arith.constant 112 : index
          %get3A_726 = tpu.vector_load %arg9[%get3A_723, %get3A_724, %get3A_725] {strides = array<i32>} : memref<2x80x128xf32, #tpu.memory_space<vmem>>, vector<1x1x16xf32>,
          %get3A_727 = vector.shape_cast %get3A_726 : vector<1x1x16xf32> to vector<16xf32>
          %get3A_728 = arith.constant 1 : i32
          %get3A_729 = arith.index_cast %get3A_728 : i32 to index
          %get3A_730 = arith.index_cast %scan3A_532 : i32 to index
          %get3A_731 = arith.constant 112 : index
          %get3A_732 = tpu.vector_load %arg10[%get3A_729, %get3A_730, %get3A_731] {strides = array<i32>} : memref<2x40x128xf32, #tpu.memory_space<vmem>>, vector<1x1x16xf32>,
          %get3A_733 = vector.shape_cast %get3A_732 : vector<1x1x16xf32> to vector<16xf32>
          %add3A_734 = arith.addf %get3A_727, %get3A_733 : vector<16xf32>
          %max3A_735 = arith.constant 0.000000e+00 : f32
          %max3A_736 = vector.broadcast %max3A_735 : f32 to vector<16xf32>
          %max3A_737 = arith.maximumf %add3A_734, %max3A_736 : vector<16xf32>
          %add3A_738 = arith.constant 40 : i32
          %add3A_739 = arith.addi %add3A_738, %scan3A_532 : i32
          %swap3A_740 = arith.constant 0 : i32
          %swap3A_741 = arith.index_cast %swap3A_740 : i32 to index
          %swap3A_742 = arith.index_cast %add3A_739 : i32 to index
          %swap3A_743 = arith.constant 112 : index
          %swap3A_744 = tpu.vector_load %arg9[%swap3A_741, %swap3A_742, %swap3A_743] {strides = array<i32>} : memref<2x80x128xf32, #tpu.memory_space<vmem>>, vector<1x1x16xf32>,
          %swap3A_745 = vector.shape_cast %swap3A_744 : vector<1x1x16xf32> to vector<16xf32>
          %swap3A_746 = vector.shape_cast %max3A_737 : vector<16xf32> to vector<1x1x16xf32>
          tpu.vector_store %arg9[%swap3A_741, %swap3A_742, %swap3A_743], %swap3A_746 {strides = array<i32>} : memref<2x80x128xf32, #tpu.memory_space<vmem>>, vector<1x1x16xf32>,
          %scan3A_747 = arith.constant 0 : i32
          scf.yield %scan3A_747 : i32
        }
        %scan3A_385 = arith.constant 40 : i32
        %add3A_386 = arith.constant 1 : i32
        %add3A_387 = arith.addi %mul3A_278, %add3A_386 : i32
        %mul3A_388 = arith.constant 25 : i32
        %mul3A_389 = arith.muli %scan3A_49, %mul3A_388 : i32
        %add3A_390 = arith.addi %mul3A_389, %add3A_387 : i32
        %mul3A_391 = arith.constant 80 : i32
        %mul3A_392 = arith.muli %add3A_390, %mul3A_391 : i32
        %add3A_393 = arith.addi %mul3A_35, %mul3A_392 : i32
        %add3A_394 = arith.constant 40 : i32
        %add3A_395 = arith.addi %add3A_393, %add3A_394 : i32
        %dma_start3A_396 = arith.constant 1 : i32
        %dma_start3A_397 = arith.constant 0 : i32
        %dma_start3A_398 = arith.constant 0 : i32
        %dma_start3A_399 = tpu.memref_slice %arg10[%dma_start3A_396, %dma_start3A_397, %dma_start3A_398] : memref<2x40x128xf32, #tpu.memory_space<vmem>> -> memref<1x40x128xf32, #tpu.memory_space<vmem>>
        %dma_start3A_400 = tpu.memref_squeeze %dma_start3A_399 : memref<1x40x128xf32, #tpu.memory_space<vmem>> -> memref<40x128xf32, #tpu.memory_space<vmem>>
        %dma_start3A_401 = arith.constant 0 : i32
        %dma_start3A_402 = tpu.memref_slice %arg5[%add3A_395, %dma_start3A_401] : memref<320000x128xf32, #tpu.memory_space<hbm>> -> memref<40x128xf32, #tpu.memory_space<hbm>>
        %dma_start3A_403 = arith.constant 0 : i32
        %dma_start3A_404 = arith.constant 0 : i32
        %dma_start3A_405 = tpu.memref_slice %arg10[%dma_start3A_396, %dma_start3A_403, %dma_start3A_404] : memref<2x40x128xf32, #tpu.memory_space<vmem>> -> memref<1x40x128xf32, #tpu.memory_space<vmem>>
        %dma_start3A_406 = tpu.memref_squeeze %dma_start3A_405 : memref<1x40x128xf32, #tpu.memory_space<vmem>> -> memref<40x128xf32, #tpu.memory_space<vmem>>
        %dma_start3A_407 = arith.constant 0 : i32
        %dma_start3A_408 = tpu.memref_slice %arg5[%add3A_395, %dma_start3A_407] : memref<320000x128xf32, #tpu.memory_space<hbm>> -> memref<40x128xf32, #tpu.memory_space<hbm>>
        tpu.enqueue_dma source(%dma_start3A_408 : memref<40x128xf32, #tpu.memory_space<hbm>>) target(%dma_start3A_406 : memref<40x128xf32, #tpu.memory_space<vmem>>) target_semaphore(%arg15 : memref<!tpu.dma_semaphore, #tpu.memory_space<semaphore_mem>>)
        %dma_start3A_409 = arith.constant 0 : i32
        %dma_start3A_410 = arith.constant 0 : i32
        %dma_start3A_411 = arith.constant 0 : i32
        %dma_start3A_412 = tpu.memref_slice %arg9[%dma_start3A_409, %dma_start3A_410, %dma_start3A_411] : memref<2x80x128xf32, #tpu.memory_space<vmem>> -> memref<1x80x128xf32, #tpu.memory_space<vmem>>
        %dma_start3A_413 = tpu.memref_squeeze %dma_start3A_412 : memref<1x80x128xf32, #tpu.memory_space<vmem>> -> memref<80x128xf32, #tpu.memory_space<vmem>>
        %dma_start3A_414 = arith.constant 0 : i32
        %dma_start3A_415 = tpu.memref_slice %arg8[%mul3A_278, %dma_start3A_414] : memref<25x80xi32, #tpu.memory_space<vmem>> -> memref<1x80xi32, #tpu.memory_space<vmem>>
        %dma_start3A_416 = tpu.memref_squeeze %dma_start3A_415 : memref<1x80xi32, #tpu.memory_space<vmem>> -> memref<80xi32, #tpu.memory_space<vmem>>
        %dma_start3A_417 = arith.constant 0 : i32
        %dma_start3A_418 = arith.constant 0 : i32
        %dma_start3A_419 = tpu.memref_slice %arg11[%dma_start3A_417, %dma_start3A_418] : memref<10000x128xf32, #tpu.memory_space<vmem_shared>> -> memref<10000x128xf32, #tpu.memory_space<vmem_shared>>
        tpu.enqueue_indirect_dma source(%dma_start3A_413 : memref<80x128xf32, #tpu.memory_space<vmem>>) target(%dma_start3A_419 : memref<10000x128xf32, #tpu.memory_space<vmem_shared>>) offsets(%dma_start3A_416 : memref<80xi32, #tpu.memory_space<vmem>>) semaphore(%arg16 : memref<!tpu.dma_semaphore, #tpu.memory_space<semaphore_mem>>) {add = true}
        %add3A_420 = arith.constant 1 : i32
        %add3A_421 = arith.addi %mul3A_278, %add3A_420 : i32
        %dma_wait3A_422 = arith.constant 1 : i32
        %dma_wait3A_423 = arith.constant 0 : i32
        %dma_wait3A_424 = arith.constant 0 : i32
        %dma_wait3A_425 = tpu.memref_slice %arg9[%dma_wait3A_422, %dma_wait3A_423, %dma_wait3A_424] : memref<2x80x128xf32, #tpu.memory_space<vmem>> -> memref<1x80x128xf32, #tpu.memory_space<vmem>>
        %dma_wait3A_426 = tpu.memref_squeeze %dma_wait3A_425 : memref<1x80x128xf32, #tpu.memory_space<vmem>> -> memref<80x128xf32, #tpu.memory_space<vmem>>
        %dma_wait3A_427 = arith.constant 0 : i32
        %dma_wait3A_428 = tpu.memref_slice %arg7[%add3A_421, %dma_wait3A_427] : memref<25x80xi32, #tpu.memory_space<vmem>> -> memref<1x80xi32, #tpu.memory_space<vmem>>
        %dma_wait3A_429 = tpu.memref_squeeze %dma_wait3A_428 : memref<1x80xi32, #tpu.memory_space<vmem>> -> memref<80xi32, #tpu.memory_space<vmem>>
        %dma_wait3A_430 = arith.constant 0 : i32
        %dma_wait3A_431 = arith.constant 0 : i32
        %dma_wait3A_432 = tpu.memref_slice %arg2[%dma_wait3A_430, %dma_wait3A_431] : memref<10000x128xf32, #tpu.memory_space<hbm>> -> memref<10000x128xf32, #tpu.memory_space<hbm>>
        tpu.wait_indirect_dma semaphore(%arg13 : memref<!tpu.dma_semaphore, #tpu.memory_space<semaphore_mem>>) src(%dma_wait3A_432 : memref<10000x128xf32, #tpu.memory_space<hbm>>) dst(%dma_wait3A_426 : memref<80x128xf32, #tpu.memory_space<vmem>>)
        %dma_wait3A_433 = arith.constant 0 : i32
        %dma_wait3A_434 = arith.constant 0 : i32
        %dma_wait3A_435 = arith.constant 0 : i32
        %dma_wait3A_436 = tpu.memref_slice %arg9[%dma_wait3A_433, %dma_wait3A_434, %dma_wait3A_435] : memref<2x80x128xf32, #tpu.memory_space<vmem>> -> memref<1x80x128xf32, #tpu.memory_space<vmem>>
        %dma_wait3A_437 = tpu.memref_squeeze %dma_wait3A_436 : memref<1x80x128xf32, #tpu.memory_space<vmem>> -> memref<80x128xf32, #tpu.memory_space<vmem>>
        %dma_wait3A_438 = arith.constant 0 : i32
        %dma_wait3A_439 = tpu.memref_slice %arg8[%mul3A_278, %dma_wait3A_438] : memref<25x80xi32, #tpu.memory_space<vmem>> -> memref<1x80xi32, #tpu.memory_space<vmem>>
        %dma_wait3A_440 = tpu.memref_squeeze %dma_wait3A_439 : memref<1x80xi32, #tpu.memory_space<vmem>> -> memref<80xi32, #tpu.memory_space<vmem>>
        %dma_wait3A_441 = arith.constant 0 : i32
        %dma_wait3A_442 = arith.constant 0 : i32
        %dma_wait3A_443 = tpu.memref_slice %arg11[%dma_wait3A_441, %dma_wait3A_442] : memref<10000x128xf32, #tpu.memory_space<vmem_shared>> -> memref<10000x128xf32, #tpu.memory_space<vmem_shared>>
        tpu.wait_indirect_dma semaphore(%arg16 : memref<!tpu.dma_semaphore, #tpu.memory_space<semaphore_mem>>) src(%dma_wait3A_437 : memref<80x128xf32, #tpu.memory_space<vmem>>) dst(%dma_wait3A_443 : memref<10000x128xf32, #tpu.memory_space<vmem_shared>>)
        %lt3A = arith.constant 11 : i32
        %lt3A_444 = arith.cmpi slt, %scan3A_275, %lt3A : i32
        %convert_element_type3A_445 = arith.extui %lt3A_444 : i1 to i32
        %cond3A_446 = arith.constant 0 : i32
        %cond3A_447 = arith.cmpi ne, %convert_element_type3A_445, %cond3A_446 : i32
        scf.if %cond3A_447 {
          %add3A_532 = arith.constant 2 : i32
          %add3A_533 = arith.addi %mul3A_278, %add3A_532 : i32
          %dma_start3A_534 = arith.constant 0 : i32
          %dma_start3A_535 = arith.constant 0 : i32
          %dma_start3A_536 = arith.constant 0 : i32
          %dma_start3A_537 = tpu.memref_slice %arg9[%dma_start3A_534, %dma_start3A_535, %dma_start3A_536] : memref<2x80x128xf32, #tpu.memory_space<vmem>> -> memref<1x80x128xf32, #tpu.memory_space<vmem>>
          %dma_start3A_538 = tpu.memref_squeeze %dma_start3A_537 : memref<1x80x128xf32, #tpu.memory_space<vmem>> -> memref<80x128xf32, #tpu.memory_space<vmem>>
          %dma_start3A_539 = arith.constant 0 : i32
          %dma_start3A_540 = tpu.memref_slice %arg7[%add3A_533, %dma_start3A_539] : memref<25x80xi32, #tpu.memory_space<vmem>> -> memref<1x80xi32, #tpu.memory_space<vmem>>
          %dma_start3A_541 = tpu.memref_squeeze %dma_start3A_540 : memref<1x80xi32, #tpu.memory_space<vmem>> -> memref<80xi32, #tpu.memory_space<vmem>>
          %dma_start3A_542 = arith.constant 0 : i32
          %dma_start3A_543 = arith.constant 0 : i32
          %dma_start3A_544 = tpu.memref_slice %arg2[%dma_start3A_542, %dma_start3A_543] : memref<10000x128xf32, #tpu.memory_space<hbm>> -> memref<10000x128xf32, #tpu.memory_space<hbm>>
          tpu.enqueue_indirect_dma source(%dma_start3A_544 : memref<10000x128xf32, #tpu.memory_space<hbm>>) target(%dma_start3A_538 : memref<80x128xf32, #tpu.memory_space<vmem>>) offsets(%dma_start3A_541 : memref<80xi32, #tpu.memory_space<vmem>>) semaphore(%arg12 : memref<!tpu.dma_semaphore, #tpu.memory_space<semaphore_mem>>)
        } else {
        }
        %add3A_448 = arith.constant 1 : i32
        %add3A_449 = arith.addi %mul3A_278, %add3A_448 : i32
        %mul3A_450 = arith.constant 25 : i32
        %mul3A_451 = arith.muli %scan3A_49, %mul3A_450 : i32
        %add3A_452 = arith.addi %mul3A_451, %add3A_449 : i32
        %mul3A_453 = arith.constant 80 : i32
        %mul3A_454 = arith.muli %add3A_452, %mul3A_453 : i32
        %add3A_455 = arith.addi %mul3A_35, %mul3A_454 : i32
        %add3A_456 = arith.constant 0 : i32
        %add3A_457 = arith.addi %add3A_455, %add3A_456 : i32
        %dma_wait3A_458 = arith.constant 0 : i32
        %dma_wait3A_459 = arith.constant 0 : i32
        %dma_wait3A_460 = arith.constant 0 : i32
        %dma_wait3A_461 = tpu.memref_slice %arg10[%dma_wait3A_458, %dma_wait3A_459, %dma_wait3A_460] : memref<2x40x128xf32, #tpu.memory_space<vmem>> -> memref<1x40x128xf32, #tpu.memory_space<vmem>>
        %dma_wait3A_462 = tpu.memref_squeeze %dma_wait3A_461 : memref<1x40x128xf32, #tpu.memory_space<vmem>> -> memref<40x128xf32, #tpu.memory_space<vmem>>
        %dma_wait3A_463 = arith.constant 0 : i32
        %dma_wait3A_464 = tpu.memref_slice %arg5[%add3A_457, %dma_wait3A_463] : memref<320000x128xf32, #tpu.memory_space<hbm>> -> memref<40x128xf32, #tpu.memory_space<hbm>>
        %dma_wait3A_465 = arith.constant 0 : i32
        %dma_wait3A_466 = arith.constant 0 : i32
        %dma_wait3A_467 = tpu.memref_slice %arg10[%dma_wait3A_458, %dma_wait3A_465, %dma_wait3A_466] : memref<2x40x128xf32, #tpu.memory_space<vmem>> -> memref<1x40x128xf32, #tpu.memory_space<vmem>>
        %dma_wait3A_468 = tpu.memref_squeeze %dma_wait3A_467 : memref<1x40x128xf32, #tpu.memory_space<vmem>> -> memref<40x128xf32, #tpu.memory_space<vmem>>
        %dma_wait3A_469 = arith.constant 0 : i32
        %dma_wait3A_470 = tpu.memref_slice %arg5[%add3A_457, %dma_wait3A_469] : memref<320000x128xf32, #tpu.memory_space<hbm>> -> memref<40x128xf32, #tpu.memory_space<hbm>>
        tpu.wait_dma2 semaphore(%arg14 : memref<!tpu.dma_semaphore, #tpu.memory_space<semaphore_mem>>) src(%dma_wait3A_470 : memref<40x128xf32, #tpu.memory_space<hbm>>) dst(%dma_wait3A_468 : memref<40x128xf32, #tpu.memory_space<vmem>>)
        %scan3A_471 = arith.constant 0 : i32
        %scan3A_472 = arith.constant 0 : i32
        %scan3A_473 = arith.constant 40 : i32
        %scan3A_474 = arith.addi %scan3A_472, %scan3A_473 : i32
        %scan3A_475 = arith.constant 1 : i32
        %scan3A_476 = scf.for %scan3A_532 = %scan3A_472 to %scan3A_474 step %scan3A_475 iter_args(%scan3A_533 = %scan3A_471) -> (i32)  : i32 {
          %add3A_534 = arith.constant 0 : i32
          %add3A_535 = arith.addi %add3A_534, %scan3A_532 : i32
          %get3A = arith.constant 1 : i32
          %get3A_536 = arith.index_cast %get3A : i32 to index
          %get3A_537 = arith.index_cast %add3A_535 : i32 to index
          %get3A_538 = arith.constant 0 : index
          %get3A_539 = tpu.vector_load %arg9[%get3A_536, %get3A_537, %get3A_538] {strides = array<i32>} : memref<2x80x128xf32, #tpu.memory_space<vmem>>, vector<1x1x16xf32>,
          %get3A_540 = vector.shape_cast %get3A_539 : vector<1x1x16xf32> to vector<16xf32>
          %get3A_541 = arith.constant 0 : i32
          %get3A_542 = arith.index_cast %get3A_541 : i32 to index
          %get3A_543 = arith.index_cast %scan3A_532 : i32 to index
          %get3A_544 = arith.constant 0 : index
          %get3A_545 = tpu.vector_load %arg10[%get3A_542, %get3A_543, %get3A_544] {strides = array<i32>} : memref<2x40x128xf32, #tpu.memory_space<vmem>>, vector<1x1x16xf32>,
          %get3A_546 = vector.shape_cast %get3A_545 : vector<1x1x16xf32> to vector<16xf32>
          %add3A_547 = arith.addf %get3A_540, %get3A_546 : vector<16xf32>
          %max3A = arith.constant 0.000000e+00 : f32
          %max3A_548 = vector.broadcast %max3A : f32 to vector<16xf32>
          %max3A_549 = arith.maximumf %add3A_547, %max3A_548 : vector<16xf32>
          %add3A_550 = arith.constant 0 : i32
          %add3A_551 = arith.addi %add3A_550, %scan3A_532 : i32
          %swap3A = arith.constant 1 : i32
          %swap3A_552 = arith.index_cast %swap3A : i32 to index
          %swap3A_553 = arith.index_cast %add3A_551 : i32 to index
          %swap3A_554 = arith.constant 0 : index
          %swap3A_555 = tpu.vector_load %arg9[%swap3A_552, %swap3A_553, %swap3A_554] {strides = array<i32>} : memref<2x80x128xf32, #tpu.memory_space<vmem>>, vector<1x1x16xf32>,
          %swap3A_556 = vector.shape_cast %swap3A_555 : vector<1x1x16xf32> to vector<16xf32>
          %swap3A_557 = vector.shape_cast %max3A_549 : vector<16xf32> to vector<1x1x16xf32>
          tpu.vector_store %arg9[%swap3A_552, %swap3A_553, %swap3A_554], %swap3A_557 {strides = array<i32>} : memref<2x80x128xf32, #tpu.memory_space<vmem>>, vector<1x1x16xf32>,
          %add3A_558 = arith.constant 0 : i32
          %add3A_559 = arith.addi %add3A_558, %scan3A_532 : i32
          %get3A_560 = arith.constant 1 : i32
          %get3A_561 = arith.index_cast %get3A_560 : i32 to index
          %get3A_562 = arith.index_cast %add3A_559 : i32 to index
          %get3A_563 = arith.constant 16 : index
          %get3A_564 = tpu.vector_load %arg9[%get3A_561, %get3A_562, %get3A_563] {strides = array<i32>} : memref<2x80x128xf32, #tpu.memory_space<vmem>>, vector<1x1x16xf32>,
          %get3A_565 = vector.shape_cast %get3A_564 : vector<1x1x16xf32> to vector<16xf32>
          %get3A_566 = arith.constant 0 : i32
          %get3A_567 = arith.index_cast %get3A_566 : i32 to index
          %get3A_568 = arith.index_cast %scan3A_532 : i32 to index
          %get3A_569 = arith.constant 16 : index
          %get3A_570 = tpu.vector_load %arg10[%get3A_567, %get3A_568, %get3A_569] {strides = array<i32>} : memref<2x40x128xf32, #tpu.memory_space<vmem>>, vector<1x1x16xf32>,
          %get3A_571 = vector.shape_cast %get3A_570 : vector<1x1x16xf32> to vector<16xf32>
          %add3A_572 = arith.addf %get3A_565, %get3A_571 : vector<16xf32>
          %max3A_573 = arith.constant 0.000000e+00 : f32
          %max3A_574 = vector.broadcast %max3A_573 : f32 to vector<16xf32>
          %max3A_575 = arith.maximumf %add3A_572, %max3A_574 : vector<16xf32>
          %add3A_576 = arith.constant 0 : i32
          %add3A_577 = arith.addi %add3A_576, %scan3A_532 : i32
          %swap3A_578 = arith.constant 1 : i32
          %swap3A_579 = arith.index_cast %swap3A_578 : i32 to index
          %swap3A_580 = arith.index_cast %add3A_577 : i32 to index
          %swap3A_581 = arith.constant 16 : index
          %swap3A_582 = tpu.vector_load %arg9[%swap3A_579, %swap3A_580, %swap3A_581] {strides = array<i32>} : memref<2x80x128xf32, #tpu.memory_space<vmem>>, vector<1x1x16xf32>,
          %swap3A_583 = vector.shape_cast %swap3A_582 : vector<1x1x16xf32> to vector<16xf32>
          %swap3A_584 = vector.shape_cast %max3A_575 : vector<16xf32> to vector<1x1x16xf32>
          tpu.vector_store %arg9[%swap3A_579, %swap3A_580, %swap3A_581], %swap3A_584 {strides = array<i32>} : memref<2x80x128xf32, #tpu.memory_space<vmem>>, vector<1x1x16xf32>,
          %add3A_585 = arith.constant 0 : i32
          %add3A_586 = arith.addi %add3A_585, %scan3A_532 : i32
          %get3A_587 = arith.constant 1 : i32
          %get3A_588 = arith.index_cast %get3A_587 : i32 to index
          %get3A_589 = arith.index_cast %add3A_586 : i32 to index
          %get3A_590 = arith.constant 32 : index
          %get3A_591 = tpu.vector_load %arg9[%get3A_588, %get3A_589, %get3A_590] {strides = array<i32>} : memref<2x80x128xf32, #tpu.memory_space<vmem>>, vector<1x1x16xf32>,
          %get3A_592 = vector.shape_cast %get3A_591 : vector<1x1x16xf32> to vector<16xf32>
          %get3A_593 = arith.constant 0 : i32
          %get3A_594 = arith.index_cast %get3A_593 : i32 to index
          %get3A_595 = arith.index_cast %scan3A_532 : i32 to index
          %get3A_596 = arith.constant 32 : index
          %get3A_597 = tpu.vector_load %arg10[%get3A_594, %get3A_595, %get3A_596] {strides = array<i32>} : memref<2x40x128xf32, #tpu.memory_space<vmem>>, vector<1x1x16xf32>,
          %get3A_598 = vector.shape_cast %get3A_597 : vector<1x1x16xf32> to vector<16xf32>
          %add3A_599 = arith.addf %get3A_592, %get3A_598 : vector<16xf32>
          %max3A_600 = arith.constant 0.000000e+00 : f32
          %max3A_601 = vector.broadcast %max3A_600 : f32 to vector<16xf32>
          %max3A_602 = arith.maximumf %add3A_599, %max3A_601 : vector<16xf32>
          %add3A_603 = arith.constant 0 : i32
          %add3A_604 = arith.addi %add3A_603, %scan3A_532 : i32
          %swap3A_605 = arith.constant 1 : i32
          %swap3A_606 = arith.index_cast %swap3A_605 : i32 to index
          %swap3A_607 = arith.index_cast %add3A_604 : i32 to index
          %swap3A_608 = arith.constant 32 : index
          %swap3A_609 = tpu.vector_load %arg9[%swap3A_606, %swap3A_607, %swap3A_608] {strides = array<i32>} : memref<2x80x128xf32, #tpu.memory_space<vmem>>, vector<1x1x16xf32>,
          %swap3A_610 = vector.shape_cast %swap3A_609 : vector<1x1x16xf32> to vector<16xf32>
          %swap3A_611 = vector.shape_cast %max3A_602 : vector<16xf32> to vector<1x1x16xf32>
          tpu.vector_store %arg9[%swap3A_606, %swap3A_607, %swap3A_608], %swap3A_611 {strides = array<i32>} : memref<2x80x128xf32, #tpu.memory_space<vmem>>, vector<1x1x16xf32>,
          %add3A_612 = arith.constant 0 : i32
          %add3A_613 = arith.addi %add3A_612, %scan3A_532 : i32
          %get3A_614 = arith.constant 1 : i32
          %get3A_615 = arith.index_cast %get3A_614 : i32 to index
          %get3A_616 = arith.index_cast %add3A_613 : i32 to index
          %get3A_617 = arith.constant 48 : index
          %get3A_618 = tpu.vector_load %arg9[%get3A_615, %get3A_616, %get3A_617] {strides = array<i32>} : memref<2x80x128xf32, #tpu.memory_space<vmem>>, vector<1x1x16xf32>,
          %get3A_619 = vector.shape_cast %get3A_618 : vector<1x1x16xf32> to vector<16xf32>
          %get3A_620 = arith.constant 0 : i32
          %get3A_621 = arith.index_cast %get3A_620 : i32 to index
          %get3A_622 = arith.index_cast %scan3A_532 : i32 to index
          %get3A_623 = arith.constant 48 : index
          %get3A_624 = tpu.vector_load %arg10[%get3A_621, %get3A_622, %get3A_623] {strides = array<i32>} : memref<2x40x128xf32, #tpu.memory_space<vmem>>, vector<1x1x16xf32>,
          %get3A_625 = vector.shape_cast %get3A_624 : vector<1x1x16xf32> to vector<16xf32>
          %add3A_626 = arith.addf %get3A_619, %get3A_625 : vector<16xf32>
          %max3A_627 = arith.constant 0.000000e+00 : f32
          %max3A_628 = vector.broadcast %max3A_627 : f32 to vector<16xf32>
          %max3A_629 = arith.maximumf %add3A_626, %max3A_628 : vector<16xf32>
          %add3A_630 = arith.constant 0 : i32
          %add3A_631 = arith.addi %add3A_630, %scan3A_532 : i32
          %swap3A_632 = arith.constant 1 : i32
          %swap3A_633 = arith.index_cast %swap3A_632 : i32 to index
          %swap3A_634 = arith.index_cast %add3A_631 : i32 to index
          %swap3A_635 = arith.constant 48 : index
          %swap3A_636 = tpu.vector_load %arg9[%swap3A_633, %swap3A_634, %swap3A_635] {strides = array<i32>} : memref<2x80x128xf32, #tpu.memory_space<vmem>>, vector<1x1x16xf32>,
          %swap3A_637 = vector.shape_cast %swap3A_636 : vector<1x1x16xf32> to vector<16xf32>
          %swap3A_638 = vector.shape_cast %max3A_629 : vector<16xf32> to vector<1x1x16xf32>
          tpu.vector_store %arg9[%swap3A_633, %swap3A_634, %swap3A_635], %swap3A_638 {strides = array<i32>} : memref<2x80x128xf32, #tpu.memory_space<vmem>>, vector<1x1x16xf32>,
          %add3A_639 = arith.constant 0 : i32
          %add3A_640 = arith.addi %add3A_639, %scan3A_532 : i32
          %get3A_641 = arith.constant 1 : i32
          %get3A_642 = arith.index_cast %get3A_641 : i32 to index
          %get3A_643 = arith.index_cast %add3A_640 : i32 to index
          %get3A_644 = arith.constant 64 : index
          %get3A_645 = tpu.vector_load %arg9[%get3A_642, %get3A_643, %get3A_644] {strides = array<i32>} : memref<2x80x128xf32, #tpu.memory_space<vmem>>, vector<1x1x16xf32>,
          %get3A_646 = vector.shape_cast %get3A_645 : vector<1x1x16xf32> to vector<16xf32>
          %get3A_647 = arith.constant 0 : i32
          %get3A_648 = arith.index_cast %get3A_647 : i32 to index
          %get3A_649 = arith.index_cast %scan3A_532 : i32 to index
          %get3A_650 = arith.constant 64 : index
          %get3A_651 = tpu.vector_load %arg10[%get3A_648, %get3A_649, %get3A_650] {strides = array<i32>} : memref<2x40x128xf32, #tpu.memory_space<vmem>>, vector<1x1x16xf32>,
          %get3A_652 = vector.shape_cast %get3A_651 : vector<1x1x16xf32> to vector<16xf32>
          %add3A_653 = arith.addf %get3A_646, %get3A_652 : vector<16xf32>
          %max3A_654 = arith.constant 0.000000e+00 : f32
          %max3A_655 = vector.broadcast %max3A_654 : f32 to vector<16xf32>
          %max3A_656 = arith.maximumf %add3A_653, %max3A_655 : vector<16xf32>
          %add3A_657 = arith.constant 0 : i32
          %add3A_658 = arith.addi %add3A_657, %scan3A_532 : i32
          %swap3A_659 = arith.constant 1 : i32
          %swap3A_660 = arith.index_cast %swap3A_659 : i32 to index
          %swap3A_661 = arith.index_cast %add3A_658 : i32 to index
          %swap3A_662 = arith.constant 64 : index
          %swap3A_663 = tpu.vector_load %arg9[%swap3A_660, %swap3A_661, %swap3A_662] {strides = array<i32>} : memref<2x80x128xf32, #tpu.memory_space<vmem>>, vector<1x1x16xf32>,
          %swap3A_664 = vector.shape_cast %swap3A_663 : vector<1x1x16xf32> to vector<16xf32>
          %swap3A_665 = vector.shape_cast %max3A_656 : vector<16xf32> to vector<1x1x16xf32>
          tpu.vector_store %arg9[%swap3A_660, %swap3A_661, %swap3A_662], %swap3A_665 {strides = array<i32>} : memref<2x80x128xf32, #tpu.memory_space<vmem>>, vector<1x1x16xf32>,
          %add3A_666 = arith.constant 0 : i32
          %add3A_667 = arith.addi %add3A_666, %scan3A_532 : i32
          %get3A_668 = arith.constant 1 : i32
          %get3A_669 = arith.index_cast %get3A_668 : i32 to index
          %get3A_670 = arith.index_cast %add3A_667 : i32 to index
          %get3A_671 = arith.constant 80 : index
          %get3A_672 = tpu.vector_load %arg9[%get3A_669, %get3A_670, %get3A_671] {strides = array<i32>} : memref<2x80x128xf32, #tpu.memory_space<vmem>>, vector<1x1x16xf32>,
          %get3A_673 = vector.shape_cast %get3A_672 : vector<1x1x16xf32> to vector<16xf32>
          %get3A_674 = arith.constant 0 : i32
          %get3A_675 = arith.index_cast %get3A_674 : i32 to index
          %get3A_676 = arith.index_cast %scan3A_532 : i32 to index
          %get3A_677 = arith.constant 80 : index
          %get3A_678 = tpu.vector_load %arg10[%get3A_675, %get3A_676, %get3A_677] {strides = array<i32>} : memref<2x40x128xf32, #tpu.memory_space<vmem>>, vector<1x1x16xf32>,
          %get3A_679 = vector.shape_cast %get3A_678 : vector<1x1x16xf32> to vector<16xf32>
          %add3A_680 = arith.addf %get3A_673, %get3A_679 : vector<16xf32>
          %max3A_681 = arith.constant 0.000000e+00 : f32
          %max3A_682 = vector.broadcast %max3A_681 : f32 to vector<16xf32>
          %max3A_683 = arith.maximumf %add3A_680, %max3A_682 : vector<16xf32>
          %add3A_684 = arith.constant 0 : i32
          %add3A_685 = arith.addi %add3A_684, %scan3A_532 : i32
          %swap3A_686 = arith.constant 1 : i32
          %swap3A_687 = arith.index_cast %swap3A_686 : i32 to index
          %swap3A_688 = arith.index_cast %add3A_685 : i32 to index
          %swap3A_689 = arith.constant 80 : index
          %swap3A_690 = tpu.vector_load %arg9[%swap3A_687, %swap3A_688, %swap3A_689] {strides = array<i32>} : memref<2x80x128xf32, #tpu.memory_space<vmem>>, vector<1x1x16xf32>,
          %swap3A_691 = vector.shape_cast %swap3A_690 : vector<1x1x16xf32> to vector<16xf32>
          %swap3A_692 = vector.shape_cast %max3A_683 : vector<16xf32> to vector<1x1x16xf32>
          tpu.vector_store %arg9[%swap3A_687, %swap3A_688, %swap3A_689], %swap3A_692 {strides = array<i32>} : memref<2x80x128xf32, #tpu.memory_space<vmem>>, vector<1x1x16xf32>,
          %add3A_693 = arith.constant 0 : i32
          %add3A_694 = arith.addi %add3A_693, %scan3A_532 : i32
          %get3A_695 = arith.constant 1 : i32
          %get3A_696 = arith.index_cast %get3A_695 : i32 to index
          %get3A_697 = arith.index_cast %add3A_694 : i32 to index
          %get3A_698 = arith.constant 96 : index
          %get3A_699 = tpu.vector_load %arg9[%get3A_696, %get3A_697, %get3A_698] {strides = array<i32>} : memref<2x80x128xf32, #tpu.memory_space<vmem>>, vector<1x1x16xf32>,
          %get3A_700 = vector.shape_cast %get3A_699 : vector<1x1x16xf32> to vector<16xf32>
          %get3A_701 = arith.constant 0 : i32
          %get3A_702 = arith.index_cast %get3A_701 : i32 to index
          %get3A_703 = arith.index_cast %scan3A_532 : i32 to index
          %get3A_704 = arith.constant 96 : index
          %get3A_705 = tpu.vector_load %arg10[%get3A_702, %get3A_703, %get3A_704] {strides = array<i32>} : memref<2x40x128xf32, #tpu.memory_space<vmem>>, vector<1x1x16xf32>,
          %get3A_706 = vector.shape_cast %get3A_705 : vector<1x1x16xf32> to vector<16xf32>
          %add3A_707 = arith.addf %get3A_700, %get3A_706 : vector<16xf32>
          %max3A_708 = arith.constant 0.000000e+00 : f32
          %max3A_709 = vector.broadcast %max3A_708 : f32 to vector<16xf32>
          %max3A_710 = arith.maximumf %add3A_707, %max3A_709 : vector<16xf32>
          %add3A_711 = arith.constant 0 : i32
          %add3A_712 = arith.addi %add3A_711, %scan3A_532 : i32
          %swap3A_713 = arith.constant 1 : i32
          %swap3A_714 = arith.index_cast %swap3A_713 : i32 to index
          %swap3A_715 = arith.index_cast %add3A_712 : i32 to index
          %swap3A_716 = arith.constant 96 : index
          %swap3A_717 = tpu.vector_load %arg9[%swap3A_714, %swap3A_715, %swap3A_716] {strides = array<i32>} : memref<2x80x128xf32, #tpu.memory_space<vmem>>, vector<1x1x16xf32>,
          %swap3A_718 = vector.shape_cast %swap3A_717 : vector<1x1x16xf32> to vector<16xf32>
          %swap3A_719 = vector.shape_cast %max3A_710 : vector<16xf32> to vector<1x1x16xf32>
          tpu.vector_store %arg9[%swap3A_714, %swap3A_715, %swap3A_716], %swap3A_719 {strides = array<i32>} : memref<2x80x128xf32, #tpu.memory_space<vmem>>, vector<1x1x16xf32>,
          %add3A_720 = arith.constant 0 : i32
          %add3A_721 = arith.addi %add3A_720, %scan3A_532 : i32
          %get3A_722 = arith.constant 1 : i32
          %get3A_723 = arith.index_cast %get3A_722 : i32 to index
          %get3A_724 = arith.index_cast %add3A_721 : i32 to index
          %get3A_725 = arith.constant 112 : index
          %get3A_726 = tpu.vector_load %arg9[%get3A_723, %get3A_724, %get3A_725] {strides = array<i32>} : memref<2x80x128xf32, #tpu.memory_space<vmem>>, vector<1x1x16xf32>,
          %get3A_727 = vector.shape_cast %get3A_726 : vector<1x1x16xf32> to vector<16xf32>
          %get3A_728 = arith.constant 0 : i32
          %get3A_729 = arith.index_cast %get3A_728 : i32 to index
          %get3A_730 = arith.index_cast %scan3A_532 : i32 to index
          %get3A_731 = arith.constant 112 : index
          %get3A_732 = tpu.vector_load %arg10[%get3A_729, %get3A_730, %get3A_731] {strides = array<i32>} : memref<2x40x128xf32, #tpu.memory_space<vmem>>, vector<1x1x16xf32>,
          %get3A_733 = vector.shape_cast %get3A_732 : vector<1x1x16xf32> to vector<16xf32>
          %add3A_734 = arith.addf %get3A_727, %get3A_733 : vector<16xf32>
          %max3A_735 = arith.constant 0.000000e+00 : f32
          %max3A_736 = vector.broadcast %max3A_735 : f32 to vector<16xf32>
          %max3A_737 = arith.maximumf %add3A_734, %max3A_736 : vector<16xf32>
          %add3A_738 = arith.constant 0 : i32
          %add3A_739 = arith.addi %add3A_738, %scan3A_532 : i32
          %swap3A_740 = arith.constant 1 : i32
          %swap3A_741 = arith.index_cast %swap3A_740 : i32 to index
          %swap3A_742 = arith.index_cast %add3A_739 : i32 to index
          %swap3A_743 = arith.constant 112 : index
          %swap3A_744 = tpu.vector_load %arg9[%swap3A_741, %swap3A_742, %swap3A_743] {strides = array<i32>} : memref<2x80x128xf32, #tpu.memory_space<vmem>>, vector<1x1x16xf32>,
          %swap3A_745 = vector.shape_cast %swap3A_744 : vector<1x1x16xf32> to vector<16xf32>
          %swap3A_746 = vector.shape_cast %max3A_737 : vector<16xf32> to vector<1x1x16xf32>
          tpu.vector_store %arg9[%swap3A_741, %swap3A_742, %swap3A_743], %swap3A_746 {strides = array<i32>} : memref<2x80x128xf32, #tpu.memory_space<vmem>>, vector<1x1x16xf32>,
          %scan3A_747 = arith.constant 0 : i32
          scf.yield %scan3A_747 : i32
        }
        %scan3A_477 = arith.constant 40 : i32
        %lt3A_478 = arith.constant 11 : i32
        %lt3A_479 = arith.cmpi slt, %scan3A_275, %lt3A_478 : i32
        %convert_element_type3A_480 = arith.extui %lt3A_479 : i1 to i32
        %cond3A_481 = arith.constant 0 : i32
        %cond3A_482 = arith.cmpi ne, %convert_element_type3A_480, %cond3A_481 : i32
        scf.if %cond3A_482 {
          %add3A_532 = arith.constant 2 : i32
          %add3A_533 = arith.addi %mul3A_278, %add3A_532 : i32
          %mul3A_534 = arith.constant 25 : i32
          %mul3A_535 = arith.muli %scan3A_49, %mul3A_534 : i32
          %add3A_536 = arith.addi %mul3A_535, %add3A_533 : i32
          %mul3A_537 = arith.constant 80 : i32
          %mul3A_538 = arith.muli %add3A_536, %mul3A_537 : i32
          %add3A_539 = arith.addi %mul3A_35, %mul3A_538 : i32
          %add3A_540 = arith.constant 0 : i32
          %add3A_541 = arith.addi %add3A_539, %add3A_540 : i32
          %dma_start3A_542 = arith.constant 0 : i32
          %dma_start3A_543 = arith.constant 0 : i32
          %dma_start3A_544 = arith.constant 0 : i32
          %dma_start3A_545 = tpu.memref_slice %arg10[%dma_start3A_542, %dma_start3A_543, %dma_start3A_544] : memref<2x40x128xf32, #tpu.memory_space<vmem>> -> memref<1x40x128xf32, #tpu.memory_space<vmem>>
          %dma_start3A_546 = tpu.memref_squeeze %dma_start3A_545 : memref<1x40x128xf32, #tpu.memory_space<vmem>> -> memref<40x128xf32, #tpu.memory_space<vmem>>
          %dma_start3A_547 = arith.constant 0 : i32
          %dma_start3A_548 = tpu.memref_slice %arg5[%add3A_541, %dma_start3A_547] : memref<320000x128xf32, #tpu.memory_space<hbm>> -> memref<40x128xf32, #tpu.memory_space<hbm>>
          %dma_start3A_549 = arith.constant 0 : i32
          %dma_start3A_550 = arith.constant 0 : i32
          %dma_start3A_551 = tpu.memref_slice %arg10[%dma_start3A_542, %dma_start3A_549, %dma_start3A_550] : memref<2x40x128xf32, #tpu.memory_space<vmem>> -> memref<1x40x128xf32, #tpu.memory_space<vmem>>
          %dma_start3A_552 = tpu.memref_squeeze %dma_start3A_551 : memref<1x40x128xf32, #tpu.memory_space<vmem>> -> memref<40x128xf32, #tpu.memory_space<vmem>>
          %dma_start3A_553 = arith.constant 0 : i32
          %dma_start3A_554 = tpu.memref_slice %arg5[%add3A_541, %dma_start3A_553] : memref<320000x128xf32, #tpu.memory_space<hbm>> -> memref<40x128xf32, #tpu.memory_space<hbm>>
          tpu.enqueue_dma source(%dma_start3A_554 : memref<40x128xf32, #tpu.memory_space<hbm>>) target(%dma_start3A_552 : memref<40x128xf32, #tpu.memory_space<vmem>>) target_semaphore(%arg14 : memref<!tpu.dma_semaphore, #tpu.memory_space<semaphore_mem>>)
        } else {
        }
        %add3A_483 = arith.constant 1 : i32
        %add3A_484 = arith.addi %mul3A_278, %add3A_483 : i32
        %mul3A_485 = arith.constant 25 : i32
        %mul3A_486 = arith.muli %scan3A_49, %mul3A_485 : i32
        %add3A_487 = arith.addi %mul3A_486, %add3A_484 : i32
        %mul3A_488 = arith.constant 80 : i32
        %mul3A_489 = arith.muli %add3A_487, %mul3A_488 : i32
        %add3A_490 = arith.addi %mul3A_35, %mul3A_489 : i32
        %add3A_491 = arith.constant 40 : i32
        %add3A_492 = arith.addi %add3A_490, %add3A_491 : i32
        %dma_wait3A_493 = arith.constant 1 : i32
        %dma_wait3A_494 = arith.constant 0 : i32
        %dma_wait3A_495 = arith.constant 0 : i32
        %dma_wait3A_496 = tpu.memref_slice %arg10[%dma_wait3A_493, %dma_wait3A_494, %dma_wait3A_495] : memref<2x40x128xf32, #tpu.memory_space<vmem>> -> memref<1x40x128xf32, #tpu.memory_space<vmem>>
        %dma_wait3A_497 = tpu.memref_squeeze %dma_wait3A_496 : memref<1x40x128xf32, #tpu.memory_space<vmem>> -> memref<40x128xf32, #tpu.memory_space<vmem>>
        %dma_wait3A_498 = arith.constant 0 : i32
        %dma_wait3A_499 = tpu.memref_slice %arg5[%add3A_492, %dma_wait3A_498] : memref<320000x128xf32, #tpu.memory_space<hbm>> -> memref<40x128xf32, #tpu.memory_space<hbm>>
        %dma_wait3A_500 = arith.constant 0 : i32
        %dma_wait3A_501 = arith.constant 0 : i32
        %dma_wait3A_502 = tpu.memref_slice %arg10[%dma_wait3A_493, %dma_wait3A_500, %dma_wait3A_501] : memref<2x40x128xf32, #tpu.memory_space<vmem>> -> memref<1x40x128xf32, #tpu.memory_space<vmem>>
        %dma_wait3A_503 = tpu.memref_squeeze %dma_wait3A_502 : memref<1x40x128xf32, #tpu.memory_space<vmem>> -> memref<40x128xf32, #tpu.memory_space<vmem>>
        %dma_wait3A_504 = arith.constant 0 : i32
        %dma_wait3A_505 = tpu.memref_slice %arg5[%add3A_492, %dma_wait3A_504] : memref<320000x128xf32, #tpu.memory_space<hbm>> -> memref<40x128xf32, #tpu.memory_space<hbm>>
        tpu.wait_dma2 semaphore(%arg15 : memref<!tpu.dma_semaphore, #tpu.memory_space<semaphore_mem>>) src(%dma_wait3A_505 : memref<40x128xf32, #tpu.memory_space<hbm>>) dst(%dma_wait3A_503 : memref<40x128xf32, #tpu.memory_space<vmem>>)
        %scan3A_506 = arith.constant 0 : i32
        %scan3A_507 = arith.constant 0 : i32
        %scan3A_508 = arith.constant 40 : i32
        %scan3A_509 = arith.addi %scan3A_507, %scan3A_508 : i32
        %scan3A_510 = arith.constant 1 : i32
        %scan3A_511 = scf.for %scan3A_532 = %scan3A_507 to %scan3A_509 step %scan3A_510 iter_args(%scan3A_533 = %scan3A_506) -> (i32)  : i32 {
          %add3A_534 = arith.constant 40 : i32
          %add3A_535 = arith.addi %add3A_534, %scan3A_532 : i32
          %get3A = arith.constant 1 : i32
          %get3A_536 = arith.index_cast %get3A : i32 to index
          %get3A_537 = arith.index_cast %add3A_535 : i32 to index
          %get3A_538 = arith.constant 0 : index
          %get3A_539 = tpu.vector_load %arg9[%get3A_536, %get3A_537, %get3A_538] {strides = array<i32>} : memref<2x80x128xf32, #tpu.memory_space<vmem>>, vector<1x1x16xf32>,
          %get3A_540 = vector.shape_cast %get3A_539 : vector<1x1x16xf32> to vector<16xf32>
          %get3A_541 = arith.constant 1 : i32
          %get3A_542 = arith.index_cast %get3A_541 : i32 to index
          %get3A_543 = arith.index_cast %scan3A_532 : i32 to index
          %get3A_544 = arith.constant 0 : index
          %get3A_545 = tpu.vector_load %arg10[%get3A_542, %get3A_543, %get3A_544] {strides = array<i32>} : memref<2x40x128xf32, #tpu.memory_space<vmem>>, vector<1x1x16xf32>,
          %get3A_546 = vector.shape_cast %get3A_545 : vector<1x1x16xf32> to vector<16xf32>
          %add3A_547 = arith.addf %get3A_540, %get3A_546 : vector<16xf32>
          %max3A = arith.constant 0.000000e+00 : f32
          %max3A_548 = vector.broadcast %max3A : f32 to vector<16xf32>
          %max3A_549 = arith.maximumf %add3A_547, %max3A_548 : vector<16xf32>
          %add3A_550 = arith.constant 40 : i32
          %add3A_551 = arith.addi %add3A_550, %scan3A_532 : i32
          %swap3A = arith.constant 1 : i32
          %swap3A_552 = arith.index_cast %swap3A : i32 to index
          %swap3A_553 = arith.index_cast %add3A_551 : i32 to index
          %swap3A_554 = arith.constant 0 : index
          %swap3A_555 = tpu.vector_load %arg9[%swap3A_552, %swap3A_553, %swap3A_554] {strides = array<i32>} : memref<2x80x128xf32, #tpu.memory_space<vmem>>, vector<1x1x16xf32>,
          %swap3A_556 = vector.shape_cast %swap3A_555 : vector<1x1x16xf32> to vector<16xf32>
          %swap3A_557 = vector.shape_cast %max3A_549 : vector<16xf32> to vector<1x1x16xf32>
          tpu.vector_store %arg9[%swap3A_552, %swap3A_553, %swap3A_554], %swap3A_557 {strides = array<i32>} : memref<2x80x128xf32, #tpu.memory_space<vmem>>, vector<1x1x16xf32>,
          %add3A_558 = arith.constant 40 : i32
          %add3A_559 = arith.addi %add3A_558, %scan3A_532 : i32
          %get3A_560 = arith.constant 1 : i32
          %get3A_561 = arith.index_cast %get3A_560 : i32 to index
          %get3A_562 = arith.index_cast %add3A_559 : i32 to index
          %get3A_563 = arith.constant 16 : index
          %get3A_564 = tpu.vector_load %arg9[%get3A_561, %get3A_562, %get3A_563] {strides = array<i32>} : memref<2x80x128xf32, #tpu.memory_space<vmem>>, vector<1x1x16xf32>,
          %get3A_565 = vector.shape_cast %get3A_564 : vector<1x1x16xf32> to vector<16xf32>
          %get3A_566 = arith.constant 1 : i32
          %get3A_567 = arith.index_cast %get3A_566 : i32 to index
          %get3A_568 = arith.index_cast %scan3A_532 : i32 to index
          %get3A_569 = arith.constant 16 : index
          %get3A_570 = tpu.vector_load %arg10[%get3A_567, %get3A_568, %get3A_569] {strides = array<i32>} : memref<2x40x128xf32, #tpu.memory_space<vmem>>, vector<1x1x16xf32>,
          %get3A_571 = vector.shape_cast %get3A_570 : vector<1x1x16xf32> to vector<16xf32>
          %add3A_572 = arith.addf %get3A_565, %get3A_571 : vector<16xf32>
          %max3A_573 = arith.constant 0.000000e+00 : f32
          %max3A_574 = vector.broadcast %max3A_573 : f32 to vector<16xf32>
          %max3A_575 = arith.maximumf %add3A_572, %max3A_574 : vector<16xf32>
          %add3A_576 = arith.constant 40 : i32
          %add3A_577 = arith.addi %add3A_576, %scan3A_532 : i32
          %swap3A_578 = arith.constant 1 : i32
          %swap3A_579 = arith.index_cast %swap3A_578 : i32 to index
          %swap3A_580 = arith.index_cast %add3A_577 : i32 to index
          %swap3A_581 = arith.constant 16 : index
          %swap3A_582 = tpu.vector_load %arg9[%swap3A_579, %swap3A_580, %swap3A_581] {strides = array<i32>} : memref<2x80x128xf32, #tpu.memory_space<vmem>>, vector<1x1x16xf32>,
          %swap3A_583 = vector.shape_cast %swap3A_582 : vector<1x1x16xf32> to vector<16xf32>
          %swap3A_584 = vector.shape_cast %max3A_575 : vector<16xf32> to vector<1x1x16xf32>
          tpu.vector_store %arg9[%swap3A_579, %swap3A_580, %swap3A_581], %swap3A_584 {strides = array<i32>} : memref<2x80x128xf32, #tpu.memory_space<vmem>>, vector<1x1x16xf32>,
          %add3A_585 = arith.constant 40 : i32
          %add3A_586 = arith.addi %add3A_585, %scan3A_532 : i32
          %get3A_587 = arith.constant 1 : i32
          %get3A_588 = arith.index_cast %get3A_587 : i32 to index
          %get3A_589 = arith.index_cast %add3A_586 : i32 to index
          %get3A_590 = arith.constant 32 : index
          %get3A_591 = tpu.vector_load %arg9[%get3A_588, %get3A_589, %get3A_590] {strides = array<i32>} : memref<2x80x128xf32, #tpu.memory_space<vmem>>, vector<1x1x16xf32>,
          %get3A_592 = vector.shape_cast %get3A_591 : vector<1x1x16xf32> to vector<16xf32>
          %get3A_593 = arith.constant 1 : i32
          %get3A_594 = arith.index_cast %get3A_593 : i32 to index
          %get3A_595 = arith.index_cast %scan3A_532 : i32 to index
          %get3A_596 = arith.constant 32 : index
          %get3A_597 = tpu.vector_load %arg10[%get3A_594, %get3A_595, %get3A_596] {strides = array<i32>} : memref<2x40x128xf32, #tpu.memory_space<vmem>>, vector<1x1x16xf32>,
          %get3A_598 = vector.shape_cast %get3A_597 : vector<1x1x16xf32> to vector<16xf32>
          %add3A_599 = arith.addf %get3A_592, %get3A_598 : vector<16xf32>
          %max3A_600 = arith.constant 0.000000e+00 : f32
          %max3A_601 = vector.broadcast %max3A_600 : f32 to vector<16xf32>
          %max3A_602 = arith.maximumf %add3A_599, %max3A_601 : vector<16xf32>
          %add3A_603 = arith.constant 40 : i32
          %add3A_604 = arith.addi %add3A_603, %scan3A_532 : i32
          %swap3A_605 = arith.constant 1 : i32
          %swap3A_606 = arith.index_cast %swap3A_605 : i32 to index
          %swap3A_607 = arith.index_cast %add3A_604 : i32 to index
          %swap3A_608 = arith.constant 32 : index
          %swap3A_609 = tpu.vector_load %arg9[%swap3A_606, %swap3A_607, %swap3A_608] {strides = array<i32>} : memref<2x80x128xf32, #tpu.memory_space<vmem>>, vector<1x1x16xf32>,
          %swap3A_610 = vector.shape_cast %swap3A_609 : vector<1x1x16xf32> to vector<16xf32>
          %swap3A_611 = vector.shape_cast %max3A_602 : vector<16xf32> to vector<1x1x16xf32>
          tpu.vector_store %arg9[%swap3A_606, %swap3A_607, %swap3A_608], %swap3A_611 {strides = array<i32>} : memref<2x80x128xf32, #tpu.memory_space<vmem>>, vector<1x1x16xf32>,
          %add3A_612 = arith.constant 40 : i32
          %add3A_613 = arith.addi %add3A_612, %scan3A_532 : i32
          %get3A_614 = arith.constant 1 : i32
          %get3A_615 = arith.index_cast %get3A_614 : i32 to index
          %get3A_616 = arith.index_cast %add3A_613 : i32 to index
          %get3A_617 = arith.constant 48 : index
          %get3A_618 = tpu.vector_load %arg9[%get3A_615, %get3A_616, %get3A_617] {strides = array<i32>} : memref<2x80x128xf32, #tpu.memory_space<vmem>>, vector<1x1x16xf32>,
          %get3A_619 = vector.shape_cast %get3A_618 : vector<1x1x16xf32> to vector<16xf32>
          %get3A_620 = arith.constant 1 : i32
          %get3A_621 = arith.index_cast %get3A_620 : i32 to index
          %get3A_622 = arith.index_cast %scan3A_532 : i32 to index
          %get3A_623 = arith.constant 48 : index
          %get3A_624 = tpu.vector_load %arg10[%get3A_621, %get3A_622, %get3A_623] {strides = array<i32>} : memref<2x40x128xf32, #tpu.memory_space<vmem>>, vector<1x1x16xf32>,
          %get3A_625 = vector.shape_cast %get3A_624 : vector<1x1x16xf32> to vector<16xf32>
          %add3A_626 = arith.addf %get3A_619, %get3A_625 : vector<16xf32>
          %max3A_627 = arith.constant 0.000000e+00 : f32
          %max3A_628 = vector.broadcast %max3A_627 : f32 to vector<16xf32>
          %max3A_629 = arith.maximumf %add3A_626, %max3A_628 : vector<16xf32>
          %add3A_630 = arith.constant 40 : i32
          %add3A_631 = arith.addi %add3A_630, %scan3A_532 : i32
          %swap3A_632 = arith.constant 1 : i32
          %swap3A_633 = arith.index_cast %swap3A_632 : i32 to index
          %swap3A_634 = arith.index_cast %add3A_631 : i32 to index
          %swap3A_635 = arith.constant 48 : index
          %swap3A_636 = tpu.vector_load %arg9[%swap3A_633, %swap3A_634, %swap3A_635] {strides = array<i32>} : memref<2x80x128xf32, #tpu.memory_space<vmem>>, vector<1x1x16xf32>,
          %swap3A_637 = vector.shape_cast %swap3A_636 : vector<1x1x16xf32> to vector<16xf32>
          %swap3A_638 = vector.shape_cast %max3A_629 : vector<16xf32> to vector<1x1x16xf32>
          tpu.vector_store %arg9[%swap3A_633, %swap3A_634, %swap3A_635], %swap3A_638 {strides = array<i32>} : memref<2x80x128xf32, #tpu.memory_space<vmem>>, vector<1x1x16xf32>,
          %add3A_639 = arith.constant 40 : i32
          %add3A_640 = arith.addi %add3A_639, %scan3A_532 : i32
          %get3A_641 = arith.constant 1 : i32
          %get3A_642 = arith.index_cast %get3A_641 : i32 to index
          %get3A_643 = arith.index_cast %add3A_640 : i32 to index
          %get3A_644 = arith.constant 64 : index
          %get3A_645 = tpu.vector_load %arg9[%get3A_642, %get3A_643, %get3A_644] {strides = array<i32>} : memref<2x80x128xf32, #tpu.memory_space<vmem>>, vector<1x1x16xf32>,
          %get3A_646 = vector.shape_cast %get3A_645 : vector<1x1x16xf32> to vector<16xf32>
          %get3A_647 = arith.constant 1 : i32
          %get3A_648 = arith.index_cast %get3A_647 : i32 to index
          %get3A_649 = arith.index_cast %scan3A_532 : i32 to index
          %get3A_650 = arith.constant 64 : index
          %get3A_651 = tpu.vector_load %arg10[%get3A_648, %get3A_649, %get3A_650] {strides = array<i32>} : memref<2x40x128xf32, #tpu.memory_space<vmem>>, vector<1x1x16xf32>,
          %get3A_652 = vector.shape_cast %get3A_651 : vector<1x1x16xf32> to vector<16xf32>
          %add3A_653 = arith.addf %get3A_646, %get3A_652 : vector<16xf32>
          %max3A_654 = arith.constant 0.000000e+00 : f32
          %max3A_655 = vector.broadcast %max3A_654 : f32 to vector<16xf32>
          %max3A_656 = arith.maximumf %add3A_653, %max3A_655 : vector<16xf32>
          %add3A_657 = arith.constant 40 : i32
          %add3A_658 = arith.addi %add3A_657, %scan3A_532 : i32
          %swap3A_659 = arith.constant 1 : i32
          %swap3A_660 = arith.index_cast %swap3A_659 : i32 to index
          %swap3A_661 = arith.index_cast %add3A_658 : i32 to index
          %swap3A_662 = arith.constant 64 : index
          %swap3A_663 = tpu.vector_load %arg9[%swap3A_660, %swap3A_661, %swap3A_662] {strides = array<i32>} : memref<2x80x128xf32, #tpu.memory_space<vmem>>, vector<1x1x16xf32>,
          %swap3A_664 = vector.shape_cast %swap3A_663 : vector<1x1x16xf32> to vector<16xf32>
          %swap3A_665 = vector.shape_cast %max3A_656 : vector<16xf32> to vector<1x1x16xf32>
          tpu.vector_store %arg9[%swap3A_660, %swap3A_661, %swap3A_662], %swap3A_665 {strides = array<i32>} : memref<2x80x128xf32, #tpu.memory_space<vmem>>, vector<1x1x16xf32>,
          %add3A_666 = arith.constant 40 : i32
          %add3A_667 = arith.addi %add3A_666, %scan3A_532 : i32
          %get3A_668 = arith.constant 1 : i32
          %get3A_669 = arith.index_cast %get3A_668 : i32 to index
          %get3A_670 = arith.index_cast %add3A_667 : i32 to index
          %get3A_671 = arith.constant 80 : index
          %get3A_672 = tpu.vector_load %arg9[%get3A_669, %get3A_670, %get3A_671] {strides = array<i32>} : memref<2x80x128xf32, #tpu.memory_space<vmem>>, vector<1x1x16xf32>,
          %get3A_673 = vector.shape_cast %get3A_672 : vector<1x1x16xf32> to vector<16xf32>
          %get3A_674 = arith.constant 1 : i32
          %get3A_675 = arith.index_cast %get3A_674 : i32 to index
          %get3A_676 = arith.index_cast %scan3A_532 : i32 to index
          %get3A_677 = arith.constant 80 : index
          %get3A_678 = tpu.vector_load %arg10[%get3A_675, %get3A_676, %get3A_677] {strides = array<i32>} : memref<2x40x128xf32, #tpu.memory_space<vmem>>, vector<1x1x16xf32>,
          %get3A_679 = vector.shape_cast %get3A_678 : vector<1x1x16xf32> to vector<16xf32>
          %add3A_680 = arith.addf %get3A_673, %get3A_679 : vector<16xf32>
          %max3A_681 = arith.constant 0.000000e+00 : f32
          %max3A_682 = vector.broadcast %max3A_681 : f32 to vector<16xf32>
          %max3A_683 = arith.maximumf %add3A_680, %max3A_682 : vector<16xf32>
          %add3A_684 = arith.constant 40 : i32
          %add3A_685 = arith.addi %add3A_684, %scan3A_532 : i32
          %swap3A_686 = arith.constant 1 : i32
          %swap3A_687 = arith.index_cast %swap3A_686 : i32 to index
          %swap3A_688 = arith.index_cast %add3A_685 : i32 to index
          %swap3A_689 = arith.constant 80 : index
          %swap3A_690 = tpu.vector_load %arg9[%swap3A_687, %swap3A_688, %swap3A_689] {strides = array<i32>} : memref<2x80x128xf32, #tpu.memory_space<vmem>>, vector<1x1x16xf32>,
          %swap3A_691 = vector.shape_cast %swap3A_690 : vector<1x1x16xf32> to vector<16xf32>
          %swap3A_692 = vector.shape_cast %max3A_683 : vector<16xf32> to vector<1x1x16xf32>
          tpu.vector_store %arg9[%swap3A_687, %swap3A_688, %swap3A_689], %swap3A_692 {strides = array<i32>} : memref<2x80x128xf32, #tpu.memory_space<vmem>>, vector<1x1x16xf32>,
          %add3A_693 = arith.constant 40 : i32
          %add3A_694 = arith.addi %add3A_693, %scan3A_532 : i32
          %get3A_695 = arith.constant 1 : i32
          %get3A_696 = arith.index_cast %get3A_695 : i32 to index
          %get3A_697 = arith.index_cast %add3A_694 : i32 to index
          %get3A_698 = arith.constant 96 : index
          %get3A_699 = tpu.vector_load %arg9[%get3A_696, %get3A_697, %get3A_698] {strides = array<i32>} : memref<2x80x128xf32, #tpu.memory_space<vmem>>, vector<1x1x16xf32>,
          %get3A_700 = vector.shape_cast %get3A_699 : vector<1x1x16xf32> to vector<16xf32>
          %get3A_701 = arith.constant 1 : i32
          %get3A_702 = arith.index_cast %get3A_701 : i32 to index
          %get3A_703 = arith.index_cast %scan3A_532 : i32 to index
          %get3A_704 = arith.constant 96 : index
          %get3A_705 = tpu.vector_load %arg10[%get3A_702, %get3A_703, %get3A_704] {strides = array<i32>} : memref<2x40x128xf32, #tpu.memory_space<vmem>>, vector<1x1x16xf32>,
          %get3A_706 = vector.shape_cast %get3A_705 : vector<1x1x16xf32> to vector<16xf32>
          %add3A_707 = arith.addf %get3A_700, %get3A_706 : vector<16xf32>
          %max3A_708 = arith.constant 0.000000e+00 : f32
          %max3A_709 = vector.broadcast %max3A_708 : f32 to vector<16xf32>
          %max3A_710 = arith.maximumf %add3A_707, %max3A_709 : vector<16xf32>
          %add3A_711 = arith.constant 40 : i32
          %add3A_712 = arith.addi %add3A_711, %scan3A_532 : i32
          %swap3A_713 = arith.constant 1 : i32
          %swap3A_714 = arith.index_cast %swap3A_713 : i32 to index
          %swap3A_715 = arith.index_cast %add3A_712 : i32 to index
          %swap3A_716 = arith.constant 96 : index
          %swap3A_717 = tpu.vector_load %arg9[%swap3A_714, %swap3A_715, %swap3A_716] {strides = array<i32>} : memref<2x80x128xf32, #tpu.memory_space<vmem>>, vector<1x1x16xf32>,
          %swap3A_718 = vector.shape_cast %swap3A_717 : vector<1x1x16xf32> to vector<16xf32>
          %swap3A_719 = vector.shape_cast %max3A_710 : vector<16xf32> to vector<1x1x16xf32>
          tpu.vector_store %arg9[%swap3A_714, %swap3A_715, %swap3A_716], %swap3A_719 {strides = array<i32>} : memref<2x80x128xf32, #tpu.memory_space<vmem>>, vector<1x1x16xf32>,
          %add3A_720 = arith.constant 40 : i32
          %add3A_721 = arith.addi %add3A_720, %scan3A_532 : i32
          %get3A_722 = arith.constant 1 : i32
          %get3A_723 = arith.index_cast %get3A_722 : i32 to index
          %get3A_724 = arith.index_cast %add3A_721 : i32 to index
          %get3A_725 = arith.constant 112 : index
          %get3A_726 = tpu.vector_load %arg9[%get3A_723, %get3A_724, %get3A_725] {strides = array<i32>} : memref<2x80x128xf32, #tpu.memory_space<vmem>>, vector<1x1x16xf32>,
          %get3A_727 = vector.shape_cast %get3A_726 : vector<1x1x16xf32> to vector<16xf32>
          %get3A_728 = arith.constant 1 : i32
          %get3A_729 = arith.index_cast %get3A_728 : i32 to index
          %get3A_730 = arith.index_cast %scan3A_532 : i32 to index
          %get3A_731 = arith.constant 112 : index
          %get3A_732 = tpu.vector_load %arg10[%get3A_729, %get3A_730, %get3A_731] {strides = array<i32>} : memref<2x40x128xf32, #tpu.memory_space<vmem>>, vector<1x1x16xf32>,
          %get3A_733 = vector.shape_cast %get3A_732 : vector<1x1x16xf32> to vector<16xf32>
          %add3A_734 = arith.addf %get3A_727, %get3A_733 : vector<16xf32>
          %max3A_735 = arith.constant 0.000000e+00 : f32
          %max3A_736 = vector.broadcast %max3A_735 : f32 to vector<16xf32>
          %max3A_737 = arith.maximumf %add3A_734, %max3A_736 : vector<16xf32>
          %add3A_738 = arith.constant 40 : i32
          %add3A_739 = arith.addi %add3A_738, %scan3A_532 : i32
          %swap3A_740 = arith.constant 1 : i32
          %swap3A_741 = arith.index_cast %swap3A_740 : i32 to index
          %swap3A_742 = arith.index_cast %add3A_739 : i32 to index
          %swap3A_743 = arith.constant 112 : index
          %swap3A_744 = tpu.vector_load %arg9[%swap3A_741, %swap3A_742, %swap3A_743] {strides = array<i32>} : memref<2x80x128xf32, #tpu.memory_space<vmem>>, vector<1x1x16xf32>,
          %swap3A_745 = vector.shape_cast %swap3A_744 : vector<1x1x16xf32> to vector<16xf32>
          %swap3A_746 = vector.shape_cast %max3A_737 : vector<16xf32> to vector<1x1x16xf32>
          tpu.vector_store %arg9[%swap3A_741, %swap3A_742, %swap3A_743], %swap3A_746 {strides = array<i32>} : memref<2x80x128xf32, #tpu.memory_space<vmem>>, vector<1x1x16xf32>,
          %scan3A_747 = arith.constant 0 : i32
          scf.yield %scan3A_747 : i32
        }
        %scan3A_512 = arith.constant 40 : i32
        %lt3A_513 = arith.constant 11 : i32
        %lt3A_514 = arith.cmpi slt, %scan3A_275, %lt3A_513 : i32
        %convert_element_type3A_515 = arith.extui %lt3A_514 : i1 to i32
        %cond3A_516 = arith.constant 0 : i32
        %cond3A_517 = arith.cmpi ne, %convert_element_type3A_515, %cond3A_516 : i32
        scf.if %cond3A_517 {
          %add3A_532 = arith.constant 2 : i32
          %add3A_533 = arith.addi %mul3A_278, %add3A_532 : i32
          %mul3A_534 = arith.constant 25 : i32
          %mul3A_535 = arith.muli %scan3A_49, %mul3A_534 : i32
          %add3A_536 = arith.addi %mul3A_535, %add3A_533 : i32
          %mul3A_537 = arith.constant 80 : i32
          %mul3A_538 = arith.muli %add3A_536, %mul3A_537 : i32
          %add3A_539 = arith.addi %mul3A_35, %mul3A_538 : i32
          %add3A_540 = arith.constant 40 : i32
          %add3A_541 = arith.addi %add3A_539, %add3A_540 : i32
          %dma_start3A_542 = arith.constant 1 : i32
          %dma_start3A_543 = arith.constant 0 : i32
          %dma_start3A_544 = arith.constant 0 : i32
          %dma_start3A_545 = tpu.memref_slice %arg10[%dma_start3A_542, %dma_start3A_543, %dma_start3A_544] : memref<2x40x128xf32, #tpu.memory_space<vmem>> -> memref<1x40x128xf32, #tpu.memory_space<vmem>>
          %dma_start3A_546 = tpu.memref_squeeze %dma_start3A_545 : memref<1x40x128xf32, #tpu.memory_space<vmem>> -> memref<40x128xf32, #tpu.memory_space<vmem>>
          %dma_start3A_547 = arith.constant 0 : i32
          %dma_start3A_548 = tpu.memref_slice %arg5[%add3A_541, %dma_start3A_547] : memref<320000x128xf32, #tpu.memory_space<hbm>> -> memref<40x128xf32, #tpu.memory_space<hbm>>
          %dma_start3A_549 = arith.constant 0 : i32
          %dma_start3A_550 = arith.constant 0 : i32
          %dma_start3A_551 = tpu.memref_slice %arg10[%dma_start3A_542, %dma_start3A_549, %dma_start3A_550] : memref<2x40x128xf32, #tpu.memory_space<vmem>> -> memref<1x40x128xf32, #tpu.memory_space<vmem>>
          %dma_start3A_552 = tpu.memref_squeeze %dma_start3A_551 : memref<1x40x128xf32, #tpu.memory_space<vmem>> -> memref<40x128xf32, #tpu.memory_space<vmem>>
          %dma_start3A_553 = arith.constant 0 : i32
          %dma_start3A_554 = tpu.memref_slice %arg5[%add3A_541, %dma_start3A_553] : memref<320000x128xf32, #tpu.memory_space<hbm>> -> memref<40x128xf32, #tpu.memory_space<hbm>>
          tpu.enqueue_dma source(%dma_start3A_554 : memref<40x128xf32, #tpu.memory_space<hbm>>) target(%dma_start3A_552 : memref<40x128xf32, #tpu.memory_space<vmem>>) target_semaphore(%arg15 : memref<!tpu.dma_semaphore, #tpu.memory_space<semaphore_mem>>)
        } else {
        }
        %add3A_518 = arith.constant 1 : i32
        %add3A_519 = arith.addi %mul3A_278, %add3A_518 : i32
        %dma_start3A_520 = arith.constant 1 : i32
        %dma_start3A_521 = arith.constant 0 : i32
        %dma_start3A_522 = arith.constant 0 : i32
        %dma_start3A_523 = tpu.memref_slice %arg9[%dma_start3A_520, %dma_start3A_521, %dma_start3A_522] : memref<2x80x128xf32, #tpu.memory_space<vmem>> -> memref<1x80x128xf32, #tpu.memory_space<vmem>>
        %dma_start3A_524 = tpu.memref_squeeze %dma_start3A_523 : memref<1x80x128xf32, #tpu.memory_space<vmem>> -> memref<80x128xf32, #tpu.memory_space<vmem>>
        %dma_start3A_525 = arith.constant 0 : i32
        %dma_start3A_526 = tpu.memref_slice %arg8[%add3A_519, %dma_start3A_525] : memref<25x80xi32, #tpu.memory_space<vmem>> -> memref<1x80xi32, #tpu.memory_space<vmem>>
        %dma_start3A_527 = tpu.memref_squeeze %dma_start3A_526 : memref<1x80xi32, #tpu.memory_space<vmem>> -> memref<80xi32, #tpu.memory_space<vmem>>
        %dma_start3A_528 = arith.constant 0 : i32
        %dma_start3A_529 = arith.constant 0 : i32
        %dma_start3A_530 = tpu.memref_slice %arg11[%dma_start3A_528, %dma_start3A_529] : memref<10000x128xf32, #tpu.memory_space<vmem_shared>> -> memref<10000x128xf32, #tpu.memory_space<vmem_shared>>
        tpu.enqueue_indirect_dma source(%dma_start3A_524 : memref<80x128xf32, #tpu.memory_space<vmem>>) target(%dma_start3A_530 : memref<10000x128xf32, #tpu.memory_space<vmem_shared>>) offsets(%dma_start3A_527 : memref<80xi32, #tpu.memory_space<vmem>>) semaphore(%arg17 : memref<!tpu.dma_semaphore, #tpu.memory_space<semaphore_mem>>) {add = true}
        %scan3A_531 = arith.constant 0 : i32
        scf.yield %scan3A_531 : i32
      }
      %scan3A_112 = arith.constant 12 : i32
      %dma_start3A_113 = arith.constant 24 : i32
      %dma_start3A_114 = arith.constant 0 : i32
      %dma_start3A_115 = arith.constant 0 : i32
      %dma_start3A_116 = arith.constant 0 : i32
      %dma_start3A_117 = tpu.memref_slice %arg9[%dma_start3A_114, %dma_start3A_115, %dma_start3A_116] : memref<2x80x128xf32, #tpu.memory_space<vmem>> -> memref<1x80x128xf32, #tpu.memory_space<vmem>>
      %dma_start3A_118 = tpu.memref_squeeze %dma_start3A_117 : memref<1x80x128xf32, #tpu.memory_space<vmem>> -> memref<80x128xf32, #tpu.memory_space<vmem>>
      %dma_start3A_119 = arith.constant 0 : i32
      %dma_start3A_120 = tpu.memref_slice %arg7[%dma_start3A_113, %dma_start3A_119] : memref<25x80xi32, #tpu.memory_space<vmem>> -> memref<1x80xi32, #tpu.memory_space<vmem>>
      %dma_start3A_121 = tpu.memref_squeeze %dma_start3A_120 : memref<1x80xi32, #tpu.memory_space<vmem>> -> memref<80xi32, #tpu.memory_space<vmem>>
      %dma_start3A_122 = arith.constant 0 : i32
      %dma_start3A_123 = arith.constant 0 : i32
      %dma_start3A_124 = tpu.memref_slice %arg2[%dma_start3A_122, %dma_start3A_123] : memref<10000x128xf32, #tpu.memory_space<hbm>> -> memref<10000x128xf32, #tpu.memory_space<hbm>>
      tpu.enqueue_indirect_dma source(%dma_start3A_124 : memref<10000x128xf32, #tpu.memory_space<hbm>>) target(%dma_start3A_118 : memref<80x128xf32, #tpu.memory_space<vmem>>) offsets(%dma_start3A_121 : memref<80xi32, #tpu.memory_space<vmem>>) semaphore(%arg12 : memref<!tpu.dma_semaphore, #tpu.memory_space<semaphore_mem>>)
      %mul3A_125 = arith.constant 25 : i32
      %mul3A_126 = arith.muli %scan3A_49, %mul3A_125 : i32
      %add3A_127 = arith.constant 24 : i32
      %add3A_128 = arith.addi %mul3A_126, %add3A_127 : i32
      %mul3A_129 = arith.constant 80 : i32
      %mul3A_130 = arith.muli %add3A_128, %mul3A_129 : i32
      %add3A_131 = arith.addi %mul3A_35, %mul3A_130 : i32
      %add3A_132 = arith.constant 0 : i32
      %add3A_133 = arith.addi %add3A_131, %add3A_132 : i32
      %dma_start3A_134 = arith.constant 0 : i32
      %dma_start3A_135 = arith.constant 0 : i32
      %dma_start3A_136 = arith.constant 0 : i32
      %dma_start3A_137 = tpu.memref_slice %arg10[%dma_start3A_134, %dma_start3A_135, %dma_start3A_136] : memref<2x40x128xf32, #tpu.memory_space<vmem>> -> memref<1x40x128xf32, #tpu.memory_space<vmem>>
      %dma_start3A_138 = tpu.memref_squeeze %dma_start3A_137 : memref<1x40x128xf32, #tpu.memory_space<vmem>> -> memref<40x128xf32, #tpu.memory_space<vmem>>
      %dma_start3A_139 = arith.constant 0 : i32
      %dma_start3A_140 = tpu.memref_slice %arg5[%add3A_133, %dma_start3A_139] : memref<320000x128xf32, #tpu.memory_space<hbm>> -> memref<40x128xf32, #tpu.memory_space<hbm>>
      %dma_start3A_141 = arith.constant 0 : i32
      %dma_start3A_142 = arith.constant 0 : i32
      %dma_start3A_143 = tpu.memref_slice %arg10[%dma_start3A_134, %dma_start3A_141, %dma_start3A_142] : memref<2x40x128xf32, #tpu.memory_space<vmem>> -> memref<1x40x128xf32, #tpu.memory_space<vmem>>
      %dma_start3A_144 = tpu.memref_squeeze %dma_start3A_143 : memref<1x40x128xf32, #tpu.memory_space<vmem>> -> memref<40x128xf32, #tpu.memory_space<vmem>>
      %dma_start3A_145 = arith.constant 0 : i32
      %dma_start3A_146 = tpu.memref_slice %arg5[%add3A_133, %dma_start3A_145] : memref<320000x128xf32, #tpu.memory_space<hbm>> -> memref<40x128xf32, #tpu.memory_space<hbm>>
      tpu.enqueue_dma source(%dma_start3A_146 : memref<40x128xf32, #tpu.memory_space<hbm>>) target(%dma_start3A_144 : memref<40x128xf32, #tpu.memory_space<vmem>>) target_semaphore(%arg14 : memref<!tpu.dma_semaphore, #tpu.memory_space<semaphore_mem>>)
      %mul3A_147 = arith.constant 25 : i32
      %mul3A_148 = arith.muli %scan3A_49, %mul3A_147 : i32
      %add3A_149 = arith.constant 24 : i32
      %add3A_150 = arith.addi %mul3A_148, %add3A_149 : i32
      %mul3A_151 = arith.constant 80 : i32
      %mul3A_152 = arith.muli %add3A_150, %mul3A_151 : i32
      %add3A_153 = arith.addi %mul3A_35, %mul3A_152 : i32
      %add3A_154 = arith.constant 40 : i32
      %add3A_155 = arith.addi %add3A_153, %add3A_154 : i32
      %dma_start3A_156 = arith.constant 1 : i32
      %dma_start3A_157 = arith.constant 0 : i32
      %dma_start3A_158 = arith.constant 0 : i32
      %dma_start3A_159 = tpu.memref_slice %arg10[%dma_start3A_156, %dma_start3A_157, %dma_start3A_158] : memref<2x40x128xf32, #tpu.memory_space<vmem>> -> memref<1x40x128xf32, #tpu.memory_space<vmem>>
      %dma_start3A_160 = tpu.memref_squeeze %dma_start3A_159 : memref<1x40x128xf32, #tpu.memory_space<vmem>> -> memref<40x128xf32, #tpu.memory_space<vmem>>
      %dma_start3A_161 = arith.constant 0 : i32
      %dma_start3A_162 = tpu.memref_slice %arg5[%add3A_155, %dma_start3A_161] : memref<320000x128xf32, #tpu.memory_space<hbm>> -> memref<40x128xf32, #tpu.memory_space<hbm>>
      %dma_start3A_163 = arith.constant 0 : i32
      %dma_start3A_164 = arith.constant 0 : i32
      %dma_start3A_165 = tpu.memref_slice %arg10[%dma_start3A_156, %dma_start3A_163, %dma_start3A_164] : memref<2x40x128xf32, #tpu.memory_space<vmem>> -> memref<1x40x128xf32, #tpu.memory_space<vmem>>
      %dma_start3A_166 = tpu.memref_squeeze %dma_start3A_165 : memref<1x40x128xf32, #tpu.memory_space<vmem>> -> memref<40x128xf32, #tpu.memory_space<vmem>>
      %dma_start3A_167 = arith.constant 0 : i32
      %dma_start3A_168 = tpu.memref_slice %arg5[%add3A_155, %dma_start3A_167] : memref<320000x128xf32, #tpu.memory_space<hbm>> -> memref<40x128xf32, #tpu.memory_space<hbm>>
      tpu.enqueue_dma source(%dma_start3A_168 : memref<40x128xf32, #tpu.memory_space<hbm>>) target(%dma_start3A_166 : memref<40x128xf32, #tpu.memory_space<vmem>>) target_semaphore(%arg15 : memref<!tpu.dma_semaphore, #tpu.memory_space<semaphore_mem>>)
      %dma_wait3A = arith.constant 1 : i32
      %dma_wait3A_169 = arith.constant 23 : i32
      %dma_wait3A_170 = arith.constant 0 : i32
      %dma_wait3A_171 = arith.constant 0 : i32
      %dma_wait3A_172 = tpu.memref_slice %arg9[%dma_wait3A, %dma_wait3A_170, %dma_wait3A_171] : memref<2x80x128xf32, #tpu.memory_space<vmem>> -> memref<1x80x128xf32, #tpu.memory_space<vmem>>
      %dma_wait3A_173 = tpu.memref_squeeze %dma_wait3A_172 : memref<1x80x128xf32, #tpu.memory_space<vmem>> -> memref<80x128xf32, #tpu.memory_space<vmem>>
      %dma_wait3A_174 = arith.constant 0 : i32
      %dma_wait3A_175 = tpu.memref_slice %arg8[%dma_wait3A_169, %dma_wait3A_174] : memref<25x80xi32, #tpu.memory_space<vmem>> -> memref<1x80xi32, #tpu.memory_space<vmem>>
      %dma_wait3A_176 = tpu.memref_squeeze %dma_wait3A_175 : memref<1x80xi32, #tpu.memory_space<vmem>> -> memref<80xi32, #tpu.memory_space<vmem>>
      %dma_wait3A_177 = arith.constant 0 : i32
      %dma_wait3A_178 = arith.constant 0 : i32
      %dma_wait3A_179 = tpu.memref_slice %arg11[%dma_wait3A_177, %dma_wait3A_178] : memref<10000x128xf32, #tpu.memory_space<vmem_shared>> -> memref<10000x128xf32, #tpu.memory_space<vmem_shared>>
      tpu.wait_indirect_dma semaphore(%arg17 : memref<!tpu.dma_semaphore, #tpu.memory_space<semaphore_mem>>) src(%dma_wait3A_173 : memref<80x128xf32, #tpu.memory_space<vmem>>) dst(%dma_wait3A_179 : memref<10000x128xf32, #tpu.memory_space<vmem_shared>>)
      %dma_wait3A_180 = arith.constant 24 : i32
      %dma_wait3A_181 = arith.constant 0 : i32
      %dma_wait3A_182 = arith.constant 0 : i32
      %dma_wait3A_183 = arith.constant 0 : i32
      %dma_wait3A_184 = tpu.memref_slice %arg9[%dma_wait3A_181, %dma_wait3A_182, %dma_wait3A_183] : memref<2x80x128xf32, #tpu.memory_space<vmem>> -> memref<1x80x128xf32, #tpu.memory_space<vmem>>
      %dma_wait3A_185 = tpu.memref_squeeze %dma_wait3A_184 : memref<1x80x128xf32, #tpu.memory_space<vmem>> -> memref<80x128xf32, #tpu.memory_space<vmem>>
      %dma_wait3A_186 = arith.constant 0 : i32
      %dma_wait3A_187 = tpu.memref_slice %arg7[%dma_wait3A_180, %dma_wait3A_186] : memref<25x80xi32, #tpu.memory_space<vmem>> -> memref<1x80xi32, #tpu.memory_space<vmem>>
      %dma_wait3A_188 = tpu.memref_squeeze %dma_wait3A_187 : memref<1x80xi32, #tpu.memory_space<vmem>> -> memref<80xi32, #tpu.memory_space<vmem>>
      %dma_wait3A_189 = arith.constant 0 : i32
      %dma_wait3A_190 = arith.constant 0 : i32
      %dma_wait3A_191 = tpu.memref_slice %arg2[%dma_wait3A_189, %dma_wait3A_190] : memref<10000x128xf32, #tpu.memory_space<hbm>> -> memref<10000x128xf32, #tpu.memory_space<hbm>>
      tpu.wait_indirect_dma semaphore(%arg12 : memref<!tpu.dma_semaphore, #tpu.memory_space<semaphore_mem>>) src(%dma_wait3A_191 : memref<10000x128xf32, #tpu.memory_space<hbm>>) dst(%dma_wait3A_185 : memref<80x128xf32, #tpu.memory_space<vmem>>)
      %mul3A_192 = arith.constant 25 : i32
      %mul3A_193 = arith.muli %scan3A_49, %mul3A_192 : i32
      %add3A_194 = arith.constant 24 : i32
      %add3A_195 = arith.addi %mul3A_193, %add3A_194 : i32
      %mul3A_196 = arith.constant 80 : i32
      %mul3A_197 = arith.muli %add3A_195, %mul3A_196 : i32
      %add3A_198 = arith.addi %mul3A_35, %mul3A_197 : i32
      %add3A_199 = arith.constant 0 : i32
      %add3A_200 = arith.addi %add3A_198, %add3A_199 : i32
      %dma_wait3A_201 = arith.constant 0 : i32
      %dma_wait3A_202 = arith.constant 0 : i32
      %dma_wait3A_203 = arith.constant 0 : i32
      %dma_wait3A_204 = tpu.memref_slice %arg10[%dma_wait3A_201, %dma_wait3A_202, %dma_wait3A_203] : memref<2x40x128xf32, #tpu.memory_space<vmem>> -> memref<1x40x128xf32, #tpu.memory_space<vmem>>
      %dma_wait3A_205 = tpu.memref_squeeze %dma_wait3A_204 : memref<1x40x128xf32, #tpu.memory_space<vmem>> -> memref<40x128xf32, #tpu.memory_space<vmem>>
      %dma_wait3A_206 = arith.constant 0 : i32
      %dma_wait3A_207 = tpu.memref_slice %arg5[%add3A_200, %dma_wait3A_206] : memref<320000x128xf32, #tpu.memory_space<hbm>> -> memref<40x128xf32, #tpu.memory_space<hbm>>
      %dma_wait3A_208 = arith.constant 0 : i32
      %dma_wait3A_209 = arith.constant 0 : i32
      %dma_wait3A_210 = tpu.memref_slice %arg10[%dma_wait3A_201, %dma_wait3A_208, %dma_wait3A_209] : memref<2x40x128xf32, #tpu.memory_space<vmem>> -> memref<1x40x128xf32, #tpu.memory_space<vmem>>
      %dma_wait3A_211 = tpu.memref_squeeze %dma_wait3A_210 : memref<1x40x128xf32, #tpu.memory_space<vmem>> -> memref<40x128xf32, #tpu.memory_space<vmem>>
      %dma_wait3A_212 = arith.constant 0 : i32
      %dma_wait3A_213 = tpu.memref_slice %arg5[%add3A_200, %dma_wait3A_212] : memref<320000x128xf32, #tpu.memory_space<hbm>> -> memref<40x128xf32, #tpu.memory_space<hbm>>
      tpu.wait_dma2 semaphore(%arg14 : memref<!tpu.dma_semaphore, #tpu.memory_space<semaphore_mem>>) src(%dma_wait3A_213 : memref<40x128xf32, #tpu.memory_space<hbm>>) dst(%dma_wait3A_211 : memref<40x128xf32, #tpu.memory_space<vmem>>)
      %scan3A_214 = arith.constant 0 : i32
      %scan3A_215 = arith.constant 0 : i32
      %scan3A_216 = arith.constant 40 : i32
      %scan3A_217 = arith.addi %scan3A_215, %scan3A_216 : i32
      %scan3A_218 = arith.constant 1 : i32
      %scan3A_219 = scf.for %scan3A_275 = %scan3A_215 to %scan3A_217 step %scan3A_218 iter_args(%scan3A_276 = %scan3A_214) -> (i32)  : i32 {
        %add3A_277 = arith.constant 0 : i32
        %add3A_278 = arith.addi %add3A_277, %scan3A_275 : i32
        %get3A = arith.constant 0 : i32
        %get3A_279 = arith.index_cast %get3A : i32 to index
        %get3A_280 = arith.index_cast %add3A_278 : i32 to index
        %get3A_281 = arith.constant 0 : index
        %get3A_282 = tpu.vector_load %arg9[%get3A_279, %get3A_280, %get3A_281] {strides = array<i32>} : memref<2x80x128xf32, #tpu.memory_space<vmem>>, vector<1x1x16xf32>,
        %get3A_283 = vector.shape_cast %get3A_282 : vector<1x1x16xf32> to vector<16xf32>
        %get3A_284 = arith.constant 0 : i32
        %get3A_285 = arith.index_cast %get3A_284 : i32 to index
        %get3A_286 = arith.index_cast %scan3A_275 : i32 to index
        %get3A_287 = arith.constant 0 : index
        %get3A_288 = tpu.vector_load %arg10[%get3A_285, %get3A_286, %get3A_287] {strides = array<i32>} : memref<2x40x128xf32, #tpu.memory_space<vmem>>, vector<1x1x16xf32>,
        %get3A_289 = vector.shape_cast %get3A_288 : vector<1x1x16xf32> to vector<16xf32>
        %add3A_290 = arith.addf %get3A_283, %get3A_289 : vector<16xf32>
        %max3A = arith.constant 0.000000e+00 : f32
        %max3A_291 = vector.broadcast %max3A : f32 to vector<16xf32>
        %max3A_292 = arith.maximumf %add3A_290, %max3A_291 : vector<16xf32>
        %add3A_293 = arith.constant 0 : i32
        %add3A_294 = arith.addi %add3A_293, %scan3A_275 : i32
        %swap3A = arith.constant 0 : i32
        %swap3A_295 = arith.index_cast %swap3A : i32 to index
        %swap3A_296 = arith.index_cast %add3A_294 : i32 to index
        %swap3A_297 = arith.constant 0 : index
        %swap3A_298 = tpu.vector_load %arg9[%swap3A_295, %swap3A_296, %swap3A_297] {strides = array<i32>} : memref<2x80x128xf32, #tpu.memory_space<vmem>>, vector<1x1x16xf32>,
        %swap3A_299 = vector.shape_cast %swap3A_298 : vector<1x1x16xf32> to vector<16xf32>
        %swap3A_300 = vector.shape_cast %max3A_292 : vector<16xf32> to vector<1x1x16xf32>
        tpu.vector_store %arg9[%swap3A_295, %swap3A_296, %swap3A_297], %swap3A_300 {strides = array<i32>} : memref<2x80x128xf32, #tpu.memory_space<vmem>>, vector<1x1x16xf32>,
        %add3A_301 = arith.constant 0 : i32
        %add3A_302 = arith.addi %add3A_301, %scan3A_275 : i32
        %get3A_303 = arith.constant 0 : i32
        %get3A_304 = arith.index_cast %get3A_303 : i32 to index
        %get3A_305 = arith.index_cast %add3A_302 : i32 to index
        %get3A_306 = arith.constant 16 : index
        %get3A_307 = tpu.vector_load %arg9[%get3A_304, %get3A_305, %get3A_306] {strides = array<i32>} : memref<2x80x128xf32, #tpu.memory_space<vmem>>, vector<1x1x16xf32>,
        %get3A_308 = vector.shape_cast %get3A_307 : vector<1x1x16xf32> to vector<16xf32>
        %get3A_309 = arith.constant 0 : i32
        %get3A_310 = arith.index_cast %get3A_309 : i32 to index
        %get3A_311 = arith.index_cast %scan3A_275 : i32 to index
        %get3A_312 = arith.constant 16 : index
        %get3A_313 = tpu.vector_load %arg10[%get3A_310, %get3A_311, %get3A_312] {strides = array<i32>} : memref<2x40x128xf32, #tpu.memory_space<vmem>>, vector<1x1x16xf32>,
        %get3A_314 = vector.shape_cast %get3A_313 : vector<1x1x16xf32> to vector<16xf32>
        %add3A_315 = arith.addf %get3A_308, %get3A_314 : vector<16xf32>
        %max3A_316 = arith.constant 0.000000e+00 : f32
        %max3A_317 = vector.broadcast %max3A_316 : f32 to vector<16xf32>
        %max3A_318 = arith.maximumf %add3A_315, %max3A_317 : vector<16xf32>
        %add3A_319 = arith.constant 0 : i32
        %add3A_320 = arith.addi %add3A_319, %scan3A_275 : i32
        %swap3A_321 = arith.constant 0 : i32
        %swap3A_322 = arith.index_cast %swap3A_321 : i32 to index
        %swap3A_323 = arith.index_cast %add3A_320 : i32 to index
        %swap3A_324 = arith.constant 16 : index
        %swap3A_325 = tpu.vector_load %arg9[%swap3A_322, %swap3A_323, %swap3A_324] {strides = array<i32>} : memref<2x80x128xf32, #tpu.memory_space<vmem>>, vector<1x1x16xf32>,
        %swap3A_326 = vector.shape_cast %swap3A_325 : vector<1x1x16xf32> to vector<16xf32>
        %swap3A_327 = vector.shape_cast %max3A_318 : vector<16xf32> to vector<1x1x16xf32>
        tpu.vector_store %arg9[%swap3A_322, %swap3A_323, %swap3A_324], %swap3A_327 {strides = array<i32>} : memref<2x80x128xf32, #tpu.memory_space<vmem>>, vector<1x1x16xf32>,
        %add3A_328 = arith.constant 0 : i32
        %add3A_329 = arith.addi %add3A_328, %scan3A_275 : i32
        %get3A_330 = arith.constant 0 : i32
        %get3A_331 = arith.index_cast %get3A_330 : i32 to index
        %get3A_332 = arith.index_cast %add3A_329 : i32 to index
        %get3A_333 = arith.constant 32 : index
        %get3A_334 = tpu.vector_load %arg9[%get3A_331, %get3A_332, %get3A_333] {strides = array<i32>} : memref<2x80x128xf32, #tpu.memory_space<vmem>>, vector<1x1x16xf32>,
        %get3A_335 = vector.shape_cast %get3A_334 : vector<1x1x16xf32> to vector<16xf32>
        %get3A_336 = arith.constant 0 : i32
        %get3A_337 = arith.index_cast %get3A_336 : i32 to index
        %get3A_338 = arith.index_cast %scan3A_275 : i32 to index
        %get3A_339 = arith.constant 32 : index
        %get3A_340 = tpu.vector_load %arg10[%get3A_337, %get3A_338, %get3A_339] {strides = array<i32>} : memref<2x40x128xf32, #tpu.memory_space<vmem>>, vector<1x1x16xf32>,
        %get3A_341 = vector.shape_cast %get3A_340 : vector<1x1x16xf32> to vector<16xf32>
        %add3A_342 = arith.addf %get3A_335, %get3A_341 : vector<16xf32>
        %max3A_343 = arith.constant 0.000000e+00 : f32
        %max3A_344 = vector.broadcast %max3A_343 : f32 to vector<16xf32>
        %max3A_345 = arith.maximumf %add3A_342, %max3A_344 : vector<16xf32>
        %add3A_346 = arith.constant 0 : i32
        %add3A_347 = arith.addi %add3A_346, %scan3A_275 : i32
        %swap3A_348 = arith.constant 0 : i32
        %swap3A_349 = arith.index_cast %swap3A_348 : i32 to index
        %swap3A_350 = arith.index_cast %add3A_347 : i32 to index
        %swap3A_351 = arith.constant 32 : index
        %swap3A_352 = tpu.vector_load %arg9[%swap3A_349, %swap3A_350, %swap3A_351] {strides = array<i32>} : memref<2x80x128xf32, #tpu.memory_space<vmem>>, vector<1x1x16xf32>,
        %swap3A_353 = vector.shape_cast %swap3A_352 : vector<1x1x16xf32> to vector<16xf32>
        %swap3A_354 = vector.shape_cast %max3A_345 : vector<16xf32> to vector<1x1x16xf32>
        tpu.vector_store %arg9[%swap3A_349, %swap3A_350, %swap3A_351], %swap3A_354 {strides = array<i32>} : memref<2x80x128xf32, #tpu.memory_space<vmem>>, vector<1x1x16xf32>,
        %add3A_355 = arith.constant 0 : i32
        %add3A_356 = arith.addi %add3A_355, %scan3A_275 : i32
        %get3A_357 = arith.constant 0 : i32
        %get3A_358 = arith.index_cast %get3A_357 : i32 to index
        %get3A_359 = arith.index_cast %add3A_356 : i32 to index
        %get3A_360 = arith.constant 48 : index
        %get3A_361 = tpu.vector_load %arg9[%get3A_358, %get3A_359, %get3A_360] {strides = array<i32>} : memref<2x80x128xf32, #tpu.memory_space<vmem>>, vector<1x1x16xf32>,
        %get3A_362 = vector.shape_cast %get3A_361 : vector<1x1x16xf32> to vector<16xf32>
        %get3A_363 = arith.constant 0 : i32
        %get3A_364 = arith.index_cast %get3A_363 : i32 to index
        %get3A_365 = arith.index_cast %scan3A_275 : i32 to index
        %get3A_366 = arith.constant 48 : index
        %get3A_367 = tpu.vector_load %arg10[%get3A_364, %get3A_365, %get3A_366] {strides = array<i32>} : memref<2x40x128xf32, #tpu.memory_space<vmem>>, vector<1x1x16xf32>,
        %get3A_368 = vector.shape_cast %get3A_367 : vector<1x1x16xf32> to vector<16xf32>
        %add3A_369 = arith.addf %get3A_362, %get3A_368 : vector<16xf32>
        %max3A_370 = arith.constant 0.000000e+00 : f32
        %max3A_371 = vector.broadcast %max3A_370 : f32 to vector<16xf32>
        %max3A_372 = arith.maximumf %add3A_369, %max3A_371 : vector<16xf32>
        %add3A_373 = arith.constant 0 : i32
        %add3A_374 = arith.addi %add3A_373, %scan3A_275 : i32
        %swap3A_375 = arith.constant 0 : i32
        %swap3A_376 = arith.index_cast %swap3A_375 : i32 to index
        %swap3A_377 = arith.index_cast %add3A_374 : i32 to index
        %swap3A_378 = arith.constant 48 : index
        %swap3A_379 = tpu.vector_load %arg9[%swap3A_376, %swap3A_377, %swap3A_378] {strides = array<i32>} : memref<2x80x128xf32, #tpu.memory_space<vmem>>, vector<1x1x16xf32>,
        %swap3A_380 = vector.shape_cast %swap3A_379 : vector<1x1x16xf32> to vector<16xf32>
        %swap3A_381 = vector.shape_cast %max3A_372 : vector<16xf32> to vector<1x1x16xf32>
        tpu.vector_store %arg9[%swap3A_376, %swap3A_377, %swap3A_378], %swap3A_381 {strides = array<i32>} : memref<2x80x128xf32, #tpu.memory_space<vmem>>, vector<1x1x16xf32>,
        %add3A_382 = arith.constant 0 : i32
        %add3A_383 = arith.addi %add3A_382, %scan3A_275 : i32
        %get3A_384 = arith.constant 0 : i32
        %get3A_385 = arith.index_cast %get3A_384 : i32 to index
        %get3A_386 = arith.index_cast %add3A_383 : i32 to index
        %get3A_387 = arith.constant 64 : index
        %get3A_388 = tpu.vector_load %arg9[%get3A_385, %get3A_386, %get3A_387] {strides = array<i32>} : memref<2x80x128xf32, #tpu.memory_space<vmem>>, vector<1x1x16xf32>,
        %get3A_389 = vector.shape_cast %get3A_388 : vector<1x1x16xf32> to vector<16xf32>
        %get3A_390 = arith.constant 0 : i32
        %get3A_391 = arith.index_cast %get3A_390 : i32 to index
        %get3A_392 = arith.index_cast %scan3A_275 : i32 to index
        %get3A_393 = arith.constant 64 : index
        %get3A_394 = tpu.vector_load %arg10[%get3A_391, %get3A_392, %get3A_393] {strides = array<i32>} : memref<2x40x128xf32, #tpu.memory_space<vmem>>, vector<1x1x16xf32>,
        %get3A_395 = vector.shape_cast %get3A_394 : vector<1x1x16xf32> to vector<16xf32>
        %add3A_396 = arith.addf %get3A_389, %get3A_395 : vector<16xf32>
        %max3A_397 = arith.constant 0.000000e+00 : f32
        %max3A_398 = vector.broadcast %max3A_397 : f32 to vector<16xf32>
        %max3A_399 = arith.maximumf %add3A_396, %max3A_398 : vector<16xf32>
        %add3A_400 = arith.constant 0 : i32
        %add3A_401 = arith.addi %add3A_400, %scan3A_275 : i32
        %swap3A_402 = arith.constant 0 : i32
        %swap3A_403 = arith.index_cast %swap3A_402 : i32 to index
        %swap3A_404 = arith.index_cast %add3A_401 : i32 to index
        %swap3A_405 = arith.constant 64 : index
        %swap3A_406 = tpu.vector_load %arg9[%swap3A_403, %swap3A_404, %swap3A_405] {strides = array<i32>} : memref<2x80x128xf32, #tpu.memory_space<vmem>>, vector<1x1x16xf32>,
        %swap3A_407 = vector.shape_cast %swap3A_406 : vector<1x1x16xf32> to vector<16xf32>
        %swap3A_408 = vector.shape_cast %max3A_399 : vector<16xf32> to vector<1x1x16xf32>
        tpu.vector_store %arg9[%swap3A_403, %swap3A_404, %swap3A_405], %swap3A_408 {strides = array<i32>} : memref<2x80x128xf32, #tpu.memory_space<vmem>>, vector<1x1x16xf32>,
        %add3A_409 = arith.constant 0 : i32
        %add3A_410 = arith.addi %add3A_409, %scan3A_275 : i32
        %get3A_411 = arith.constant 0 : i32
        %get3A_412 = arith.index_cast %get3A_411 : i32 to index
        %get3A_413 = arith.index_cast %add3A_410 : i32 to index
        %get3A_414 = arith.constant 80 : index
        %get3A_415 = tpu.vector_load %arg9[%get3A_412, %get3A_413, %get3A_414] {strides = array<i32>} : memref<2x80x128xf32, #tpu.memory_space<vmem>>, vector<1x1x16xf32>,
        %get3A_416 = vector.shape_cast %get3A_415 : vector<1x1x16xf32> to vector<16xf32>
        %get3A_417 = arith.constant 0 : i32
        %get3A_418 = arith.index_cast %get3A_417 : i32 to index
        %get3A_419 = arith.index_cast %scan3A_275 : i32 to index
        %get3A_420 = arith.constant 80 : index
        %get3A_421 = tpu.vector_load %arg10[%get3A_418, %get3A_419, %get3A_420] {strides = array<i32>} : memref<2x40x128xf32, #tpu.memory_space<vmem>>, vector<1x1x16xf32>,
        %get3A_422 = vector.shape_cast %get3A_421 : vector<1x1x16xf32> to vector<16xf32>
        %add3A_423 = arith.addf %get3A_416, %get3A_422 : vector<16xf32>
        %max3A_424 = arith.constant 0.000000e+00 : f32
        %max3A_425 = vector.broadcast %max3A_424 : f32 to vector<16xf32>
        %max3A_426 = arith.maximumf %add3A_423, %max3A_425 : vector<16xf32>
        %add3A_427 = arith.constant 0 : i32
        %add3A_428 = arith.addi %add3A_427, %scan3A_275 : i32
        %swap3A_429 = arith.constant 0 : i32
        %swap3A_430 = arith.index_cast %swap3A_429 : i32 to index
        %swap3A_431 = arith.index_cast %add3A_428 : i32 to index
        %swap3A_432 = arith.constant 80 : index
        %swap3A_433 = tpu.vector_load %arg9[%swap3A_430, %swap3A_431, %swap3A_432] {strides = array<i32>} : memref<2x80x128xf32, #tpu.memory_space<vmem>>, vector<1x1x16xf32>,
        %swap3A_434 = vector.shape_cast %swap3A_433 : vector<1x1x16xf32> to vector<16xf32>
        %swap3A_435 = vector.shape_cast %max3A_426 : vector<16xf32> to vector<1x1x16xf32>
        tpu.vector_store %arg9[%swap3A_430, %swap3A_431, %swap3A_432], %swap3A_435 {strides = array<i32>} : memref<2x80x128xf32, #tpu.memory_space<vmem>>, vector<1x1x16xf32>,
        %add3A_436 = arith.constant 0 : i32
        %add3A_437 = arith.addi %add3A_436, %scan3A_275 : i32
        %get3A_438 = arith.constant 0 : i32
        %get3A_439 = arith.index_cast %get3A_438 : i32 to index
        %get3A_440 = arith.index_cast %add3A_437 : i32 to index
        %get3A_441 = arith.constant 96 : index
        %get3A_442 = tpu.vector_load %arg9[%get3A_439, %get3A_440, %get3A_441] {strides = array<i32>} : memref<2x80x128xf32, #tpu.memory_space<vmem>>, vector<1x1x16xf32>,
        %get3A_443 = vector.shape_cast %get3A_442 : vector<1x1x16xf32> to vector<16xf32>
        %get3A_444 = arith.constant 0 : i32
        %get3A_445 = arith.index_cast %get3A_444 : i32 to index
        %get3A_446 = arith.index_cast %scan3A_275 : i32 to index
        %get3A_447 = arith.constant 96 : index
        %get3A_448 = tpu.vector_load %arg10[%get3A_445, %get3A_446, %get3A_447] {strides = array<i32>} : memref<2x40x128xf32, #tpu.memory_space<vmem>>, vector<1x1x16xf32>,
        %get3A_449 = vector.shape_cast %get3A_448 : vector<1x1x16xf32> to vector<16xf32>
        %add3A_450 = arith.addf %get3A_443, %get3A_449 : vector<16xf32>
        %max3A_451 = arith.constant 0.000000e+00 : f32
        %max3A_452 = vector.broadcast %max3A_451 : f32 to vector<16xf32>
        %max3A_453 = arith.maximumf %add3A_450, %max3A_452 : vector<16xf32>
        %add3A_454 = arith.constant 0 : i32
        %add3A_455 = arith.addi %add3A_454, %scan3A_275 : i32
        %swap3A_456 = arith.constant 0 : i32
        %swap3A_457 = arith.index_cast %swap3A_456 : i32 to index
        %swap3A_458 = arith.index_cast %add3A_455 : i32 to index
        %swap3A_459 = arith.constant 96 : index
        %swap3A_460 = tpu.vector_load %arg9[%swap3A_457, %swap3A_458, %swap3A_459] {strides = array<i32>} : memref<2x80x128xf32, #tpu.memory_space<vmem>>, vector<1x1x16xf32>,
        %swap3A_461 = vector.shape_cast %swap3A_460 : vector<1x1x16xf32> to vector<16xf32>
        %swap3A_462 = vector.shape_cast %max3A_453 : vector<16xf32> to vector<1x1x16xf32>
        tpu.vector_store %arg9[%swap3A_457, %swap3A_458, %swap3A_459], %swap3A_462 {strides = array<i32>} : memref<2x80x128xf32, #tpu.memory_space<vmem>>, vector<1x1x16xf32>,
        %add3A_463 = arith.constant 0 : i32
        %add3A_464 = arith.addi %add3A_463, %scan3A_275 : i32
        %get3A_465 = arith.constant 0 : i32
        %get3A_466 = arith.index_cast %get3A_465 : i32 to index
        %get3A_467 = arith.index_cast %add3A_464 : i32 to index
        %get3A_468 = arith.constant 112 : index
        %get3A_469 = tpu.vector_load %arg9[%get3A_466, %get3A_467, %get3A_468] {strides = array<i32>} : memref<2x80x128xf32, #tpu.memory_space<vmem>>, vector<1x1x16xf32>,
        %get3A_470 = vector.shape_cast %get3A_469 : vector<1x1x16xf32> to vector<16xf32>
        %get3A_471 = arith.constant 0 : i32
        %get3A_472 = arith.index_cast %get3A_471 : i32 to index
        %get3A_473 = arith.index_cast %scan3A_275 : i32 to index
        %get3A_474 = arith.constant 112 : index
        %get3A_475 = tpu.vector_load %arg10[%get3A_472, %get3A_473, %get3A_474] {strides = array<i32>} : memref<2x40x128xf32, #tpu.memory_space<vmem>>, vector<1x1x16xf32>,
        %get3A_476 = vector.shape_cast %get3A_475 : vector<1x1x16xf32> to vector<16xf32>
        %add3A_477 = arith.addf %get3A_470, %get3A_476 : vector<16xf32>
        %max3A_478 = arith.constant 0.000000e+00 : f32
        %max3A_479 = vector.broadcast %max3A_478 : f32 to vector<16xf32>
        %max3A_480 = arith.maximumf %add3A_477, %max3A_479 : vector<16xf32>
        %add3A_481 = arith.constant 0 : i32
        %add3A_482 = arith.addi %add3A_481, %scan3A_275 : i32
        %swap3A_483 = arith.constant 0 : i32
        %swap3A_484 = arith.index_cast %swap3A_483 : i32 to index
        %swap3A_485 = arith.index_cast %add3A_482 : i32 to index
        %swap3A_486 = arith.constant 112 : index
        %swap3A_487 = tpu.vector_load %arg9[%swap3A_484, %swap3A_485, %swap3A_486] {strides = array<i32>} : memref<2x80x128xf32, #tpu.memory_space<vmem>>, vector<1x1x16xf32>,
        %swap3A_488 = vector.shape_cast %swap3A_487 : vector<1x1x16xf32> to vector<16xf32>
        %swap3A_489 = vector.shape_cast %max3A_480 : vector<16xf32> to vector<1x1x16xf32>
        tpu.vector_store %arg9[%swap3A_484, %swap3A_485, %swap3A_486], %swap3A_489 {strides = array<i32>} : memref<2x80x128xf32, #tpu.memory_space<vmem>>, vector<1x1x16xf32>,
        %scan3A_490 = arith.constant 0 : i32
        scf.yield %scan3A_490 : i32
      }
      %scan3A_220 = arith.constant 40 : i32
      %mul3A_221 = arith.constant 25 : i32
      %mul3A_222 = arith.muli %scan3A_49, %mul3A_221 : i32
      %add3A_223 = arith.constant 24 : i32
      %add3A_224 = arith.addi %mul3A_222, %add3A_223 : i32
      %mul3A_225 = arith.constant 80 : i32
      %mul3A_226 = arith.muli %add3A_224, %mul3A_225 : i32
      %add3A_227 = arith.addi %mul3A_35, %mul3A_226 : i32
      %add3A_228 = arith.constant 40 : i32
      %add3A_229 = arith.addi %add3A_227, %add3A_228 : i32
      %dma_wait3A_230 = arith.constant 1 : i32
      %dma_wait3A_231 = arith.constant 0 : i32
      %dma_wait3A_232 = arith.constant 0 : i32
      %dma_wait3A_233 = tpu.memref_slice %arg10[%dma_wait3A_230, %dma_wait3A_231, %dma_wait3A_232] : memref<2x40x128xf32, #tpu.memory_space<vmem>> -> memref<1x40x128xf32, #tpu.memory_space<vmem>>
      %dma_wait3A_234 = tpu.memref_squeeze %dma_wait3A_233 : memref<1x40x128xf32, #tpu.memory_space<vmem>> -> memref<40x128xf32, #tpu.memory_space<vmem>>
      %dma_wait3A_235 = arith.constant 0 : i32
      %dma_wait3A_236 = tpu.memref_slice %arg5[%add3A_229, %dma_wait3A_235] : memref<320000x128xf32, #tpu.memory_space<hbm>> -> memref<40x128xf32, #tpu.memory_space<hbm>>
      %dma_wait3A_237 = arith.constant 0 : i32
      %dma_wait3A_238 = arith.constant 0 : i32
      %dma_wait3A_239 = tpu.memref_slice %arg10[%dma_wait3A_230, %dma_wait3A_237, %dma_wait3A_238] : memref<2x40x128xf32, #tpu.memory_space<vmem>> -> memref<1x40x128xf32, #tpu.memory_space<vmem>>
      %dma_wait3A_240 = tpu.memref_squeeze %dma_wait3A_239 : memref<1x40x128xf32, #tpu.memory_space<vmem>> -> memref<40x128xf32, #tpu.memory_space<vmem>>
      %dma_wait3A_241 = arith.constant 0 : i32
      %dma_wait3A_242 = tpu.memref_slice %arg5[%add3A_229, %dma_wait3A_241] : memref<320000x128xf32, #tpu.memory_space<hbm>> -> memref<40x128xf32, #tpu.memory_space<hbm>>
      tpu.wait_dma2 semaphore(%arg15 : memref<!tpu.dma_semaphore, #tpu.memory_space<semaphore_mem>>) src(%dma_wait3A_242 : memref<40x128xf32, #tpu.memory_space<hbm>>) dst(%dma_wait3A_240 : memref<40x128xf32, #tpu.memory_space<vmem>>)
      %scan3A_243 = arith.constant 0 : i32
      %scan3A_244 = arith.constant 0 : i32
      %scan3A_245 = arith.constant 40 : i32
      %scan3A_246 = arith.addi %scan3A_244, %scan3A_245 : i32
      %scan3A_247 = arith.constant 1 : i32
      %scan3A_248 = scf.for %scan3A_275 = %scan3A_244 to %scan3A_246 step %scan3A_247 iter_args(%scan3A_276 = %scan3A_243) -> (i32)  : i32 {
        %add3A_277 = arith.constant 40 : i32
        %add3A_278 = arith.addi %add3A_277, %scan3A_275 : i32
        %get3A = arith.constant 0 : i32
        %get3A_279 = arith.index_cast %get3A : i32 to index
        %get3A_280 = arith.index_cast %add3A_278 : i32 to index
        %get3A_281 = arith.constant 0 : index
        %get3A_282 = tpu.vector_load %arg9[%get3A_279, %get3A_280, %get3A_281] {strides = array<i32>} : memref<2x80x128xf32, #tpu.memory_space<vmem>>, vector<1x1x16xf32>,
        %get3A_283 = vector.shape_cast %get3A_282 : vector<1x1x16xf32> to vector<16xf32>
        %get3A_284 = arith.constant 1 : i32
        %get3A_285 = arith.index_cast %get3A_284 : i32 to index
        %get3A_286 = arith.index_cast %scan3A_275 : i32 to index
        %get3A_287 = arith.constant 0 : index
        %get3A_288 = tpu.vector_load %arg10[%get3A_285, %get3A_286, %get3A_287] {strides = array<i32>} : memref<2x40x128xf32, #tpu.memory_space<vmem>>, vector<1x1x16xf32>,
        %get3A_289 = vector.shape_cast %get3A_288 : vector<1x1x16xf32> to vector<16xf32>
        %add3A_290 = arith.addf %get3A_283, %get3A_289 : vector<16xf32>
        %max3A = arith.constant 0.000000e+00 : f32
        %max3A_291 = vector.broadcast %max3A : f32 to vector<16xf32>
        %max3A_292 = arith.maximumf %add3A_290, %max3A_291 : vector<16xf32>
        %add3A_293 = arith.constant 40 : i32
        %add3A_294 = arith.addi %add3A_293, %scan3A_275 : i32
        %swap3A = arith.constant 0 : i32
        %swap3A_295 = arith.index_cast %swap3A : i32 to index
        %swap3A_296 = arith.index_cast %add3A_294 : i32 to index
        %swap3A_297 = arith.constant 0 : index
        %swap3A_298 = tpu.vector_load %arg9[%swap3A_295, %swap3A_296, %swap3A_297] {strides = array<i32>} : memref<2x80x128xf32, #tpu.memory_space<vmem>>, vector<1x1x16xf32>,
        %swap3A_299 = vector.shape_cast %swap3A_298 : vector<1x1x16xf32> to vector<16xf32>
        %swap3A_300 = vector.shape_cast %max3A_292 : vector<16xf32> to vector<1x1x16xf32>
        tpu.vector_store %arg9[%swap3A_295, %swap3A_296, %swap3A_297], %swap3A_300 {strides = array<i32>} : memref<2x80x128xf32, #tpu.memory_space<vmem>>, vector<1x1x16xf32>,
        %add3A_301 = arith.constant 40 : i32
        %add3A_302 = arith.addi %add3A_301, %scan3A_275 : i32
        %get3A_303 = arith.constant 0 : i32
        %get3A_304 = arith.index_cast %get3A_303 : i32 to index
        %get3A_305 = arith.index_cast %add3A_302 : i32 to index
        %get3A_306 = arith.constant 16 : index
        %get3A_307 = tpu.vector_load %arg9[%get3A_304, %get3A_305, %get3A_306] {strides = array<i32>} : memref<2x80x128xf32, #tpu.memory_space<vmem>>, vector<1x1x16xf32>,
        %get3A_308 = vector.shape_cast %get3A_307 : vector<1x1x16xf32> to vector<16xf32>
        %get3A_309 = arith.constant 1 : i32
        %get3A_310 = arith.index_cast %get3A_309 : i32 to index
        %get3A_311 = arith.index_cast %scan3A_275 : i32 to index
        %get3A_312 = arith.constant 16 : index
        %get3A_313 = tpu.vector_load %arg10[%get3A_310, %get3A_311, %get3A_312] {strides = array<i32>} : memref<2x40x128xf32, #tpu.memory_space<vmem>>, vector<1x1x16xf32>,
        %get3A_314 = vector.shape_cast %get3A_313 : vector<1x1x16xf32> to vector<16xf32>
        %add3A_315 = arith.addf %get3A_308, %get3A_314 : vector<16xf32>
        %max3A_316 = arith.constant 0.000000e+00 : f32
        %max3A_317 = vector.broadcast %max3A_316 : f32 to vector<16xf32>
        %max3A_318 = arith.maximumf %add3A_315, %max3A_317 : vector<16xf32>
        %add3A_319 = arith.constant 40 : i32
        %add3A_320 = arith.addi %add3A_319, %scan3A_275 : i32
        %swap3A_321 = arith.constant 0 : i32
        %swap3A_322 = arith.index_cast %swap3A_321 : i32 to index
        %swap3A_323 = arith.index_cast %add3A_320 : i32 to index
        %swap3A_324 = arith.constant 16 : index
        %swap3A_325 = tpu.vector_load %arg9[%swap3A_322, %swap3A_323, %swap3A_324] {strides = array<i32>} : memref<2x80x128xf32, #tpu.memory_space<vmem>>, vector<1x1x16xf32>,
        %swap3A_326 = vector.shape_cast %swap3A_325 : vector<1x1x16xf32> to vector<16xf32>
        %swap3A_327 = vector.shape_cast %max3A_318 : vector<16xf32> to vector<1x1x16xf32>
        tpu.vector_store %arg9[%swap3A_322, %swap3A_323, %swap3A_324], %swap3A_327 {strides = array<i32>} : memref<2x80x128xf32, #tpu.memory_space<vmem>>, vector<1x1x16xf32>,
        %add3A_328 = arith.constant 40 : i32
        %add3A_329 = arith.addi %add3A_328, %scan3A_275 : i32
        %get3A_330 = arith.constant 0 : i32
        %get3A_331 = arith.index_cast %get3A_330 : i32 to index
        %get3A_332 = arith.index_cast %add3A_329 : i32 to index
        %get3A_333 = arith.constant 32 : index
        %get3A_334 = tpu.vector_load %arg9[%get3A_331, %get3A_332, %get3A_333] {strides = array<i32>} : memref<2x80x128xf32, #tpu.memory_space<vmem>>, vector<1x1x16xf32>,
        %get3A_335 = vector.shape_cast %get3A_334 : vector<1x1x16xf32> to vector<16xf32>
        %get3A_336 = arith.constant 1 : i32
        %get3A_337 = arith.index_cast %get3A_336 : i32 to index
        %get3A_338 = arith.index_cast %scan3A_275 : i32 to index
        %get3A_339 = arith.constant 32 : index
        %get3A_340 = tpu.vector_load %arg10[%get3A_337, %get3A_338, %get3A_339] {strides = array<i32>} : memref<2x40x128xf32, #tpu.memory_space<vmem>>, vector<1x1x16xf32>,
        %get3A_341 = vector.shape_cast %get3A_340 : vector<1x1x16xf32> to vector<16xf32>
        %add3A_342 = arith.addf %get3A_335, %get3A_341 : vector<16xf32>
        %max3A_343 = arith.constant 0.000000e+00 : f32
        %max3A_344 = vector.broadcast %max3A_343 : f32 to vector<16xf32>
        %max3A_345 = arith.maximumf %add3A_342, %max3A_344 : vector<16xf32>
        %add3A_346 = arith.constant 40 : i32
        %add3A_347 = arith.addi %add3A_346, %scan3A_275 : i32
        %swap3A_348 = arith.constant 0 : i32
        %swap3A_349 = arith.index_cast %swap3A_348 : i32 to index
        %swap3A_350 = arith.index_cast %add3A_347 : i32 to index
        %swap3A_351 = arith.constant 32 : index
        %swap3A_352 = tpu.vector_load %arg9[%swap3A_349, %swap3A_350, %swap3A_351] {strides = array<i32>} : memref<2x80x128xf32, #tpu.memory_space<vmem>>, vector<1x1x16xf32>,
        %swap3A_353 = vector.shape_cast %swap3A_352 : vector<1x1x16xf32> to vector<16xf32>
        %swap3A_354 = vector.shape_cast %max3A_345 : vector<16xf32> to vector<1x1x16xf32>
        tpu.vector_store %arg9[%swap3A_349, %swap3A_350, %swap3A_351], %swap3A_354 {strides = array<i32>} : memref<2x80x128xf32, #tpu.memory_space<vmem>>, vector<1x1x16xf32>,
        %add3A_355 = arith.constant 40 : i32
        %add3A_356 = arith.addi %add3A_355, %scan3A_275 : i32
        %get3A_357 = arith.constant 0 : i32
        %get3A_358 = arith.index_cast %get3A_357 : i32 to index
        %get3A_359 = arith.index_cast %add3A_356 : i32 to index
        %get3A_360 = arith.constant 48 : index
        %get3A_361 = tpu.vector_load %arg9[%get3A_358, %get3A_359, %get3A_360] {strides = array<i32>} : memref<2x80x128xf32, #tpu.memory_space<vmem>>, vector<1x1x16xf32>,
        %get3A_362 = vector.shape_cast %get3A_361 : vector<1x1x16xf32> to vector<16xf32>
        %get3A_363 = arith.constant 1 : i32
        %get3A_364 = arith.index_cast %get3A_363 : i32 to index
        %get3A_365 = arith.index_cast %scan3A_275 : i32 to index
        %get3A_366 = arith.constant 48 : index
        %get3A_367 = tpu.vector_load %arg10[%get3A_364, %get3A_365, %get3A_366] {strides = array<i32>} : memref<2x40x128xf32, #tpu.memory_space<vmem>>, vector<1x1x16xf32>,
        %get3A_368 = vector.shape_cast %get3A_367 : vector<1x1x16xf32> to vector<16xf32>
        %add3A_369 = arith.addf %get3A_362, %get3A_368 : vector<16xf32>
        %max3A_370 = arith.constant 0.000000e+00 : f32
        %max3A_371 = vector.broadcast %max3A_370 : f32 to vector<16xf32>
        %max3A_372 = arith.maximumf %add3A_369, %max3A_371 : vector<16xf32>
        %add3A_373 = arith.constant 40 : i32
        %add3A_374 = arith.addi %add3A_373, %scan3A_275 : i32
        %swap3A_375 = arith.constant 0 : i32
        %swap3A_376 = arith.index_cast %swap3A_375 : i32 to index
        %swap3A_377 = arith.index_cast %add3A_374 : i32 to index
        %swap3A_378 = arith.constant 48 : index
        %swap3A_379 = tpu.vector_load %arg9[%swap3A_376, %swap3A_377, %swap3A_378] {strides = array<i32>} : memref<2x80x128xf32, #tpu.memory_space<vmem>>, vector<1x1x16xf32>,
        %swap3A_380 = vector.shape_cast %swap3A_379 : vector<1x1x16xf32> to vector<16xf32>
        %swap3A_381 = vector.shape_cast %max3A_372 : vector<16xf32> to vector<1x1x16xf32>
        tpu.vector_store %arg9[%swap3A_376, %swap3A_377, %swap3A_378], %swap3A_381 {strides = array<i32>} : memref<2x80x128xf32, #tpu.memory_space<vmem>>, vector<1x1x16xf32>,
        %add3A_382 = arith.constant 40 : i32
        %add3A_383 = arith.addi %add3A_382, %scan3A_275 : i32
        %get3A_384 = arith.constant 0 : i32
        %get3A_385 = arith.index_cast %get3A_384 : i32 to index
        %get3A_386 = arith.index_cast %add3A_383 : i32 to index
        %get3A_387 = arith.constant 64 : index
        %get3A_388 = tpu.vector_load %arg9[%get3A_385, %get3A_386, %get3A_387] {strides = array<i32>} : memref<2x80x128xf32, #tpu.memory_space<vmem>>, vector<1x1x16xf32>,
        %get3A_389 = vector.shape_cast %get3A_388 : vector<1x1x16xf32> to vector<16xf32>
        %get3A_390 = arith.constant 1 : i32
        %get3A_391 = arith.index_cast %get3A_390 : i32 to index
        %get3A_392 = arith.index_cast %scan3A_275 : i32 to index
        %get3A_393 = arith.constant 64 : index
        %get3A_394 = tpu.vector_load %arg10[%get3A_391, %get3A_392, %get3A_393] {strides = array<i32>} : memref<2x40x128xf32, #tpu.memory_space<vmem>>, vector<1x1x16xf32>,
        %get3A_395 = vector.shape_cast %get3A_394 : vector<1x1x16xf32> to vector<16xf32>
        %add3A_396 = arith.addf %get3A_389, %get3A_395 : vector<16xf32>
        %max3A_397 = arith.constant 0.000000e+00 : f32
        %max3A_398 = vector.broadcast %max3A_397 : f32 to vector<16xf32>
        %max3A_399 = arith.maximumf %add3A_396, %max3A_398 : vector<16xf32>
        %add3A_400 = arith.constant 40 : i32
        %add3A_401 = arith.addi %add3A_400, %scan3A_275 : i32
        %swap3A_402 = arith.constant 0 : i32
        %swap3A_403 = arith.index_cast %swap3A_402 : i32 to index
        %swap3A_404 = arith.index_cast %add3A_401 : i32 to index
        %swap3A_405 = arith.constant 64 : index
        %swap3A_406 = tpu.vector_load %arg9[%swap3A_403, %swap3A_404, %swap3A_405] {strides = array<i32>} : memref<2x80x128xf32, #tpu.memory_space<vmem>>, vector<1x1x16xf32>,
        %swap3A_407 = vector.shape_cast %swap3A_406 : vector<1x1x16xf32> to vector<16xf32>
        %swap3A_408 = vector.shape_cast %max3A_399 : vector<16xf32> to vector<1x1x16xf32>
        tpu.vector_store %arg9[%swap3A_403, %swap3A_404, %swap3A_405], %swap3A_408 {strides = array<i32>} : memref<2x80x128xf32, #tpu.memory_space<vmem>>, vector<1x1x16xf32>,
        %add3A_409 = arith.constant 40 : i32
        %add3A_410 = arith.addi %add3A_409, %scan3A_275 : i32
        %get3A_411 = arith.constant 0 : i32
        %get3A_412 = arith.index_cast %get3A_411 : i32 to index
        %get3A_413 = arith.index_cast %add3A_410 : i32 to index
        %get3A_414 = arith.constant 80 : index
        %get3A_415 = tpu.vector_load %arg9[%get3A_412, %get3A_413, %get3A_414] {strides = array<i32>} : memref<2x80x128xf32, #tpu.memory_space<vmem>>, vector<1x1x16xf32>,
        %get3A_416 = vector.shape_cast %get3A_415 : vector<1x1x16xf32> to vector<16xf32>
        %get3A_417 = arith.constant 1 : i32
        %get3A_418 = arith.index_cast %get3A_417 : i32 to index
        %get3A_419 = arith.index_cast %scan3A_275 : i32 to index
        %get3A_420 = arith.constant 80 : index
        %get3A_421 = tpu.vector_load %arg10[%get3A_418, %get3A_419, %get3A_420] {strides = array<i32>} : memref<2x40x128xf32, #tpu.memory_space<vmem>>, vector<1x1x16xf32>,
        %get3A_422 = vector.shape_cast %get3A_421 : vector<1x1x16xf32> to vector<16xf32>
        %add3A_423 = arith.addf %get3A_416, %get3A_422 : vector<16xf32>
        %max3A_424 = arith.constant 0.000000e+00 : f32
        %max3A_425 = vector.broadcast %max3A_424 : f32 to vector<16xf32>
        %max3A_426 = arith.maximumf %add3A_423, %max3A_425 : vector<16xf32>
        %add3A_427 = arith.constant 40 : i32
        %add3A_428 = arith.addi %add3A_427, %scan3A_275 : i32
        %swap3A_429 = arith.constant 0 : i32
        %swap3A_430 = arith.index_cast %swap3A_429 : i32 to index
        %swap3A_431 = arith.index_cast %add3A_428 : i32 to index
        %swap3A_432 = arith.constant 80 : index
        %swap3A_433 = tpu.vector_load %arg9[%swap3A_430, %swap3A_431, %swap3A_432] {strides = array<i32>} : memref<2x80x128xf32, #tpu.memory_space<vmem>>, vector<1x1x16xf32>,
        %swap3A_434 = vector.shape_cast %swap3A_433 : vector<1x1x16xf32> to vector<16xf32>
        %swap3A_435 = vector.shape_cast %max3A_426 : vector<16xf32> to vector<1x1x16xf32>
        tpu.vector_store %arg9[%swap3A_430, %swap3A_431, %swap3A_432], %swap3A_435 {strides = array<i32>} : memref<2x80x128xf32, #tpu.memory_space<vmem>>, vector<1x1x16xf32>,
        %add3A_436 = arith.constant 40 : i32
        %add3A_437 = arith.addi %add3A_436, %scan3A_275 : i32
        %get3A_438 = arith.constant 0 : i32
        %get3A_439 = arith.index_cast %get3A_438 : i32 to index
        %get3A_440 = arith.index_cast %add3A_437 : i32 to index
        %get3A_441 = arith.constant 96 : index
        %get3A_442 = tpu.vector_load %arg9[%get3A_439, %get3A_440, %get3A_441] {strides = array<i32>} : memref<2x80x128xf32, #tpu.memory_space<vmem>>, vector<1x1x16xf32>,
        %get3A_443 = vector.shape_cast %get3A_442 : vector<1x1x16xf32> to vector<16xf32>
        %get3A_444 = arith.constant 1 : i32
        %get3A_445 = arith.index_cast %get3A_444 : i32 to index
        %get3A_446 = arith.index_cast %scan3A_275 : i32 to index
        %get3A_447 = arith.constant 96 : index
        %get3A_448 = tpu.vector_load %arg10[%get3A_445, %get3A_446, %get3A_447] {strides = array<i32>} : memref<2x40x128xf32, #tpu.memory_space<vmem>>, vector<1x1x16xf32>,
        %get3A_449 = vector.shape_cast %get3A_448 : vector<1x1x16xf32> to vector<16xf32>
        %add3A_450 = arith.addf %get3A_443, %get3A_449 : vector<16xf32>
        %max3A_451 = arith.constant 0.000000e+00 : f32
        %max3A_452 = vector.broadcast %max3A_451 : f32 to vector<16xf32>
        %max3A_453 = arith.maximumf %add3A_450, %max3A_452 : vector<16xf32>
        %add3A_454 = arith.constant 40 : i32
        %add3A_455 = arith.addi %add3A_454, %scan3A_275 : i32
        %swap3A_456 = arith.constant 0 : i32
        %swap3A_457 = arith.index_cast %swap3A_456 : i32 to index
        %swap3A_458 = arith.index_cast %add3A_455 : i32 to index
        %swap3A_459 = arith.constant 96 : index
        %swap3A_460 = tpu.vector_load %arg9[%swap3A_457, %swap3A_458, %swap3A_459] {strides = array<i32>} : memref<2x80x128xf32, #tpu.memory_space<vmem>>, vector<1x1x16xf32>,
        %swap3A_461 = vector.shape_cast %swap3A_460 : vector<1x1x16xf32> to vector<16xf32>
        %swap3A_462 = vector.shape_cast %max3A_453 : vector<16xf32> to vector<1x1x16xf32>
        tpu.vector_store %arg9[%swap3A_457, %swap3A_458, %swap3A_459], %swap3A_462 {strides = array<i32>} : memref<2x80x128xf32, #tpu.memory_space<vmem>>, vector<1x1x16xf32>,
        %add3A_463 = arith.constant 40 : i32
        %add3A_464 = arith.addi %add3A_463, %scan3A_275 : i32
        %get3A_465 = arith.constant 0 : i32
        %get3A_466 = arith.index_cast %get3A_465 : i32 to index
        %get3A_467 = arith.index_cast %add3A_464 : i32 to index
        %get3A_468 = arith.constant 112 : index
        %get3A_469 = tpu.vector_load %arg9[%get3A_466, %get3A_467, %get3A_468] {strides = array<i32>} : memref<2x80x128xf32, #tpu.memory_space<vmem>>, vector<1x1x16xf32>,
        %get3A_470 = vector.shape_cast %get3A_469 : vector<1x1x16xf32> to vector<16xf32>
        %get3A_471 = arith.constant 1 : i32
        %get3A_472 = arith.index_cast %get3A_471 : i32 to index
        %get3A_473 = arith.index_cast %scan3A_275 : i32 to index
        %get3A_474 = arith.constant 112 : index
        %get3A_475 = tpu.vector_load %arg10[%get3A_472, %get3A_473, %get3A_474] {strides = array<i32>} : memref<2x40x128xf32, #tpu.memory_space<vmem>>, vector<1x1x16xf32>,
        %get3A_476 = vector.shape_cast %get3A_475 : vector<1x1x16xf32> to vector<16xf32>
        %add3A_477 = arith.addf %get3A_470, %get3A_476 : vector<16xf32>
        %max3A_478 = arith.constant 0.000000e+00 : f32
        %max3A_479 = vector.broadcast %max3A_478 : f32 to vector<16xf32>
        %max3A_480 = arith.maximumf %add3A_477, %max3A_479 : vector<16xf32>
        %add3A_481 = arith.constant 40 : i32
        %add3A_482 = arith.addi %add3A_481, %scan3A_275 : i32
        %swap3A_483 = arith.constant 0 : i32
        %swap3A_484 = arith.index_cast %swap3A_483 : i32 to index
        %swap3A_485 = arith.index_cast %add3A_482 : i32 to index
        %swap3A_486 = arith.constant 112 : index
        %swap3A_487 = tpu.vector_load %arg9[%swap3A_484, %swap3A_485, %swap3A_486] {strides = array<i32>} : memref<2x80x128xf32, #tpu.memory_space<vmem>>, vector<1x1x16xf32>,
        %swap3A_488 = vector.shape_cast %swap3A_487 : vector<1x1x16xf32> to vector<16xf32>
        %swap3A_489 = vector.shape_cast %max3A_480 : vector<16xf32> to vector<1x1x16xf32>
        tpu.vector_store %arg9[%swap3A_484, %swap3A_485, %swap3A_486], %swap3A_489 {strides = array<i32>} : memref<2x80x128xf32, #tpu.memory_space<vmem>>, vector<1x1x16xf32>,
        %scan3A_490 = arith.constant 0 : i32
        scf.yield %scan3A_490 : i32
      }
      %scan3A_249 = arith.constant 40 : i32
      %dma_start3A_250 = arith.constant 0 : i32
      %dma_start3A_251 = arith.constant 24 : i32
      %dma_start3A_252 = arith.constant 0 : i32
      %dma_start3A_253 = arith.constant 0 : i32
      %dma_start3A_254 = tpu.memref_slice %arg9[%dma_start3A_250, %dma_start3A_252, %dma_start3A_253] : memref<2x80x128xf32, #tpu.memory_space<vmem>> -> memref<1x80x128xf32, #tpu.memory_space<vmem>>
      %dma_start3A_255 = tpu.memref_squeeze %dma_start3A_254 : memref<1x80x128xf32, #tpu.memory_space<vmem>> -> memref<80x128xf32, #tpu.memory_space<vmem>>
      %dma_start3A_256 = arith.constant 0 : i32
      %dma_start3A_257 = tpu.memref_slice %arg8[%dma_start3A_251, %dma_start3A_256] : memref<25x80xi32, #tpu.memory_space<vmem>> -> memref<1x80xi32, #tpu.memory_space<vmem>>
      %dma_start3A_258 = tpu.memref_squeeze %dma_start3A_257 : memref<1x80xi32, #tpu.memory_space<vmem>> -> memref<80xi32, #tpu.memory_space<vmem>>
      %dma_start3A_259 = arith.constant 0 : i32
      %dma_start3A_260 = arith.constant 0 : i32
      %dma_start3A_261 = tpu.memref_slice %arg11[%dma_start3A_259, %dma_start3A_260] : memref<10000x128xf32, #tpu.memory_space<vmem_shared>> -> memref<10000x128xf32, #tpu.memory_space<vmem_shared>>
      tpu.enqueue_indirect_dma source(%dma_start3A_255 : memref<80x128xf32, #tpu.memory_space<vmem>>) target(%dma_start3A_261 : memref<10000x128xf32, #tpu.memory_space<vmem_shared>>) offsets(%dma_start3A_258 : memref<80xi32, #tpu.memory_space<vmem>>) semaphore(%arg16 : memref<!tpu.dma_semaphore, #tpu.memory_space<semaphore_mem>>) {add = true}
      %dma_wait3A_262 = arith.constant 0 : i32
      %dma_wait3A_263 = arith.constant 24 : i32
      %dma_wait3A_264 = arith.constant 0 : i32
      %dma_wait3A_265 = arith.constant 0 : i32
      %dma_wait3A_266 = tpu.memref_slice %arg9[%dma_wait3A_262, %dma_wait3A_264, %dma_wait3A_265] : memref<2x80x128xf32, #tpu.memory_space<vmem>> -> memref<1x80x128xf32, #tpu.memory_space<vmem>>
      %dma_wait3A_267 = tpu.memref_squeeze %dma_wait3A_266 : memref<1x80x128xf32, #tpu.memory_space<vmem>> -> memref<80x128xf32, #tpu.memory_space<vmem>>
      %dma_wait3A_268 = arith.constant 0 : i32
      %dma_wait3A_269 = tpu.memref_slice %arg8[%dma_wait3A_263, %dma_wait3A_268] : memref<25x80xi32, #tpu.memory_space<vmem>> -> memref<1x80xi32, #tpu.memory_space<vmem>>
      %dma_wait3A_270 = tpu.memref_squeeze %dma_wait3A_269 : memref<1x80xi32, #tpu.memory_space<vmem>> -> memref<80xi32, #tpu.memory_space<vmem>>
      %dma_wait3A_271 = arith.constant 0 : i32
      %dma_wait3A_272 = arith.constant 0 : i32
      %dma_wait3A_273 = tpu.memref_slice %arg11[%dma_wait3A_271, %dma_wait3A_272] : memref<10000x128xf32, #tpu.memory_space<vmem_shared>> -> memref<10000x128xf32, #tpu.memory_space<vmem_shared>>
      tpu.wait_indirect_dma semaphore(%arg16 : memref<!tpu.dma_semaphore, #tpu.memory_space<semaphore_mem>>) src(%dma_wait3A_267 : memref<80x128xf32, #tpu.memory_space<vmem>>) dst(%dma_wait3A_273 : memref<10000x128xf32, #tpu.memory_space<vmem_shared>>)
      %scan3A_274 = arith.constant 0 : i32
      scf.yield %scan3A_274 : i32
    }
    %scan3A_42 = arith.constant 5 : i32
    %barrier3A_43 = arith.constant 0 : index
    tpu.barrier barrier_id(%barrier3A_43)
    "tpu.region"() ({
      %run_scoped3A_49 = tpu.sem_alloc : memref<!tpu.dma_semaphore, #tpu.memory_space<semaphore_mem>>
      %dma_start3A = arith.constant 0 : i32
      %dma_start3A_50 = tpu.memref_slice %arg6[%arg0, %mul3A_8, %dma_start3A] : memref<2x10000x128xf32, #tpu.memory_space<hbm>> -> memref<1x624x128xf32, #tpu.memory_space<hbm>>
      %dma_start3A_51 = tpu.memref_squeeze %dma_start3A_50 : memref<1x624x128xf32, #tpu.memory_space<hbm>> -> memref<624x128xf32, #tpu.memory_space<hbm>>
      %dma_start3A_52 = arith.constant 0 : i32
      %dma_start3A_53 = tpu.memref_slice %arg11[%mul3A_8, %dma_start3A_52] : memref<10000x128xf32, #tpu.memory_space<vmem_shared>> -> memref<624x128xf32, #tpu.memory_space<vmem_shared>>
      tpu.enqueue_dma source(%dma_start3A_53 : memref<624x128xf32, #tpu.memory_space<vmem_shared>>) target(%dma_start3A_51 : memref<624x128xf32, #tpu.memory_space<hbm>>) target_semaphore(%run_scoped3A_49 : memref<!tpu.dma_semaphore, #tpu.memory_space<semaphore_mem>>)
      %dma_wait3A = arith.constant 0 : i32
      %dma_wait3A_54 = tpu.memref_slice %arg6[%arg0, %mul3A_8, %dma_wait3A] : memref<2x10000x128xf32, #tpu.memory_space<hbm>> -> memref<1x624x128xf32, #tpu.memory_space<hbm>>
      %dma_wait3A_55 = tpu.memref_squeeze %dma_wait3A_54 : memref<1x624x128xf32, #tpu.memory_space<hbm>> -> memref<624x128xf32, #tpu.memory_space<hbm>>
      %dma_wait3A_56 = arith.constant 0 : i32
      %dma_wait3A_57 = tpu.memref_slice %arg11[%mul3A_8, %dma_wait3A_56] : memref<10000x128xf32, #tpu.memory_space<vmem_shared>> -> memref<624x128xf32, #tpu.memory_space<vmem_shared>>
      tpu.wait_dma2 semaphore(%run_scoped3A_49 : memref<!tpu.dma_semaphore, #tpu.memory_space<semaphore_mem>>) src(%dma_wait3A_57 : memref<624x128xf32, #tpu.memory_space<vmem_shared>>) dst(%dma_wait3A_55 : memref<624x128xf32, #tpu.memory_space<hbm>>)
      tpu.yield
    }) : () -> ()
    %eq3A_44 = arith.constant 15 : i32
    %eq3A_45 = arith.cmpi eq, %arg1, %eq3A_44 : i32
    %convert_element_type3A_46 = arith.extui %eq3A_45 : i1 to i32
    %cond3A_47 = arith.constant 0 : i32
    %cond3A_48 = arith.cmpi ne, %convert_element_type3A_46, %cond3A_47 : i32
    scf.if %cond3A_48 {
      "tpu.region"() ({
        %run_scoped3A_49 = tpu.sem_alloc : memref<!tpu.dma_semaphore, #tpu.memory_space<semaphore_mem>>
        %dma_start3A = arith.constant 9984 : i32
        %dma_start3A_50 = arith.constant 0 : i32
        %dma_start3A_51 = tpu.memref_slice %arg6[%arg0, %dma_start3A, %dma_start3A_50] : memref<2x10000x128xf32, #tpu.memory_space<hbm>> -> memref<1x16x128xf32, #tpu.memory_space<hbm>>
        %dma_start3A_52 = tpu.memref_squeeze %dma_start3A_51 : memref<1x16x128xf32, #tpu.memory_space<hbm>> -> memref<16x128xf32, #tpu.memory_space<hbm>>
        %dma_start3A_53 = arith.constant 9984 : i32
        %dma_start3A_54 = arith.constant 0 : i32
        %dma_start3A_55 = tpu.memref_slice %arg11[%dma_start3A_53, %dma_start3A_54] : memref<10000x128xf32, #tpu.memory_space<vmem_shared>> -> memref<16x128xf32, #tpu.memory_space<vmem_shared>>
        tpu.enqueue_dma source(%dma_start3A_55 : memref<16x128xf32, #tpu.memory_space<vmem_shared>>) target(%dma_start3A_52 : memref<16x128xf32, #tpu.memory_space<hbm>>) target_semaphore(%run_scoped3A_49 : memref<!tpu.dma_semaphore, #tpu.memory_space<semaphore_mem>>)
        %dma_wait3A = arith.constant 9984 : i32
        %dma_wait3A_56 = arith.constant 0 : i32
        %dma_wait3A_57 = tpu.memref_slice %arg6[%arg0, %dma_wait3A, %dma_wait3A_56] : memref<2x10000x128xf32, #tpu.memory_space<hbm>> -> memref<1x16x128xf32, #tpu.memory_space<hbm>>
        %dma_wait3A_58 = tpu.memref_squeeze %dma_wait3A_57 : memref<1x16x128xf32, #tpu.memory_space<hbm>> -> memref<16x128xf32, #tpu.memory_space<hbm>>
        %dma_wait3A_59 = arith.constant 9984 : i32
        %dma_wait3A_60 = arith.constant 0 : i32
        %dma_wait3A_61 = tpu.memref_slice %arg11[%dma_wait3A_59, %dma_wait3A_60] : memref<10000x128xf32, #tpu.memory_space<vmem_shared>> -> memref<16x128xf32, #tpu.memory_space<vmem_shared>>
        tpu.wait_dma2 semaphore(%run_scoped3A_49 : memref<!tpu.dma_semaphore, #tpu.memory_space<semaphore_mem>>) src(%dma_wait3A_61 : memref<16x128xf32, #tpu.memory_space<vmem_shared>>) dst(%dma_wait3A_58 : memref<16x128xf32, #tpu.memory_space<hbm>>)
        tpu.yield
      }) : () -> ()
    } else {
    }
    return
  }
}

module attributes {stable_mosaic.version = 14 : i64} {
  func.func @_combine_body(%arg0: i32, %arg1: memref<1xf32, #tpu.memory_space<smem>>, %arg2: memref<1000x128xf32, #tpu.memory_space<vmem>>, %arg3: memref<1x1000x128xf32, #tpu.memory_space<vmem>>, %arg4: memref<1x1000x128xf32, #tpu.memory_space<vmem>>, %arg5: memref<1000x128xf32, #tpu.memory_space<vmem>>) attributes {dimension_semantics = [#tpu.dimension_semantics<arbitrary>], iteration_bounds = array<i64: 10>, scalar_prefetch = 0 : i64, scratch_operands = 0 : i64, tpu.core_type = #tpu.core_type<tc>, window_params = [{transform_indices = @transform_0, window_bounds = array<i64: 1>}, {transform_indices = @transform_1, window_bounds = array<i64: 1000, 128>}, {transform_indices = @transform_2, window_bounds = array<i64: 1, 1000, 128>}, {transform_indices = @transform_3, window_bounds = array<i64: 1, 1000, 128>}, {transform_indices = @transform_4, window_bounds = array<i64: 1000, 128>}]} {
    %get3A = arith.constant 0 : index
    %get3A_0 = memref.load %arg1[%get3A] : memref<1xf32, #tpu.memory_space<smem>>
    %get3A_1 = arith.constant 0 : index
    %get3A_2 = arith.constant 0 : index
    %get3A_3 = vector.load %arg2[%get3A_1, %get3A_2] : memref<1000x128xf32, #tpu.memory_space<vmem>>, vector<1000x128xf32>
    %mul3A = vector.broadcast %get3A_0 : f32 to vector<1000x128xf32>
    %mul3A_4 = arith.mulf %mul3A, %get3A_3 : vector<1000x128xf32>
    %get3A_5 = arith.constant 0 : index
    %get3A_6 = arith.constant 0 : index
    %get3A_7 = arith.constant 0 : index
    %get3A_8 = vector.load %arg3[%get3A_5, %get3A_6, %get3A_7] : memref<1x1000x128xf32, #tpu.memory_space<vmem>>, vector<1x1000x128xf32>
    %get3A_9 = vector.shape_cast %get3A_8 : vector<1x1000x128xf32> to vector<1000x128xf32>
    %add3A = arith.addf %mul3A_4, %get3A_9 : vector<1000x128xf32>
    %get3A_10 = arith.constant 0 : index
    %get3A_11 = arith.constant 0 : index
    %get3A_12 = arith.constant 0 : index
    %get3A_13 = vector.load %arg4[%get3A_10, %get3A_11, %get3A_12] : memref<1x1000x128xf32, #tpu.memory_space<vmem>>, vector<1x1000x128xf32>
    %get3A_14 = vector.shape_cast %get3A_13 : vector<1x1000x128xf32> to vector<1000x128xf32>
    %add3A_15 = arith.addf %add3A, %get3A_14 : vector<1000x128xf32>
    %swap3A = arith.constant 0 : index
    %swap3A_16 = arith.constant 0 : index
    %swap3A_17 = vector.load %arg5[%swap3A, %swap3A_16] : memref<1000x128xf32, #tpu.memory_space<vmem>>, vector<1000x128xf32>
    tpu.vector_store %arg5[%swap3A, %swap3A_16], %add3A_15 {strides = array<i32>} : memref<1000x128xf32, #tpu.memory_space<vmem>>, vector<1000x128xf32>,
    return
  }
  func.func @transform_0(%arg0: i32) -> i32 {
    %c0_i32 = arith.constant 0 : i32
    %c0_i32_0 = arith.constant 0 : i32
    return %c0_i32 : i32
  }
  func.func @transform_1(%arg0: i32) -> (i32, i32) {
    %c0_i32 = arith.constant 0 : i32
    %c0_i32_0 = arith.constant 0 : i32
    return %arg0, %c0_i32 : i32, i32
  }
  func.func @transform_2(%arg0: i32) -> (i32, i32, i32) {
    %c0_i32 = arith.constant 0 : i32
    %c0_i32_0 = arith.constant 0 : i32
    %c0_i32_1 = arith.constant 0 : i32
    return %c0_i32, %arg0, %c0_i32_0 : i32, i32, i32
  }
  func.func @transform_3(%arg0: i32) -> (i32, i32, i32) {
    %c1_i32 = arith.constant 1 : i32
    %c0_i32 = arith.constant 0 : i32
    %c0_i32_0 = arith.constant 0 : i32
    return %c1_i32, %arg0, %c0_i32 : i32, i32, i32
  }
  func.func @transform_4(%arg0: i32) -> (i32, i32) {
    %c0_i32 = arith.constant 0 : i32
    %c0_i32_0 = arith.constant 0 : i32
    return %arg0, %c0_i32 : i32, i32
  }
}

</mosaic_0001>

<sc_bundles>
// kernel: kernel.4.cloned.1.call-start
scs
__scs_entry_jumppad:
0x0: {  	(pc) =	sbr.rel $0x88, $3  }
0x1: {  	(tag) =	ssettag $0x0;
	lr =	simm.s32 $0x1  }
0x2: {  	[smem:$0x3F9D] =	sst lr;
	_ =	strace $0xD0000000  }
0x3: {  	_ = 	snop  }
0x4: {  	_ = 	snop  }
0x5: {  	_ = 	snop  }
0x6: {  	_ = 	snop  }
0x7: {  	_ = 	snop  }
__scs_overlays_trampoline_lowered:
0x8: {  	[smem:$0x3FAC] =	sst s0  }
0x9: {  	[smem:$0x3FAD] =	sst s1  }
0xa: {  	[smem:$0x3FAE] =	sst s2  }
0xb: {  	[smem:$0x3FAF] =	sst s3  }
0xc: {  	[smem:$0x3FB0] =	sst s4  }
0xd: {  	[smem:$0x3FB1] =	sst s5  }
0xe: {  	[smem:$0x3FB2] =	sst s6  }
0xf: {  	[smem:$0x3FB3] =	sst s7  }
0x10: {  	[smem:$0x3FB4] =	sst s8  }
0x11: {  	[smem:$0x3FB5] =	sst s9;
	s0 =	simm.s32 @!p0 $0x0  }
0x12: {  	s1 =	sld [smem:$0x3F9B];
	s0 =	simm.s32 @p0 $0x1  }
0x13: {  	[smem:$0x3FB6] =	sst s0;
	s0 =	simm.s32 @!p1 $0x0  }
0x14: {  	s2 =	sld [smem:$0x3F9A];
	s0 =	simm.s32 @p1 $0x1  }
0x15: {  	[smem:$0x3FB7] =	sst s0;
	s0 =	simm.s32 @!p2 $0x0  }
0x16: {  	s3 =	sld [smem:$0x3FDB];
	s0 =	simm.s32 @p2 $0x1  }
0x17: {  	s4 =	simm.s32 $0x1BF5;
	[smem:$0x3FB9] =	sst s0  }
0x18: {  	s0 =	sld [smem:$0x3F9C];
	_ =	swait.ge [sflag:s4], $0x0  }
0x19: {  	s7 =	sld [smem:$0x3F9D]  }
0x1a: {  	s8 =	sadd.s32 $0xFFFFE003, lr  }
0x1b: {  	s9 =	sadd.s32 $0xFFFFFEF7, lr;
	s5 =	simm.s32 $0xFFFFFFFF;
	p2 =	slt.u32 s8, $0xFFFFF086  }
0x1c: {  	p1 =	slt.u32 s9, $0xF7A;
	s5 =	simm.s32 @!p2 $0x0  }
0x1d: {  	s5 =	simm.s32 @p1 $0x1;
	p0 =	seq.s32 s7, s2  }
0x1e: {  	s7 =	smul.u32 @!p0 $0xF7A, s2;
	p2 =	seq.s32 @!p0 s5, $0x0  }
0x1f: {  	s9 =	smul.u32 $0xF7A, s1;
	s8 =	simm.s32 @!p0 $0x1BF5;
	p2 =	por !p2, p0  }
0x20: {  	[sflag:s8] =	ssyncset.s32 @!p0 $0xFFFFF086;
	s6 =	sadd.s32 @!p0 s3, s7;
	s7 =	simm.s32 @!p0 $0x108  }
0x21: {  	s3 =	sadd.s32 s3, s9;
	s6 =	sadd.s32 @!p0 $0x88, s6;
	s7 =	simm.s32 @p2 $0x1082  }
0x22: {  	[simem:s7], [sflag:s8] =	dma.local @!p0 [hbm:s6], $0xF7A  }
0x23: {  	s9 =	sor.u32 $0xD0000000, s2;
	s6 =	simm.s32 $0x108;
	_ =	swait.ge @!p0 [sflag:s8], $0x0  }
0x24: {  	s3 =	sadd.s32 $0x88, s3;
	s6 =	simm.s32 @!p1 $0x1082;
	[sflag:s4] =	ssyncset.s32 $0xFFFFF086  }
0x25: {  	[simem:s6], [sflag:s4] =	dma.local [hbm:s3], $0xF7A  }
0x26: {  	[smem:$0x3F9D] =	sst s1;
	(tag) =	ssettag s2;
	_ =	strace s9  }
0x27: {  	s1 =	sld [smem:$0x3FAD]  }
0x28: {  	s2 =	sld [smem:$0x3FAE]  }
0x29: {  	s4 =	sld [smem:$0x3FB0]  }
0x2a: {  	p0 =	seq.s32 s5, $0x0;
	s5 =	sld [smem:$0x3FB1]  }
0x2b: {  	s6 =	sld [smem:$0x3FB2]  }
0x2c: {  	s7 =	sld [smem:$0x3FB3]  }
0x2d: {  	s3 =	simm.s32 $0x108;
	s8 =	sld [smem:$0x3FB4]  }
0x2e: {  	s3 =	simm.s32 @!p0 $0x1082;
	s9 =	sld [smem:$0x3FB5]  }
0x2f: {  	lr =	sadd.s32 s0, s3;
	s0 =	sld [smem:$0x3FAC]  }
0x30: {  	s3 =	sld [smem:$0x3FAF]  }
0x31: {  	[smem:$0x3FB8] =	sst s10  }
0x32: {  	s10 =	sld [smem:$0x3FB6];
	_ =	sdelay $0x3  }
0x33: {  	p0 =	seq.s32 s10, $0x1;
	s10 =	sld [smem:$0x3FB8];
	_ =	sdelay $0x3  }
0x34: {  	[smem:$0x3FB8] =	sst s10  }
0x35: {  	s10 =	sld [smem:$0x3FB7];
	_ =	sdelay $0x3  }
0x36: {  	p1 =	seq.s32 s10, $0x1;
	s10 =	sld [smem:$0x3FB8];
	_ =	sdelay $0x3  }
0x37: {  	[smem:$0x3FB8] =	sst s10  }
0x38: {  	s10 =	sld [smem:$0x3FB9]  }
0x39: {  	_ = 	snop;
	(pc) =	sbr.ind lr, $3  }
0x3a: {  	_ = 	snop  }
0x3b: {  	_ = 	snop  }
0x3c: {  	p2 =	seq.s32 s10, $0x1;
	s10 =	sld [smem:$0x3FB8]  }
0x3d: {  	_ =	shalt  }
0x3e: {  	_ =	shalt  }
0x3f: {  	_ =	shalt  }
0x40: {  	_ =	shalt  }
0x41: {  	_ =	shalt  }
0x42: {  	_ =	shalt  }
0x43: {  	_ =	shalt  }
0x44: {  	_ =	shalt  }
0x45: {  	_ =	shalt  }
0x46: {  	_ =	shalt  }
0x47: {  	_ =	shalt  }
0x48: {  	_ =	shalt  }
0x49: {  	_ =	shalt  }
0x4a: {  	_ =	shalt  }
0x4b: {  	_ =	shalt  }
0x4c: {  	_ =	shalt  }
0x4d: {  	_ =	shalt  }
0x4e: {  	_ =	shalt  }
0x4f: {  	_ =	shalt  }
0x50: {  	_ =	shalt  }
0x51: {  	_ =	shalt  }
0x52: {  	_ =	shalt  }
0x53: {  	_ =	shalt  }
0x54: {  	_ =	shalt  }
0x55: {  	_ =	shalt  }
0x56: {  	_ =	shalt  }
0x57: {  	_ =	shalt  }
0x58: {  	_ =	shalt  }
0x59: {  	_ =	shalt  }
0x5a: {  	_ =	shalt  }
0x5b: {  	_ =	shalt  }
0x5c: {  	_ =	shalt  }
0x5d: {  	_ =	shalt  }
0x5e: {  	_ =	shalt  }
0x5f: {  	_ =	shalt  }
0x60: {  	_ =	shalt  }
0x61: {  	_ =	shalt  }
0x62: {  	_ =	shalt  }
0x63: {  	_ =	shalt  }
0x64: {  	_ =	shalt  }
0x65: {  	_ =	shalt  }
0x66: {  	_ =	shalt  }
0x67: {  	_ =	shalt  }
0x68: {  	_ =	shalt  }
0x69: {  	_ =	shalt  }
0x6a: {  	_ =	shalt  }
0x6b: {  	_ =	shalt  }
0x6c: {  	_ =	shalt  }
0x6d: {  	_ =	shalt  }
0x6e: {  	_ =	shalt  }
0x6f: {  	_ =	shalt  }
0x70: {  	_ =	shalt  }
0x71: {  	_ =	shalt  }
0x72: {  	_ =	shalt  }
0x73: {  	_ =	shalt  }
0x74: {  	_ =	shalt  }
0x75: {  	_ =	shalt  }
0x76: {  	_ =	shalt  }
0x77: {  	_ =	shalt  }
0x78: {  	_ =	shalt  }
0x79: {  	_ =	shalt  }
0x7a: {  	_ =	shalt  }
0x7b: {  	_ =	shalt  }
0x7c: {  	_ =	shalt  }
0x7d: {  	_ =	shalt  }
0x7e: {  	_ =	shalt  }
0x7f: {  	_ =	shalt  }
0x80: {  	_ =	shalt  }
0x81: {  	_ =	shalt  }
0x82: {  	_ =	shalt  }
0x83: {  	_ =	shalt  }
0x84: {  	_ =	shalt  }
0x85: {  	_ =	shalt  }
0x86: {  	_ =	shalt  }
0x87: {  	_ =	shalt  }
.Lfunc_end0:
.L_simem_size_0:
called_computation_lowered:
.L_overlay_start_0:
0x88: {  	s2 =	sld [smem:$0x3FD9]  }
0x89: {  	s3 =	sld [smem:$0x3FFE];
	_ =	sdelay $0x1  }
0x8a: {  	s1 =	srdreg.scid  }
0x8b: {  	s0 =	sand.u32 $0x1, s1  }
0x8c: {  	s17 =	sshll.u32 s0, $0xA;
	s2 =	sadd.s32 s3, s2  }
0x8d: {  	s2 =	sadd.s32 s2, s17  }
0x8e: {  	[smem:$0x3FC4] =	sst s2  }
0x8f: {  	_ = 	snop  }
0x90: {  	s2 =	sld [smem:$0x3FC9]  }
0x91: {  	s18 =	sld [smem:$0x3FC7]  }
0x92: {  	s4 =	sld [smem:$0x3FD0];
	(tm) =	ssettm $0x1  }
0x93: {  	s5 =	sld [smem:$0x3FFB];
	_ =	sdelay $0x3  }
0x94: {  	_ =	strace s5  }
0x95: {  	s5 =	sld [smem:$0x3FFC];
	_ =	sdelay $0x3  }
0x96: {  	_ =	strace s5  }
0x97: {  	s5 =	sld [smem:$0x3FFD];
	_ =	sdelay $0x3  }
0x98: {  	_ =	strace s5  }
0x99: {  	_ =	strace $0x8FFFFFFF  }
0x9a: {  	s19 =	sld [smem:$0x3FDB];
	_ =	sdelay $0x1  }
0x9b: {  	s6 =	simm.s32 $_scs_section_size  }
0x9c: {  	s7 =	simm.s32 $_size__tile_overlayer_lowered;
	s8 =	simm.s32 $_tile_overlayer_lowered  }
0x9d: {  	s22 =	simm.s32 $0x1BFF;
	s21 =	sshll.u32 s8, $0x1;
	s5 =	sadd.s32 s6, s19  }
0x9e: {  	s9 =	simm.s32 $0x0;
	s20 =	sshll.u32 s7, $0x1;
	s7 =	sadd.s32 s21, s5  }
0x9f: {  	[timem:s9], [sflag:s22] =	dma.local [hbm:s7], s20  }
0xa0: {  	_ =	swait.ge [sflag:s22], s20  }
0xa1: {  	s6 =	ssub.s32 $0x0, s20;
	[sflag:s22] =	ssyncset.done $0x0  }
0xa2: {  	[sflag:s22] =	ssyncadd.s32 s6;
	_ =	sdelay $0x1  }
0xa3: {  	s23 =	simm.s32 $0x1B8B  }
0xa4: {  	_ =	swait.ge [sflag:s23], $0x1  }
0xa5: {  	[sflag:s23] =	ssyncset.done $0x0  }
0xa6: {  	s25 =	simm.s32 $0x1B8E;
	s24 =	sld [smem:$0x3FFE];
	[sflag:s23] =	ssyncadd.s32 $0xFFFFFFFF  }
0xa7: {  	s26 =	simm.s32 $execute0_lowered;
	[smem:$0x3FD2] =	sst s25  }
0xa8: {  	s7 =	sshll.u32 s26, $0x1;
	_ =	strace $0x80000046;
	[dreg:$0x1] =	wrdreg $0xFFFFFFFF  }
0xa9: {  	s28 =	simm.s32 $_size_execute0_lowered;
	s5 =	sadd.s32 s5, s7;
	[dreg:$0x0] =	wrdreg $0x0  }
0xaa: {  	s7 =	sshll.u32 s28, $0x1;
	[dreg:$0x2] =	wrdreg s5  }
0xab: {  	[dreg:$0x3] =	wrdreg s7  }
0xac: {  	[dreg:$0x4] =	wrdreg $0xC0  }
0xad: {  	_ =	task [dreg:s9], $0x5FFFF  }
0xae: {  	[dreg:$0x1] =	wrdreg $0xFFFFFFFF  }
0xaf: {  	[dreg:$0x0] =	wrdreg $0x60  }
0xb0: {  	[dreg:$0x2] =	wrdreg s2  }
0xb1: {  	[dreg:$0x3] =	wrdreg s4  }
0xb2: {  	[dreg:$0x4] =	wrdreg s24  }
0xb3: {  	[dreg:$0x5] =	wrdreg s18  }
0xb4: {  	[dreg:$0x6] =	wrdreg $0x98000  }
0xb5: {  	[dreg:$0x7] =	wrdreg $0x9  }
0xb6: {  	_ =	task.clear_ibuf [dreg:s9], $0x8FFFF;
	_ =	strace $0x90000046  }
0xb7: {  	s29 =	simm.s32 $0x9;
	_ =	strace $0x80000048  }
0xb8: {  	_ =	swait.ge [sflag:s29], $0x1  }
0xb9: {  	[sflag:s29] =	ssyncadd.s32 $0xFFFFFFFF  }
0xba: {  	_ =	strace $0x90000048  }
0xbb: {  	_ =	sfence  }
0xbc: {  	s30 =	sld [smem:$0x0];
	_ =	sdelay $0x2  }
0xbd: {  	s31 =	sshll.u32 s1, $0xD;
	s1 =	sshrl.u32 s1, $0x2  }
0xbe: {  	s3 =	sand.u32 $0x4000, s31;
	s1 =	sadd.s32 s1, s30  }
0xbf: {  	s0 =	sor.u32 s3, s0;
	s1 =	sshll.u32 s1, $0x11  }
0xc0: {  	s0 =	sor.u32 s1, s0  }
0xc1: {  	s0 =	sadd.s32 $0x8F2B, s0  }
0xc2: {  	[sflag:s0] =	ssyncadd.remote.s32 $0x1  }
0xc3: {  	_ =	sfence.sel $0xFFFF  }
0xc4: {  	[dreg:$0x0] =	wrdreg $0xFFFFFFFF;
	(pc) =	sbr.abs _section_cstart, $3  }
0xc5: {  	[dreg:$0x1] =	wrdreg $0xFFFFFFFF  }
0xc6: {  	_ =	task.clear_ibuf [dreg:s9], $0x2FFFF;
	_ =	strace $0x9FFFFFFF  }
0xc7: {  	(tm) =	ssettm $0x7FFFFFFF  }
tec
execute0_lowered:
.L_overlay_start_1:
0x0: {  	(tag) =	ssettag $0x1  }
0x1: {  	s1 =	rddreg [dreg:$0x0]  }
0x2: {  	s5 =	rddreg [dreg:$0x2]  }
0x3: {  	s4 =	rddreg [dreg:$0x3]  }
0x4: {  	s6 =	rddreg [dreg:$0x4];
	s7 =	simm.s32 $0x0  }
0x5: {  	s0 =	srdreg.scid;
	s9 =	stileid.u32;
	s28 =	simm.s32 $0x50  }
0x6: {  	s29 =	simm.s32 $0x7000;
	s30 =	simm.s32 $0x8400;
	s31 =	simm.s32 $0x1  }
0x7: {  	s11 =	simm.s32 $0x5;
	s13 =	simm.s32 $0x6;
	[smem:$0x7FF] =	sst s7  }
0x8: {  	s0 =	sand.u32 $0x1, s0;
	s2 =	smul.u32 $0x4E000, s9;
	s5 =	sadd.s32 $0x14000, s5  }
0x9: {  	s15 =	sshll.u32 s9, $0x1;
	s24 =	smul.u32 $0x13800, s9;
	s14 =	sadd.s32 $0x138000, s6  }
0xa: {  	p0 =	sne.s32 s9, $0xF;
	s9 =	simm.s32 $0x4;
	_ =	strace $0x80000047  }
0xb: {  	s3 =	ssub.s32 $0x2, s0;
	s16 =	sor.u32 s0, s15;
	s2 =	sshrl.u32 s2, $0x2  }
0xc: {  	s0 =	smul.u32 $0x138800, s0;
	[dreg:$0xe] =	wrdreg s14;
	s12 =	sadd.s32 s2, s6  }
0xd: {  	s8 =	sshrl.u32 s3, $0x1;
	s18 =	sadd.s32 $0x2800, s12;
	[dreg:$0x6] =	wrdreg s12  }
0xe: {  	s17 =	smul.u32 $0x2710, s16;
	s19 =	sadd.s32 $0x5000, s12;
	[dreg:$0x7] =	wrdreg s18  }
0xf: {  	s3 =	ssub.s32 s3, s8;
	s20 =	sadd.s32 $0x7800, s12;
	[dreg:$0x8] =	wrdreg s19  }
0x10: {  	s2 =	smul.u32 $0x5000, s16;
	s21 =	sadd.s32 $0xA000, s12;
	[dreg:$0x9] =	wrdreg s20  }
0x11: {  	s25 =	sadd.s32 s24, s0;
	s22 =	sadd.s32 $0xC800, s12;
	[dreg:$0xa] =	wrdreg s21  }
0x12: {  	s0 =	sshrl.u32 s0, $0x3;
	s23 =	sadd.s32 $0xF000, s12;
	[dreg:$0xb] =	wrdreg s22  }
0x13: {  	s24 =	simm.s32 $0x2000;
	s10 =	sadd.s32 $0x11800, s12;
	[dreg:$0xc] =	wrdreg s23  }
0x14: {  	s8 =	simm.s32 $0x0;
	s0 =	sadd.s32 s5, s0;
	[dreg:$0xd] =	wrdreg s10  }
0x15: {  	s26 =	smax.u32 s3, $0x1;
	[dreg:$0xf] =	wrdreg s2;
	s19 =	sadd.s32 $0x280, s4  }
0x16: {  	s2 =	sshrl.u32 s25, $0x3;
	s20 =	sadd.s32 $0x780, s17;
	s0 =	sadd.s32 $0x27000, s0  }
0x17: {  	[dreg:$0x12] =	wrdreg s26;
	s25 =	simm.s32 $0x7;
	s10 =	simm.s32 $0x2  }
0x18: {  	s21 =	simm.s32 $0x0;
	s2 =	sadd.s32 s5, s2;
	[dreg:$0x11] =	wrdreg s0  }
0x19: {  	v0 =	vimm.f32 $0.0e+00;
	s0 =	simm.s32 $0x4800;
	s5 =	simm.s32 $0x3;
	[dreg:$0x10] =	wrdreg s2  }
.LBB2_1:
0x1a: {  	s2 =	simm.s32 $0x0;
	s3 =	simm.s32 $0x200  }
.LBB2_2:
0x1b: {  	p1 =	sne.s32 s3, $0x9E00;
	[tilespmem:s2+$0x2070] =	vst v0  }
0x1c: {  	[tilespmem:s2+$0x2000] =	vst v0  }
0x1d: {  	[tilespmem:s2+$0x2010] =	vst v0  }
.Ltmp0:
0x1e: {  	[tilespmem:s2+$0x2020] =	vst v0;
	(pc) =	sbr.rel @p1 .LBB2_2-.Ltmp0, $4  }
0x1f: {  	[tilespmem:s2+$0x2030] =	vst v0  }
0x20: {  	[tilespmem:s2+$0x2040] =	vst v0  }
0x21: {  	[tilespmem:s2+$0x2050] =	vst v0  }
0x22: {  	[tilespmem:s2+$0x2060] =	vst v0;
	s2 =	sshra.s32 s3, $0x2;
	s3 =	sadd.s32 $0x200, s3  }
0x23: {  	[tilespmem:s2+$0x2070] =	vst v0  }
0x24: {  	[tilespmem:s2+$0x2000] =	vst v0  }
0x25: {  	[tilespmem:s2+$0x2010] =	vst v0  }
0x26: {  	[tilespmem:s2+$0x2020] =	vst v0  }
0x27: {  	[tilespmem:s2+$0x2030] =	vst v0  }
0x28: {  	[tilespmem:s2+$0x2040] =	vst v0  }
0x29: {  	[tilespmem:s2+$0x2050] =	vst v0  }
0x2a: {  	[dreg:$0x13] =	wrdreg s8;
	[tilespmem:s2+$0x2060] =	vst v0  }
0x2b: {  	[spmem:s12] =	stream.linear.scatter [tilespmem:s24], [sflag:$0x7], $0x2800, $0x38;
	[tilespmem:$0x1D080] =	vst v63  }
0x2c: {  	_ =	swait.ge [sflag:s25], $0x2800  }
0x2d: {  	[sflag:s25] =	ssyncset.done $0x0  }
0x2e: {  	s12 =	rddreg [dreg:$0x7];
	[sflag:s25] =	ssyncadd.s32 $0xFFFFD800  }
0x2f: {  	[spmem:s12] =	stream.linear.scatter [tilespmem:s24], [sflag:$0x7], $0x2800, $0x38;
	[tilespmem:$0x1D080] =	vst v63  }
0x30: {  	_ =	swait.ge [sflag:s25], $0x2800  }
0x31: {  	[sflag:s25] =	ssyncset.done $0x0  }
0x32: {  	s15 =	rddreg [dreg:$0x8];
	[sflag:s25] =	ssyncadd.s32 $0xFFFFD800  }
0x33: {  	[spmem:s15] =	stream.linear.scatter [tilespmem:s24], [sflag:$0x7], $0x2800, $0x38;
	[tilespmem:$0x1D080] =	vst v63  }
0x34: {  	_ =	swait.ge [sflag:s25], $0x2800  }
0x35: {  	[sflag:s25] =	ssyncset.done $0x0  }
0x36: {  	s16 =	rddreg [dreg:$0x9];
	[sflag:s25] =	ssyncadd.s32 $0xFFFFD800  }
0x37: {  	[spmem:s16] =	stream.linear.scatter [tilespmem:s24], [sflag:$0x7], $0x2800, $0x38;
	[tilespmem:$0x1D080] =	vst v63  }
0x38: {  	_ =	swait.ge [sflag:s25], $0x2800  }
0x39: {  	[sflag:s25] =	ssyncset.done $0x0  }
0x3a: {  	s18 =	rddreg [dreg:$0xa];
	[sflag:s25] =	ssyncadd.s32 $0xFFFFD800  }
0x3b: {  	[spmem:s18] =	stream.linear.scatter [tilespmem:s24], [sflag:$0x7], $0x2800, $0x38;
	[tilespmem:$0x1D080] =	vst v63  }
0x3c: {  	_ =	swait.ge [sflag:s25], $0x2800  }
0x3d: {  	[sflag:s25] =	ssyncset.done $0x0  }
0x3e: {  	s22 =	rddreg [dreg:$0xb];
	[sflag:s25] =	ssyncadd.s32 $0xFFFFD800  }
0x3f: {  	[spmem:s22] =	stream.linear.scatter [tilespmem:s24], [sflag:$0x7], $0x2800, $0x38;
	[tilespmem:$0x1D080] =	vst v63  }
0x40: {  	_ =	swait.ge [sflag:s25], $0x2800  }
0x41: {  	[sflag:s25] =	ssyncset.done $0x0  }
0x42: {  	s23 =	rddreg [dreg:$0xc];
	[sflag:s25] =	ssyncadd.s32 $0xFFFFD800  }
0x43: {  	[spmem:s23] =	stream.linear.scatter [tilespmem:s24], [sflag:$0x7], $0x2800, $0x38;
	[tilespmem:$0x1D080] =	vst v63  }
0x44: {  	_ =	swait.ge [sflag:s25], $0x2800  }
0x45: {  	[sflag:s25] =	ssyncset.done $0x0  }
0x46: {  	s26 =	rddreg [dreg:$0xd];
	[sflag:s25] =	ssyncadd.s32 $0xFFFFD800  }
0x47: {  	[spmem:s26] =	stream.linear.scatter [tilespmem:s24], [sflag:$0x7], $0x2000, $0x38;
	[tilespmem:$0x1D080] =	vst v63  }
0x48: {  	_ =	swait.ge [sflag:s25], $0x2000  }
0x49: {  	[sflag:s25] =	ssyncset.done $0x0  }
0x4a: {  	s2 =	simm.s32 @!p0 $0x2000;
	[sflag:s25] =	ssyncadd.s32 $0xFFFFE000  }
0x4b: {  	[spmem:s14] =	stream.linear.scatter @!p0 [tilespmem:s2], [sflag:$0x7], $0x800, $0x38;
	[tilespmem:$0x1D080] =	vst v63  }
0x4c: {  	s2 =	simm.s32 @!p0 $0x7  }
0x4d: {  	_ =	swait.ge @!p0 [sflag:s2], $0x800  }
0x4e: {  	[sflag:s2] =	ssyncset.done @!p0 $0x0  }
0x4f: {  	[sflag:s2] =	ssyncadd.s32 @!p0 $0xFFFFF800  }
0x50: {  	s22 =	simm.s32 $0x0;
	[bflag:$0x0] =	sbarrier.arrive $0xFFFF  }
.LBB2_4:
0x51: {  	s2 =	sshll.u32 s22, $0xC;
	s3 =	rddreg [dreg:$0xf]  }
0x52: {  	s2 =	sadd.s32 s3, s2  }
0x53: {  	s14 =	rddreg [dreg:$0x1];
	s2 =	sshrl.u32 s2, $0x3  }
0x54: {  	s3 =	sadd.s32 s14, s2  }
0x55: {  	[tilespmem:s21], [sflag:$0x7] =	stream.linear.gather [hbm4b:s3+s21], $0xC80, $0x38;
	[tilespmem:$0x1D080] =	vst v63  }
0x56: {  	_ =	swait.ge [sflag:s25], $0xC80  }
0x57: {  	[sflag:s25] =	ssyncset.done $0x0  }
0x58: {  	[sflag:s25] =	ssyncadd.s32 $0xFFFFF380  }
0x59: {  	s15 =	rddreg [dreg:$0x2]  }
0x5a: {  	s16 =	simm.s32 $0x1000;
	s23 =	smul.u32 $0x7D0, s22;
	s2 =	sadd.s32 s15, s2  }
0x5b: {  	[tilespmem:s16], [sflag:$0x7] =	stream.linear.gather [hbm4b:s2+s21], $0xC80, $0x38;
	[tilespmem:$0x1D080] =	vst v63  }
0x5c: {  	_ =	swait.ge [sflag:s25], $0xC80  }
0x5d: {  	s18 =	sadd.s32 s17, s23;
	[sflag:s25] =	ssyncset.done $0x0  }
0x5e: {  	s2 =	sshll.u32 s18, $0x4;
	[sflag:s25] =	ssyncadd.s32 $0xFFFFF380  }
0x5f: {  	[tilespmem:s24], [sflag:$0x1] =	stream.indirect.gather [hbm4b:s1+s28], $0x80, s21, s28, $0xb8;
	[tilespmem:$0x1D080] =	vst v63  }
0x60: {  	s16 =	smul.u32 $0x19, s22;
	s26 =	sadd.s32 s4, s2  }
0x61: {  	[tilespmem:s29], [sflag:$0x3] =	stream.linear.gather [hbm4b:s26+s21], $0x1400, $0x38;
	[tilespmem:$0x1D080] =	vst v63  }
0x62: {  	s15 =	simm.s32 $0x0;
	s2 =	sadd.s32 s2, s19;
	s8 =	sadd.s32 $0x2, s16  }
0x63: {  	[tilespmem:s30], [sflag:$0x4] =	stream.linear.gather [hbm4b:s2+s21], $0x1400, $0x38;
	[tilespmem:$0x1D080] =	vst v63  }
.LBB2_5:
0x64: {  	_ =	swait.ge [sflag:s31], $0x2800  }
0x65: {  	p1 =	seq.s32 s15, $0x0;
	[sflag:s31] =	ssyncset.done $0x0  }
0x66: {  	s3 =	simm.s32 @!p1 $0x6;
	[sflag:s31] =	ssyncadd.s32 $0xFFFFD800  }
0x67: {  	s2 =	sshll.u32 s15, $0x1;
	_ =	swait.ge @!p1 [sflag:s3], $0x2800  }
0x68: {  	s26 =	sor.u32 $0x1, s2;
	[sflag:s3] =	ssyncset.done @!p1 $0x0  }
0x69: {  	[sflag:s3] =	ssyncadd.s32 @!p1 $0xFFFFD800;
	s3 =	sshll.u32 s26, $0x7  }
0x6a: {  	[tilespmem:s0], [sflag:$0x2] =	stream.indirect.gather [hbm4b:s1+s28], $0x80, s3, s28, $0xb8;
	[tilespmem:$0x1D080] =	vst v63  }
0x6b: {  	_ =	swait.ge [sflag:s5], $0x1400  }
0x6c: {  	[sflag:s5] =	ssyncset.done $0x0  }
0x6d: {  	s12 =	simm.s32 $0x0;
	[sflag:s5] =	ssyncadd.s32 $0xFFFFEC00  }
0x6e: {  	v7 =	vld [tilespmem:s12+$0x7000]  }
0x6f: {  	v12 =	vld [tilespmem:s12+$0x7010]  }
0x70: {  	v6 =	vld [tilespmem:s12+$0x7020]  }
0x71: {  	v5 =	vld [tilespmem:s12+$0x7030]  }
0x72: {  	v4 =	vld [tilespmem:s12+$0x7040]  }
0x73: {  	v3 =	vld [tilespmem:s12+$0x7050]  }
0x74: {  	v2 =	vld [tilespmem:s12+$0x7060]  }
0x75: {  	v1 =	vld [tilespmem:s12+$0x7070]  }
0x76: {  	v13 =	vld [tilespmem:s12+$0x2000]  }
0x77: {  	v14 =	vld [tilespmem:s12+$0x2010]  }
0x78: {  	v11 =	vld [tilespmem:s12+$0x2020]  }
0x79: {  	v10 =	vld [tilespmem:s12+$0x2030]  }
0x7a: {  	v9 =	vld [tilespmem:s12+$0x2040]  }
0x7b: {  	v8 =	vld [tilespmem:s12+$0x2050];
	v13 =	vadd.f32 v7, v13  }
0x7c: {  	s14 =	simm.s32 $0x200;
	v12 =	vadd.f32 v12, v14;
	v7 =	vld [tilespmem:s12+$0x2060]  }
.LBB2_6:
0x7d: {  	s18 =	sshra.s32 s14, $0x2;
	p1 =	sne.s32 s14, $0x4E00;
	v13 =	vmax.f32 v13, $0.0e+00;
	v6 =	vadd.f32 v6, v11;
	v11 =	vld [tilespmem:s12+$0x2070]  }
0x7e: {  	v14 =	vld [tilespmem:s18+$0x7000];
	[tilespmem:s12+$0x2000] =	vst v13;
	v12 =	vmax.f32 v12, $0.0e+00;
	v5 =	vadd.f32 v5, v10  }
0x7f: {  	v15 =	vld [tilespmem:s18+$0x7010];
	[tilespmem:s12+$0x2010] =	vst v12;
	v10 =	vmax.f32 v6, $0.0e+00;
	v4 =	vadd.f32 v4, v9  }
0x80: {  	v6 =	vld [tilespmem:s18+$0x7020];
	[tilespmem:s12+$0x2020] =	vst v10;
	v9 =	vmax.f32 v5, $0.0e+00;
	v3 =	vadd.f32 v3, v8  }
0x81: {  	v5 =	vld [tilespmem:s18+$0x7030];
	[tilespmem:s12+$0x2030] =	vst v9;
	v8 =	vmax.f32 v4, $0.0e+00;
	v2 =	vadd.f32 v2, v7  }
0x82: {  	v4 =	vld [tilespmem:s18+$0x7040];
	[tilespmem:s12+$0x2040] =	vst v8;
	v7 =	vmax.f32 v3, $0.0e+00;
	v1 =	vadd.f32 v1, v11  }
0x83: {  	v3 =	vld [tilespmem:s18+$0x7050];
	[tilespmem:s12+$0x2050] =	vst v7;
	v7 =	vmax.f32 v2, $0.0e+00  }
0x84: {  	v2 =	vld [tilespmem:s18+$0x7060];
	[tilespmem:s12+$0x2060] =	vst v7;
	v7 =	vmax.f32 v1, $0.0e+00  }
0x85: {  	v1 =	vld [tilespmem:s18+$0x7070];
	[tilespmem:s12+$0x2070] =	vst v7;
	s12 =	smov.u32 s18  }
0x86: {  	v7 =	vld [tilespmem:s12+$0x2000]  }
0x87: {  	v12 =	vld [tilespmem:s12+$0x2010]  }
.Ltmp1:
0x88: {  	v11 =	vld [tilespmem:s12+$0x2020];
	(pc) =	sbr.rel @p1 .LBB2_6-.Ltmp1, $4  }
0x89: {  	v10 =	vld [tilespmem:s12+$0x2030]  }
0x8a: {  	v9 =	vld [tilespmem:s12+$0x2040]  }
0x8b: {  	v13 =	vadd.f32 v14, v7;
	v8 =	vld [tilespmem:s12+$0x2050]  }
0x8c: {  	s14 =	sadd.s32 $0x200, s14;
	v12 =	vadd.f32 v15, v12;
	v7 =	vld [tilespmem:s12+$0x2060]  }
0x8d: {  	v13 =	vmax.f32 v13, $0.0e+00;
	v6 =	vadd.f32 v6, v11;
	v11 =	vld [tilespmem:s12+$0x2070]  }
0x8e: {  	[tilespmem:s12+$0x2000] =	vst v13;
	v12 =	vmax.f32 v12, $0.0e+00;
	v5 =	vadd.f32 v5, v10  }
0x8f: {  	[tilespmem:s12+$0x2010] =	vst v12;
	v6 =	vmax.f32 v6, $0.0e+00;
	v4 =	vadd.f32 v4, v9  }
0x90: {  	s14 =	sadd.s32 s16, s26;
	[tilespmem:s12+$0x2020] =	vst v6;
	v5 =	vmax.f32 v5, $0.0e+00;
	v3 =	vadd.f32 v3, v8  }
0x91: {  	s14 =	smul.u32 $0x50, s14;
	[tilespmem:s12+$0x2030] =	vst v5;
	v4 =	vmax.f32 v4, $0.0e+00;
	v2 =	vadd.f32 v2, v7  }
0x92: {  	[tilespmem:s12+$0x2040] =	vst v4;
	v3 =	vmax.f32 v3, $0.0e+00;
	v1 =	vadd.f32 v1, v11  }
0x93: {  	s14 =	sadd.s32 s17, s14;
	[tilespmem:s12+$0x2050] =	vst v3;
	v2 =	vmax.f32 v2, $0.0e+00  }
0x94: {  	s26 =	sshll.u32 s14, $0x4;
	[tilespmem:s12+$0x2060] =	vst v2;
	v1 =	vmax.f32 v1, $0.0e+00  }
0x95: {  	s18 =	simm.s32 $0x0;
	s14 =	sadd.s32 s4, s26;
	[tilespmem:s12+$0x2070] =	vst v1  }
0x96: {  	[tilespmem:s29], [sflag:$0x3] =	stream.linear.gather [hbm4b:s14+s18], $0x1400, $0x38;
	[tilespmem:$0x1D080] =	vst v63  }
0x97: {  	_ =	swait.ge [sflag:s9], $0x1400  }
0x98: {  	[sflag:s9] =	ssyncset.done $0x0  }
0x99: {  	s12 =	simm.s32 $0x0;
	[sflag:s9] =	ssyncadd.s32 $0xFFFFEC00  }
0x9a: {  	v7 =	vld [tilespmem:s12+$0x8400]  }
0x9b: {  	v12 =	vld [tilespmem:s12+$0x8410]  }
0x9c: {  	v6 =	vld [tilespmem:s12+$0x8420]  }
0x9d: {  	v5 =	vld [tilespmem:s12+$0x8430]  }
0x9e: {  	v4 =	vld [tilespmem:s12+$0x8440]  }
0x9f: {  	v3 =	vld [tilespmem:s12+$0x8450]  }
0xa0: {  	v2 =	vld [tilespmem:s12+$0x8460]  }
0xa1: {  	v1 =	vld [tilespmem:s12+$0x8470]  }
0xa2: {  	v13 =	vld [tilespmem:s12+$0x3400]  }
0xa3: {  	v14 =	vld [tilespmem:s12+$0x3410]  }
0xa4: {  	v11 =	vld [tilespmem:s12+$0x3420]  }
0xa5: {  	v10 =	vld [tilespmem:s12+$0x3430]  }
0xa6: {  	v9 =	vld [tilespmem:s12+$0x3440]  }
0xa7: {  	v8 =	vld [tilespmem:s12+$0x3450];
	v13 =	vadd.f32 v7, v13  }
0xa8: {  	s14 =	simm.s32 $0x200;
	v12 =	vadd.f32 v12, v14;
	v7 =	vld [tilespmem:s12+$0x3460]  }
.LBB2_8:
0xa9: {  	s18 =	sshra.s32 s14, $0x2;
	p1 =	sne.s32 s14, $0x4E00;
	v13 =	vmax.f32 v13, $0.0e+00;
	v6 =	vadd.f32 v6, v11;
	v11 =	vld [tilespmem:s12+$0x3470]  }
0xaa: {  	v14 =	vld [tilespmem:s18+$0x8400];
	[tilespmem:s12+$0x3400] =	vst v13;
	v12 =	vmax.f32 v12, $0.0e+00;
	v5 =	vadd.f32 v5, v10  }
0xab: {  	v15 =	vld [tilespmem:s18+$0x8410];
	[tilespmem:s12+$0x3410] =	vst v12;
	v10 =	vmax.f32 v6, $0.0e+00;
	v4 =	vadd.f32 v4, v9  }
0xac: {  	v6 =	vld [tilespmem:s18+$0x8420];
	[tilespmem:s12+$0x3420] =	vst v10;
	v9 =	vmax.f32 v5, $0.0e+00;
	v3 =	vadd.f32 v3, v8  }
0xad: {  	v5 =	vld [tilespmem:s18+$0x8430];
	[tilespmem:s12+$0x3430] =	vst v9;
	v8 =	vmax.f32 v4, $0.0e+00;
	v2 =	vadd.f32 v2, v7  }
0xae: {  	v4 =	vld [tilespmem:s18+$0x8440];
	[tilespmem:s12+$0x3440] =	vst v8;
	v7 =	vmax.f32 v3, $0.0e+00;
	v1 =	vadd.f32 v1, v11  }
0xaf: {  	v3 =	vld [tilespmem:s18+$0x8450];
	[tilespmem:s12+$0x3450] =	vst v7;
	v7 =	vmax.f32 v2, $0.0e+00  }
0xb0: {  	v2 =	vld [tilespmem:s18+$0x8460];
	[tilespmem:s12+$0x3460] =	vst v7;
	v7 =	vmax.f32 v1, $0.0e+00  }
0xb1: {  	v1 =	vld [tilespmem:s18+$0x8470];
	[tilespmem:s12+$0x3470] =	vst v7;
	s12 =	smov.u32 s18  }
0xb2: {  	v7 =	vld [tilespmem:s12+$0x3400]  }
0xb3: {  	v12 =	vld [tilespmem:s12+$0x3410]  }
.Ltmp2:
0xb4: {  	v11 =	vld [tilespmem:s12+$0x3420];
	(pc) =	sbr.rel @p1 .LBB2_8-.Ltmp2, $4  }
0xb5: {  	v10 =	vld [tilespmem:s12+$0x3430]  }
0xb6: {  	v9 =	vld [tilespmem:s12+$0x3440]  }
0xb7: {  	v13 =	vadd.f32 v14, v7;
	v8 =	vld [tilespmem:s12+$0x3450]  }
0xb8: {  	s14 =	sadd.s32 $0x200, s14;
	v12 =	vadd.f32 v15, v12;
	v7 =	vld [tilespmem:s12+$0x3460]  }
0xb9: {  	v13 =	vmax.f32 v13, $0.0e+00;
	v6 =	vadd.f32 v6, v11;
	v11 =	vld [tilespmem:s12+$0x3470]  }
0xba: {  	[tilespmem:s12+$0x3400] =	vst v13;
	v12 =	vmax.f32 v12, $0.0e+00;
	v5 =	vadd.f32 v5, v10  }
0xbb: {  	[tilespmem:s12+$0x3410] =	vst v12;
	v6 =	vmax.f32 v6, $0.0e+00;
	v4 =	vadd.f32 v4, v9  }
0xbc: {  	[tilespmem:s12+$0x3420] =	vst v6;
	v5 =	vmax.f32 v5, $0.0e+00;
	v3 =	vadd.f32 v3, v8  }
0xbd: {  	[tilespmem:s12+$0x3430] =	vst v5;
	v4 =	vmax.f32 v4, $0.0e+00;
	v2 =	vadd.f32 v2, v7  }
0xbe: {  	[tilespmem:s12+$0x3440] =	vst v4;
	v3 =	vmax.f32 v3, $0.0e+00;
	v1 =	vadd.f32 v1, v11  }
0xbf: {  	[tilespmem:s12+$0x3450] =	vst v3;
	v2 =	vmax.f32 v2, $0.0e+00  }
0xc0: {  	[tilespmem:s12+$0x3460] =	vst v2;
	v1 =	vmax.f32 v1, $0.0e+00  }
0xc1: {  	s26 =	sadd.s32 s26, s19;
	[tilespmem:s12+$0x3470] =	vst v1;
	s12 =	sshll.u32 s15, $0xA  }
0xc2: {  	[tilespmem:s30], [sflag:$0x4] =	stream.linear.gather [hbm4b:s26+s7], $0x1400, $0x38;
	[tilespmem:$0x1D080] =	vst v63  }
0xc3: {  	s14 =	sshrl.u32 s12, $0x2  }
0xc4: {  	s14 =	sadd.s32 $0x1000, s14  }
0xc5: {  	[spmem:s6] =	stream.indirect.scatter.add.f32 [tilespmem:s24], [sflag:$0x5], $0x80, s14, s28, $0xb8;
	[tilespmem:$0x1D080] =	vst v63  }
0xc6: {  	_ =	swait.ge [sflag:s10], $0x2800  }
0xc7: {  	[sflag:s10] =	ssyncset.done $0x0  }
0xc8: {  	[sflag:s10] =	ssyncadd.s32 $0xFFFFD800  }
0xc9: {  	p1 =	seq.s32 s15, $0xB;
	_ =	swait.ge [sflag:s11], $0x2800  }
0xca: {  	s18 =	simm.s32 @!p1 $0x2000;
	s12 =	sshrl.u32 @!p1 s12, $0x2;
	[sflag:s11] =	ssyncset.done $0x0  }
0xcb: {  	s12 =	sadd.s32 @!p1 $0x100, s12;
	s14 =	simm.s32 @!p1 $0x50;
	[sflag:s11] =	ssyncadd.s32 $0xFFFFD800  }
0xcc: {  	[tilespmem:s18], [sflag:$0x1] =	stream.indirect.gather @!p1 [hbm4b:s1+s14], $0x80, s12, s14, $0xb8;
	[tilespmem:$0x1D080] =	vst v63  }
0xcd: {  	_ =	swait.ge [sflag:s5], $0x1400  }
0xce: {  	[sflag:s5] =	ssyncset.done $0x0  }
0xcf: {  	s12 =	simm.s32 $0x0;
	[sflag:s5] =	ssyncadd.s32 $0xFFFFEC00  }
0xd0: {  	v7 =	vld [tilespmem:s12+$0x7000]  }
0xd1: {  	v12 =	vld [tilespmem:s12+$0x7010]  }
0xd2: {  	v6 =	vld [tilespmem:s12+$0x7020]  }
0xd3: {  	v5 =	vld [tilespmem:s12+$0x7030]  }
0xd4: {  	v4 =	vld [tilespmem:s12+$0x7040]  }
0xd5: {  	v3 =	vld [tilespmem:s12+$0x7050]  }
0xd6: {  	v2 =	vld [tilespmem:s12+$0x7060]  }
0xd7: {  	v1 =	vld [tilespmem:s12+$0x7070]  }
0xd8: {  	v13 =	vld [tilespmem:s12+$0x4800]  }
0xd9: {  	v14 =	vld [tilespmem:s12+$0x4810]  }
0xda: {  	v11 =	vld [tilespmem:s12+$0x4820]  }
0xdb: {  	v10 =	vld [tilespmem:s12+$0x4830]  }
0xdc: {  	v9 =	vld [tilespmem:s12+$0x4840]  }
0xdd: {  	v8 =	vld [tilespmem:s12+$0x4850];
	v13 =	vadd.f32 v7, v13  }
0xde: {  	s14 =	simm.s32 $0x200;
	v12 =	vadd.f32 v12, v14;
	v7 =	vld [tilespmem:s12+$0x4860]  }
.LBB2_10:
0xdf: {  	s18 =	sshra.s32 s14, $0x2;
	p2 =	sne.s32 s14, $0x4E00;
	v13 =	vmax.f32 v13, $0.0e+00;
	v6 =	vadd.f32 v6, v11;
	v11 =	vld [tilespmem:s12+$0x4870]  }
0xe0: {  	v14 =	vld [tilespmem:s18+$0x7000];
	[tilespmem:s12+$0x4800] =	vst v13;
	v12 =	vmax.f32 v12, $0.0e+00;
	v5 =	vadd.f32 v5, v10  }
0xe1: {  	v15 =	vld [tilespmem:s18+$0x7010];
	[tilespmem:s12+$0x4810] =	vst v12;
	v10 =	vmax.f32 v6, $0.0e+00;
	v4 =	vadd.f32 v4, v9  }
0xe2: {  	v6 =	vld [tilespmem:s18+$0x7020];
	[tilespmem:s12+$0x4820] =	vst v10;
	v9 =	vmax.f32 v5, $0.0e+00;
	v3 =	vadd.f32 v3, v8  }
0xe3: {  	v5 =	vld [tilespmem:s18+$0x7030];
	[tilespmem:s12+$0x4830] =	vst v9;
	v8 =	vmax.f32 v4, $0.0e+00;
	v2 =	vadd.f32 v2, v7  }
0xe4: {  	v4 =	vld [tilespmem:s18+$0x7040];
	[tilespmem:s12+$0x4840] =	vst v8;
	v7 =	vmax.f32 v3, $0.0e+00;
	v1 =	vadd.f32 v1, v11  }
0xe5: {  	v3 =	vld [tilespmem:s18+$0x7050];
	[tilespmem:s12+$0x4850] =	vst v7;
	v7 =	vmax.f32 v2, $0.0e+00  }
0xe6: {  	v2 =	vld [tilespmem:s18+$0x7060];
	[tilespmem:s12+$0x4860] =	vst v7;
	v7 =	vmax.f32 v1, $0.0e+00  }
0xe7: {  	v1 =	vld [tilespmem:s18+$0x7070];
	[tilespmem:s12+$0x4870] =	vst v7;
	s12 =	smov.u32 s18  }
0xe8: {  	v7 =	vld [tilespmem:s12+$0x4800]  }
0xe9: {  	v12 =	vld [tilespmem:s12+$0x4810]  }
.Ltmp3:
0xea: {  	v11 =	vld [tilespmem:s12+$0x4820];
	(pc) =	sbr.rel @p2 .LBB2_10-.Ltmp3, $4  }
0xeb: {  	v10 =	vld [tilespmem:s12+$0x4830]  }
0xec: {  	v9 =	vld [tilespmem:s12+$0x4840]  }
0xed: {  	v13 =	vadd.f32 v14, v7;
	v8 =	vld [tilespmem:s12+$0x4850]  }
0xee: {  	s14 =	sadd.s32 $0x200, s14;
	v12 =	vadd.f32 v15, v12;
	v7 =	vld [tilespmem:s12+$0x4860]  }
0xef: {  	v13 =	vmax.f32 v13, $0.0e+00;
	v6 =	vadd.f32 v6, v11;
	v11 =	vld [tilespmem:s12+$0x4870]  }
0xf0: {  	[tilespmem:s12+$0x4800] =	vst v13;
	v12 =	vmax.f32 v12, $0.0e+00;
	v5 =	vadd.f32 v5, v10  }
0xf1: {  	[tilespmem:s12+$0x4810] =	vst v12;
	v6 =	vmax.f32 v6, $0.0e+00;
	v4 =	vadd.f32 v4, v9  }
0xf2: {  	s14 =	sadd.s32 @!p1 s2, s8;
	[tilespmem:s12+$0x4820] =	vst v6;
	v5 =	vmax.f32 v5, $0.0e+00;
	v3 =	vadd.f32 v3, v8  }
0xf3: {  	s14 =	smul.u32 @!p1 $0x50, s14;
	[tilespmem:s12+$0x4830] =	vst v5;
	v4 =	vmax.f32 v4, $0.0e+00;
	v2 =	vadd.f32 v2, v7  }
0xf4: {  	[tilespmem:s12+$0x4840] =	vst v4;
	v3 =	vmax.f32 v3, $0.0e+00;
	v1 =	vadd.f32 v1, v11  }
0xf5: {  	s14 =	sadd.s32 @!p1 s17, s14;
	[tilespmem:s12+$0x4850] =	vst v3;
	v2 =	vmax.f32 v2, $0.0e+00  }
0xf6: {  	s14 =	sshll.u32 @!p1 s14, $0x4;
	[tilespmem:s12+$0x4860] =	vst v2;
	v1 =	vmax.f32 v1, $0.0e+00  }
0xf7: {  	s18 =	simm.s32 @!p1 $0x7000;
	[tilespmem:s12+$0x4870] =	vst v1;
	s12 =	sadd.s32 @!p1 s4, s14;
	s14 =	simm.s32 @!p1 $0x0  }
0xf8: {  	[tilespmem:s18], [sflag:$0x3] =	stream.linear.gather @!p1 [hbm4b:s12+s14], $0x1400, $0x38;
	[tilespmem:$0x1D080] =	vst v63  }
0xf9: {  	_ =	swait.ge [sflag:s9], $0x1400  }
0xfa: {  	[sflag:s9] =	ssyncset.done $0x0  }
0xfb: {  	s12 =	simm.s32 $0x0;
	[sflag:s9] =	ssyncadd.s32 $0xFFFFEC00  }
0xfc: {  	v7 =	vld [tilespmem:s12+$0x8400]  }
0xfd: {  	v12 =	vld [tilespmem:s12+$0x8410]  }
0xfe: {  	v6 =	vld [tilespmem:s12+$0x8420]  }
0xff: {  	v5 =	vld [tilespmem:s12+$0x8430]  }
0x100: {  	v4 =	vld [tilespmem:s12+$0x8440]  }
0x101: {  	v3 =	vld [tilespmem:s12+$0x8450]  }
0x102: {  	v2 =	vld [tilespmem:s12+$0x8460]  }
0x103: {  	v1 =	vld [tilespmem:s12+$0x8470]  }
0x104: {  	v13 =	vld [tilespmem:s12+$0x5C00]  }
0x105: {  	v14 =	vld [tilespmem:s12+$0x5C10]  }
0x106: {  	v11 =	vld [tilespmem:s12+$0x5C20]  }
0x107: {  	v10 =	vld [tilespmem:s12+$0x5C30]  }
0x108: {  	v9 =	vld [tilespmem:s12+$0x5C40]  }
0x109: {  	v8 =	vld [tilespmem:s12+$0x5C50];
	v13 =	vadd.f32 v7, v13  }
0x10a: {  	s14 =	simm.s32 $0x200;
	v12 =	vadd.f32 v12, v14;
	v7 =	vld [tilespmem:s12+$0x5C60]  }
.LBB2_12:
0x10b: {  	s18 =	sshra.s32 s14, $0x2;
	p2 =	sne.s32 s14, $0x4E00;
	v13 =	vmax.f32 v13, $0.0e+00;
	v6 =	vadd.f32 v6, v11;
	v11 =	vld [tilespmem:s12+$0x5C70]  }
0x10c: {  	v14 =	vld [tilespmem:s18+$0x8400];
	[tilespmem:s12+$0x5C00] =	vst v13;
	v12 =	vmax.f32 v12, $0.0e+00;
	v5 =	vadd.f32 v5, v10  }
0x10d: {  	v15 =	vld [tilespmem:s18+$0x8410];
	[tilespmem:s12+$0x5C10] =	vst v12;
	v10 =	vmax.f32 v6, $0.0e+00;
	v4 =	vadd.f32 v4, v9  }
0x10e: {  	v6 =	vld [tilespmem:s18+$0x8420];
	[tilespmem:s12+$0x5C20] =	vst v10;
	v9 =	vmax.f32 v5, $0.0e+00;
	v3 =	vadd.f32 v3, v8  }
0x10f: {  	v5 =	vld [tilespmem:s18+$0x8430];
	[tilespmem:s12+$0x5C30] =	vst v9;
	v8 =	vmax.f32 v4, $0.0e+00;
	v2 =	vadd.f32 v2, v7  }
0x110: {  	v4 =	vld [tilespmem:s18+$0x8440];
	[tilespmem:s12+$0x5C40] =	vst v8;
	v7 =	vmax.f32 v3, $0.0e+00;
	v1 =	vadd.f32 v1, v11  }
0x111: {  	v3 =	vld [tilespmem:s18+$0x8450];
	[tilespmem:s12+$0x5C50] =	vst v7;
	v7 =	vmax.f32 v2, $0.0e+00  }
0x112: {  	v2 =	vld [tilespmem:s18+$0x8460];
	[tilespmem:s12+$0x5C60] =	vst v7;
	v7 =	vmax.f32 v1, $0.0e+00  }
0x113: {  	v1 =	vld [tilespmem:s18+$0x8470];
	[tilespmem:s12+$0x5C70] =	vst v7;
	s12 =	smov.u32 s18  }
0x114: {  	v7 =	vld [tilespmem:s12+$0x5C00]  }
0x115: {  	v12 =	vld [tilespmem:s12+$0x5C10]  }
.Ltmp4:
0x116: {  	v11 =	vld [tilespmem:s12+$0x5C20];
	(pc) =	sbr.rel @p2 .LBB2_12-.Ltmp4, $4  }
0x117: {  	v10 =	vld [tilespmem:s12+$0x5C30]  }
0x118: {  	v9 =	vld [tilespmem:s12+$0x5C40]  }
0x119: {  	v13 =	vadd.f32 v14, v7;
	v8 =	vld [tilespmem:s12+$0x5C50]  }
0x11a: {  	s14 =	sadd.s32 $0x200, s14;
	v12 =	vadd.f32 v15, v12;
	v7 =	vld [tilespmem:s12+$0x5C60]  }
0x11b: {  	v13 =	vmax.f32 v13, $0.0e+00;
	v6 =	vadd.f32 v6, v11;
	v63 =	vld [tilespmem:s12+$0x5C70]  }
0x11c: {  	[tilespmem:s12+$0x5C00] =	vst v13;
	v12 =	vmax.f32 v12, $0.0e+00;
	v5 =	vadd.f32 v5, v10  }
0x11d: {  	[tilespmem:s12+$0x5C10] =	vst v12;
	v6 =	vmax.f32 v6, $0.0e+00;
	v4 =	vadd.f32 v4, v9  }
0x11e: {  	[tilespmem:s12+$0x5C20] =	vst v6;
	v5 =	vmax.f32 v5, $0.0e+00;
	v3 =	vadd.f32 v3, v8  }
.Ltmp5:
0x11f: {  	[tilespmem:s12+$0x5C30] =	vst v5;
	v4 =	vmax.f32 v4, $0.0e+00;
	v2 =	vadd.f32 v2, v7;
	(pc) =	sbr.rel @p1 .LBB2_15-.Ltmp5, $4  }
0x120: {  	[tilespmem:s12+$0x5C40] =	vst v4;
	v3 =	vmax.f32 v3, $0.0e+00;
	v1 =	vadd.f32 v1, v63  }
0x121: {  	[tilespmem:s12+$0x5C50] =	vst v3;
	v2 =	vmax.f32 v2, $0.0e+00  }
0x122: {  	[tilespmem:s12+$0x5C60] =	vst v2;
	v1 =	vmax.f32 v1, $0.0e+00  }
0x123: {  	s3 =	sadd.s32 $0x1000, s3;
	[tilespmem:s12+$0x5C70] =	vst v1  }
0x124: {  	s2 =	sadd.s32 s2, s8  }
0x125: {  	s2 =	smul.u32 $0x50, s2;
	_ =	sdelay $0x1  }
0x126: {  	s2 =	sadd.s32 s17, s2  }
.Ltmp6:
0x127: {  	s2 =	sshll.u32 s2, $0x4;
	(pc) =	sbr.rel .LBB2_5-.Ltmp6, $4  }
0x128: {  	s2 =	sadd.s32 s2, s19  }
0x129: {  	[tilespmem:s30], [sflag:$0x4] =	stream.linear.gather [hbm4b:s2+s7], $0x1400, $0x38;
	[tilespmem:$0x1D080] =	vst v63  }
0x12a: {  	s15 =	sadd.s32 $0x1, s15  }
0x12b: {  	[spmem:s6] =	stream.indirect.scatter.add.f32 [tilespmem:s0], [sflag:$0x6], $0x80, s3, s28, $0xb8;
	[tilespmem:$0x1D080] =	vst v63  }
.LBB2_15:
0x12c: {  	[spmem:s6] =	stream.indirect.scatter.add.f32 [tilespmem:s0], [sflag:$0x6], $0x80, s3, s28, $0xb8;
	[tilespmem:$0x1D080] =	vst v63  }
0x12d: {  	s2 =	simm.s32 $0xC00;
	s23 =	sadd.s32 s23, s20  }
0x12e: {  	[tilespmem:s24], [sflag:$0x1] =	stream.indirect.gather [hbm4b:s1+s28], $0x80, s2, s28, $0xb8;
	[tilespmem:$0x1D080] =	vst v63  }
0x12f: {  	s2 =	sshll.u32 s23, $0x4  }
0x130: {  	s8 =	simm.s32 $0x0;
	s26 =	sadd.s32 s4, s2  }
0x131: {  	[tilespmem:s29], [sflag:$0x3] =	stream.linear.gather [hbm4b:s26+s8], $0x1400, $0x38;
	[tilespmem:$0x1D080] =	vst v63  }
0x132: {  	s2 =	sadd.s32 s2, s19  }
0x133: {  	[tilespmem:s30], [sflag:$0x4] =	stream.linear.gather [hbm4b:s2+s8], $0x1400, $0x38;
	[tilespmem:$0x1D080] =	vst v63  }
0x134: {  	_ =	swait.ge [sflag:s13], $0x2800  }
0x135: {  	[sflag:s13] =	ssyncset.done $0x0  }
0x136: {  	[sflag:s13] =	ssyncadd.s32 $0xFFFFD800  }
0x137: {  	_ =	swait.ge [sflag:s31], $0x2800  }
0x138: {  	[sflag:s31] =	ssyncset.done $0x0  }
0x139: {  	[sflag:s31] =	ssyncadd.s32 $0xFFFFD800  }
0x13a: {  	_ =	swait.ge [sflag:s5], $0x1400  }
0x13b: {  	[sflag:s5] =	ssyncset.done $0x0  }
0x13c: {  	s2 =	simm.s32 $0x0;
	[sflag:s5] =	ssyncadd.s32 $0xFFFFEC00  }
0x13d: {  	v7 =	vld [tilespmem:s2+$0x7000]  }
0x13e: {  	v12 =	vld [tilespmem:s2+$0x7010]  }
0x13f: {  	v6 =	vld [tilespmem:s2+$0x7020]  }
0x140: {  	v5 =	vld [tilespmem:s2+$0x7030]  }
0x141: {  	v4 =	vld [tilespmem:s2+$0x7040]  }
0x142: {  	v3 =	vld [tilespmem:s2+$0x7050]  }
0x143: {  	v2 =	vld [tilespmem:s2+$0x7060]  }
0x144: {  	v1 =	vld [tilespmem:s2+$0x7070]  }
0x145: {  	v13 =	vld [tilespmem:s2+$0x2000]  }
0x146: {  	v14 =	vld [tilespmem:s2+$0x2010]  }
0x147: {  	v11 =	vld [tilespmem:s2+$0x2020]  }
0x148: {  	v10 =	vld [tilespmem:s2+$0x2030]  }
0x149: {  	v9 =	vld [tilespmem:s2+$0x2040]  }
0x14a: {  	v8 =	vld [tilespmem:s2+$0x2050];
	v13 =	vadd.f32 v7, v13  }
0x14b: {  	s3 =	simm.s32 $0x200;
	v12 =	vadd.f32 v12, v14;
	v7 =	vld [tilespmem:s2+$0x2060]  }
.LBB2_16:
0x14c: {  	s8 =	sshra.s32 s3, $0x2;
	p1 =	sne.s32 s3, $0x4E00;
	v13 =	vmax.f32 v13, $0.0e+00;
	v6 =	vadd.f32 v6, v11;
	v11 =	vld [tilespmem:s2+$0x2070]  }
0x14d: {  	v14 =	vld [tilespmem:s8+$0x7000];
	[tilespmem:s2+$0x2000] =	vst v13;
	v12 =	vmax.f32 v12, $0.0e+00;
	v5 =	vadd.f32 v5, v10  }
0x14e: {  	v15 =	vld [tilespmem:s8+$0x7010];
	[tilespmem:s2+$0x2010] =	vst v12;
	v10 =	vmax.f32 v6, $0.0e+00;
	v4 =	vadd.f32 v4, v9  }
0x14f: {  	v6 =	vld [tilespmem:s8+$0x7020];
	[tilespmem:s2+$0x2020] =	vst v10;
	v9 =	vmax.f32 v5, $0.0e+00;
	v3 =	vadd.f32 v3, v8  }
0x150: {  	v5 =	vld [tilespmem:s8+$0x7030];
	[tilespmem:s2+$0x2030] =	vst v9;
	v8 =	vmax.f32 v4, $0.0e+00;
	v2 =	vadd.f32 v2, v7  }
0x151: {  	v4 =	vld [tilespmem:s8+$0x7040];
	[tilespmem:s2+$0x2040] =	vst v8;
	v7 =	vmax.f32 v3, $0.0e+00;
	v1 =	vadd.f32 v1, v11  }
0x152: {  	v3 =	vld [tilespmem:s8+$0x7050];
	[tilespmem:s2+$0x2050] =	vst v7;
	v7 =	vmax.f32 v2, $0.0e+00  }
0x153: {  	v2 =	vld [tilespmem:s8+$0x7060];
	[tilespmem:s2+$0x2060] =	vst v7;
	v7 =	vmax.f32 v1, $0.0e+00  }
0x154: {  	v1 =	vld [tilespmem:s8+$0x7070];
	[tilespmem:s2+$0x2070] =	vst v7;
	s2 =	smov.u32 s8  }
0x155: {  	v7 =	vld [tilespmem:s2+$0x2000]  }
0x156: {  	v12 =	vld [tilespmem:s2+$0x2010]  }
.Ltmp7:
0x157: {  	v11 =	vld [tilespmem:s2+$0x2020];
	(pc) =	sbr.rel @p1 .LBB2_16-.Ltmp7, $4  }
0x158: {  	v10 =	vld [tilespmem:s2+$0x2030]  }
0x159: {  	v9 =	vld [tilespmem:s2+$0x2040]  }
0x15a: {  	v13 =	vadd.f32 v14, v7;
	v8 =	vld [tilespmem:s2+$0x2050]  }
0x15b: {  	s3 =	sadd.s32 $0x200, s3;
	v12 =	vadd.f32 v15, v12;
	v7 =	vld [tilespmem:s2+$0x2060]  }
0x15c: {  	v13 =	vmax.f32 v13, $0.0e+00;
	v6 =	vadd.f32 v6, v11;
	v11 =	vld [tilespmem:s2+$0x2070]  }
0x15d: {  	[tilespmem:s2+$0x2000] =	vst v13;
	v12 =	vmax.f32 v12, $0.0e+00;
	v5 =	vadd.f32 v5, v10  }
0x15e: {  	[tilespmem:s2+$0x2010] =	vst v12;
	v6 =	vmax.f32 v6, $0.0e+00;
	v4 =	vadd.f32 v4, v9  }
0x15f: {  	[tilespmem:s2+$0x2020] =	vst v6;
	v5 =	vmax.f32 v5, $0.0e+00;
	v3 =	vadd.f32 v3, v8  }
0x160: {  	[tilespmem:s2+$0x2030] =	vst v5;
	v4 =	vmax.f32 v4, $0.0e+00;
	v2 =	vadd.f32 v2, v7  }
0x161: {  	[tilespmem:s2+$0x2040] =	vst v4;
	v3 =	vmax.f32 v3, $0.0e+00;
	v1 =	vadd.f32 v1, v11  }
0x162: {  	[tilespmem:s2+$0x2050] =	vst v3;
	v2 =	vmax.f32 v2, $0.0e+00  }
0x163: {  	[tilespmem:s2+$0x2060] =	vst v2;
	v1 =	vmax.f32 v1, $0.0e+00  }
0x164: {  	[tilespmem:s2+$0x2070] =	vst v1  }
0x165: {  	_ =	swait.ge [sflag:s9], $0x1400  }
0x166: {  	[sflag:s9] =	ssyncset.done $0x0  }
0x167: {  	s2 =	simm.s32 $0x0;
	[sflag:s9] =	ssyncadd.s32 $0xFFFFEC00  }
0x168: {  	v7 =	vld [tilespmem:s2+$0x8400]  }
0x169: {  	v12 =	vld [tilespmem:s2+$0x8410]  }
0x16a: {  	v6 =	vld [tilespmem:s2+$0x8420]  }
0x16b: {  	v5 =	vld [tilespmem:s2+$0x8430]  }
0x16c: {  	v4 =	vld [tilespmem:s2+$0x8440]  }
0x16d: {  	v3 =	vld [tilespmem:s2+$0x8450]  }
0x16e: {  	v2 =	vld [tilespmem:s2+$0x8460]  }
0x16f: {  	v1 =	vld [tilespmem:s2+$0x8470]  }
0x170: {  	v13 =	vld [tilespmem:s2+$0x3400]  }
0x171: {  	v14 =	vld [tilespmem:s2+$0x3410]  }
0x172: {  	v11 =	vld [tilespmem:s2+$0x3420]  }
0x173: {  	v10 =	vld [tilespmem:s2+$0x3430]  }
0x174: {  	v9 =	vld [tilespmem:s2+$0x3440]  }
0x175: {  	v8 =	vld [tilespmem:s2+$0x3450];
	v13 =	vadd.f32 v7, v13  }
0x176: {  	s3 =	simm.s32 $0x200;
	v12 =	vadd.f32 v12, v14;
	v7 =	vld [tilespmem:s2+$0x3460]  }
.LBB2_18:
0x177: {  	s8 =	sshra.s32 s3, $0x2;
	p1 =	sne.s32 s3, $0x4E00;
	v13 =	vmax.f32 v13, $0.0e+00;
	v6 =	vadd.f32 v6, v11;
	v11 =	vld [tilespmem:s2+$0x3470]  }
0x178: {  	v14 =	vld [tilespmem:s8+$0x8400];
	[tilespmem:s2+$0x3400] =	vst v13;
	v12 =	vmax.f32 v12, $0.0e+00;
	v5 =	vadd.f32 v5, v10  }
0x179: {  	v15 =	vld [tilespmem:s8+$0x8410];
	[tilespmem:s2+$0x3410] =	vst v12;
	v10 =	vmax.f32 v6, $0.0e+00;
	v4 =	vadd.f32 v4, v9  }
0x17a: {  	v6 =	vld [tilespmem:s8+$0x8420];
	[tilespmem:s2+$0x3420] =	vst v10;
	v9 =	vmax.f32 v5, $0.0e+00;
	v3 =	vadd.f32 v3, v8  }
0x17b: {  	v5 =	vld [tilespmem:s8+$0x8430];
	[tilespmem:s2+$0x3430] =	vst v9;
	v8 =	vmax.f32 v4, $0.0e+00;
	v2 =	vadd.f32 v2, v7  }
0x17c: {  	v4 =	vld [tilespmem:s8+$0x8440];
	[tilespmem:s2+$0x3440] =	vst v8;
	v7 =	vmax.f32 v3, $0.0e+00;
	v1 =	vadd.f32 v1, v11  }
0x17d: {  	v3 =	vld [tilespmem:s8+$0x8450];
	[tilespmem:s2+$0x3450] =	vst v7;
	v7 =	vmax.f32 v2, $0.0e+00  }
0x17e: {  	v2 =	vld [tilespmem:s8+$0x8460];
	[tilespmem:s2+$0x3460] =	vst v7;
	v7 =	vmax.f32 v1, $0.0e+00  }
0x17f: {  	v1 =	vld [tilespmem:s8+$0x8470];
	[tilespmem:s2+$0x3470] =	vst v7;
	s2 =	smov.u32 s8  }
0x180: {  	v7 =	vld [tilespmem:s2+$0x3400]  }
0x181: {  	v12 =	vld [tilespmem:s2+$0x3410]  }
.Ltmp8:
0x182: {  	v11 =	vld [tilespmem:s2+$0x3420];
	(pc) =	sbr.rel @p1 .LBB2_18-.Ltmp8, $4  }
0x183: {  	v10 =	vld [tilespmem:s2+$0x3430]  }
0x184: {  	v9 =	vld [tilespmem:s2+$0x3440]  }
0x185: {  	v13 =	vadd.f32 v14, v7;
	v8 =	vld [tilespmem:s2+$0x3450]  }
0x186: {  	s3 =	sadd.s32 $0x200, s3;
	v12 =	vadd.f32 v15, v12;
	v7 =	vld [tilespmem:s2+$0x3460]  }
0x187: {  	v13 =	vmax.f32 v13, $0.0e+00;
	v6 =	vadd.f32 v6, v11;
	v63 =	vld [tilespmem:s2+$0x3470]  }
0x188: {  	[tilespmem:s2+$0x3400] =	vst v13;
	v12 =	vmax.f32 v12, $0.0e+00;
	v5 =	vadd.f32 v5, v10  }
0x189: {  	[tilespmem:s2+$0x3410] =	vst v12;
	v6 =	vmax.f32 v6, $0.0e+00;
	v4 =	vadd.f32 v4, v9  }
0x18a: {  	[tilespmem:s2+$0x3420] =	vst v6;
	v5 =	vmax.f32 v5, $0.0e+00;
	v3 =	vadd.f32 v3, v8  }
0x18b: {  	[tilespmem:s2+$0x3430] =	vst v5;
	v4 =	vmax.f32 v4, $0.0e+00;
	v2 =	vadd.f32 v2, v7  }
0x18c: {  	[tilespmem:s2+$0x3440] =	vst v4;
	v3 =	vmax.f32 v3, $0.0e+00;
	v1 =	vadd.f32 v1, v63  }
0x18d: {  	s22 =	sadd.s32 $0x1, s22;
	[tilespmem:s2+$0x3450] =	vst v3;
	v2 =	vmax.f32 v2, $0.0e+00  }
0x18e: {  	p1 =	sne.s32 s22, $0x5;
	[tilespmem:s2+$0x3460] =	vst v2;
	v1 =	vmax.f32 v1, $0.0e+00  }
.Ltmp9:
0x18f: {  	s26 =	simm.s32 $0x1C00;
	[tilespmem:s2+$0x3470] =	vst v1;
	(pc) =	sbr.rel @p1 .LBB2_4-.Ltmp9, $4  }
0x190: {  	[spmem:s6] =	stream.indirect.scatter.add.f32 [tilespmem:s24], [sflag:$0x5], $0x80, s26, s28, $0xb8;
	[tilespmem:$0x1D080] =	vst v63  }
0x191: {  	_ =	swait.ge [sflag:s11], $0x2800  }
0x192: {  	[sflag:s11] =	ssyncset.done $0x0  }
0x193: {  	[sflag:s11] =	ssyncadd.s32 $0xFFFFD800  }
0x194: {  	s2 =	stileid.u32;
	[bflag:$0x0] =	sbarrier.arrive $0xFFFF  }
0x195: {  	s2 =	sshll.u32 s2, $0x6;
	s12 =	rddreg [dreg:$0x6]  }
0x196: {  	s8 =	rddreg [dreg:$0x10];
	s2 =	sor.u32 $0x1C07, s2;
	s3 =	sshrl.u32 s12, $0x3  }
0x197: {  	[hbm:s8], [sflag:s2] =	dma.local [spmem:s3], $0x2700  }
0x198: {  	_ =	swait.ge [sflag:s25], $0x2700  }
0x199: {  	[sflag:s25] =	ssyncset.done $0x0;
	s14 =	rddreg [dreg:$0xe]  }
0x19a: {  	s8 =	rddreg [dreg:$0x11];
	[sflag:s25] =	ssyncadd.s32 $0xFFFFD900;
	s3 =	sshrl.u32 @!p0 s14, $0x3  }
0x19b: {  	[hbm:s8], [sflag:s2] =	dma.local @!p0 [spmem:s3], $0x100  }
0x19c: {  	s2 =	simm.s32 @!p0 $0x7  }
0x19d: {  	_ =	swait.ge @!p0 [sflag:s2], $0x100  }
0x19e: {  	s23 =	rddreg [dreg:$0x13]  }
0x19f: {  	s26 =	rddreg [dreg:$0x12];
	s8 =	sadd.s32 $0x1, s23  }
0x1a0: {  	p1 =	sne.s32 s8, s26  }
.Ltmp10:
0x1a1: {  	_ = 	snop;
	(pc) =	sbr.rel @p1 .LBB2_1-.Ltmp10, $3  }
0x1a2: {  	_ =	sdelay $0x1  }
0x1a3: {  	[sflag:s2] =	ssyncset.done @!p0 $0x0  }
0x1a4: {  	[sflag:s2] =	ssyncadd.s32 @!p0 $0xFFFFFF00  }
0x1a5: {  	_ =	sfence.sel $0x180000  }
0x1a6: {  	[bflag:$0x0] =	sbarrier.arrive $0xFFFF  }
0x1a7: {  	_ =	strace $0x90000047  }
0x1a8: {  	s0 =	stileid.u32;
	[bflag:$0x2] =	sbarrier.arrive $0xFFFF  }
0x1a9: {  	p0 =	sne.s32 s0, $0x0;
	s0 =	rddreg [dreg:$0x5]  }
0x1aa: {  	s0 =	sadd.s32 @!p0 $0x100000, s0  }
0x1ab: {  	[sflag:s0] =	ssyncadd.tile.s32 @!p0 $0x1;
	_ =	shalt  }
.Lfunc_end2:
_tile_overlayer_lowered:
.L_overlay_start_2:
0x1ac: {  	(tag) =	ssettag $0x2  }
0x1ad: {  	s0 =	rddreg [dreg:$0x0];
	s2 =	stileid.u32  }
0x1ae: {  	s1 =	rddreg [dreg:$0x1];
	p0 =	sne.s32 s2, $0x0  }
0x1af: {  	s3 =	rddreg [dreg:$0x2];
	[bflag:$0x3] =	sbarrier.arrive $0xFFFF;
	s2 =	simm.s32 @!p0 $0x1C07  }
0x1b0: {  	[timem:s3], [sflag:s2] =	dma.local @!p0 [hbm:s0], s1  }
0x1b1: {  	s0 =	simm.s32 @!p0 $0x7  }
0x1b2: {  	_ =	swait.ge @!p0 [sflag:s0], s1  }
0x1b3: {  	s1 =	ssub.s32 @!p0 $0x0, s1;
	[sflag:s0] =	ssyncset.done @!p0 $0x0  }
0x1b4: {  	[sflag:s0] =	ssyncadd.s32 @!p0 s1  }
0x1b5: {  	[bflag:$0x3] =	sbarrier.arrive $0xFFFF  }
0x1b6: {  	_ =	shalt  }

</sc_bundles>
